<compile_context>
chip_gen: v7x
topology: tpu7x:2x2x1
jax: 0.10.2.dev20260603
libtpu: 0.0.44.dev20260713+nightly
codegen_flags: <defaults>
</compile_context>

<pallas_src>
import functools

import jax
import jax.numpy as jnp
from jax import lax
from jax.experimental import pallas as pl
from jax.experimental.pallas import tpu as pltpu
from jax.experimental.pallas import tpu_sc as plsc

N = 10000
E = 320000
D = 128

CHUNK = 96
NC0 = 156
NC1 = 56
E_PAIR = CHUNK * (NC0 + NC1)
E_PAD = 16 * E_PAIR
CORE1_BASE = 16 * NC0 * CHUNK
N_ACC = 10112
ROWS_PER_TILE = N_ACC // 16
N_PAD_ROWS = N_ACC - N


def _emb_body(a_ref, we_ref, be_ref, out_ref):
    out_ref[...] = (
        jnp.dot(a_ref[...], we_ref[...], preferred_element_type=jnp.float32)
        + be_ref[...]
    )


def _edge_encoder(edge_attr_pad, We_pad, be):
    blk = 1024
    grid = E_PAD // blk
    return pl.pallas_call(
        _emb_body,
        grid=(grid,),
        in_specs=[
            pl.BlockSpec((blk, 8), lambda i: (i, 0)),
            pl.BlockSpec((8, D), lambda i: (0, 0)),
            pl.BlockSpec((1, D), lambda i: (0, 0)),
        ],
        out_specs=pl.BlockSpec((blk, D), lambda i: (i, 0)),
        out_shape=jax.ShapeDtypeStruct((E_PAD, D), jnp.float32),
    )(edge_attr_pad, We_pad, be.reshape(1, D))


def _sc_body(node_hbm, emb_hbm, src_hbm, dst_hbm, out_hbm,
             acc, srci, dsti, xjv, embv, gsems, esems, dsems, ssems, isems):
    cid = lax.axis_index("c")
    sid = lax.axis_index("s")

    def _zero_row(r, _):
        for d in range(8):
            embv[0, r, pl.ds(16 * d, 16)] = jnp.zeros((16,), jnp.float32)
        return 0

    lax.fori_loop(0, CHUNK, _zero_row, 0)
    row_base = sid * ROWS_PER_TILE
    for b in range(ROWS_PER_TILE // CHUNK):
        pltpu.sync_copy(embv.at[0], acc.at[pl.ds(row_base + b * CHUNK, CHUNK)])
    pltpu.sync_copy(
        embv.at[0], acc.at[pl.ds(row_base + ROWS_PER_TILE - CHUNK, CHUNK)])
    plsc.subcore_barrier()

    n_chunks = jnp.where(cid == 0, NC0, NC1)
    base = jnp.where(cid == 0, sid * (NC0 * CHUNK),
                     CORE1_BASE + sid * (NC1 * CHUNK))

    def _fire_srci(g, buf):
        off = pl.multiple_of(base + g * CHUNK, CHUNK)
        pltpu.async_copy(src_hbm.at[pl.ds(off, CHUNK)], srci.at[buf],
                         isems.at[buf])

    def _fire_loads(g, buf):
        off = pl.multiple_of(base + g * CHUNK, CHUNK)
        pltpu.make_async_copy(src_hbm.at[pl.ds(0, CHUNK)], srci.at[buf],
                              isems.at[buf]).wait()
        pltpu.async_copy(node_hbm.at[srci.at[buf]], xjv.at[buf], gsems.at[buf])
        pltpu.async_copy(emb_hbm.at[pl.ds(off, CHUNK)], embv.at[buf],
                         esems.at[buf])
        pltpu.async_copy(dst_hbm.at[pl.ds(off, CHUNK)], dsti.at[buf],
                         dsems.at[buf])

    def _wait_scatter(buf):
        pltpu.make_async_copy(xjv.at[buf], acc.at[dsti.at[buf]],
                              ssems.at[buf]).wait()

    def _half(g, buf):
        nbuf = 1 - buf

        @pl.when(g >= 1)
        def _():
            _wait_scatter(nbuf)

        @pl.when(g < n_chunks - 1)
        def _():
            _fire_loads(g + 1, nbuf)

        pltpu.make_async_copy(node_hbm.at[srci.at[buf]], xjv.at[buf],
                              gsems.at[buf]).wait()
        pltpu.make_async_copy(emb_hbm.at[pl.ds(0, CHUNK)], embv.at[buf],
                              esems.at[buf]).wait()

        @pl.when(g < n_chunks - 2)
        def _():
            _fire_srci(g + 2, buf)

        @plsc.parallel_loop(0, CHUNK, 1, unroll=2)
        def _edge(e):
            for d in range(8):
                s = pl.ds(16 * d, 16)
                xjv[buf, e, s] = jnp.maximum(xjv[buf, e, s] + embv[buf, e, s],
                                             0.0)

        pltpu.make_async_copy(dst_hbm.at[pl.ds(0, CHUNK)], dsti.at[buf],
                              dsems.at[buf]).wait()
        pltpu.async_copy(xjv.at[buf], acc.at[dsti.at[buf]], ssems.at[buf],
                         add=True)

    pltpu.sync_copy(src_hbm.at[pl.ds(pl.multiple_of(base, CHUNK), CHUNK)],
                    srci.at[0])
    pltpu.async_copy(node_hbm.at[srci.at[0]], xjv.at[0], gsems.at[0])
    pltpu.async_copy(emb_hbm.at[pl.ds(pl.multiple_of(base, CHUNK), CHUNK)],
                     embv.at[0], esems.at[0])
    pltpu.async_copy(dst_hbm.at[pl.ds(pl.multiple_of(base, CHUNK), CHUNK)],
                     dsti.at[0], dsems.at[0])
    _fire_srci(1, 1)

    def _pair(k, _):
        _half(2 * k, 0)
        _half(2 * k + 1, 1)
        return 0

    lax.fori_loop(0, n_chunks // 2, _pair, 0)
    _wait_scatter(1)
    plsc.subcore_barrier()

    pltpu.sync_copy(acc.at[pl.ds(row_base, ROWS_PER_TILE)],
                    out_hbm.at[cid, pl.ds(row_base, ROWS_PER_TILE)])


def _sc_scatter(node_embed, emb, src, dst):
    mesh = plsc.VectorSubcoreMesh(core_axis_name="c", subcore_axis_name="s")
    f = pl.kernel(
        _sc_body,
        out_type=jax.ShapeDtypeStruct((2, N_ACC, D), jnp.float32),
        mesh=mesh,
        scratch_types=[
            pltpu.VMEM_SHARED((N_ACC, D), jnp.float32),
            pltpu.VMEM((2, CHUNK), jnp.int32),
            pltpu.VMEM((2, CHUNK), jnp.int32),
            pltpu.VMEM((2, CHUNK, D), jnp.float32),
            pltpu.VMEM((2, CHUNK, D), jnp.float32),
            pltpu.SemaphoreType.DMA((2,)),
            pltpu.SemaphoreType.DMA((2,)),
            pltpu.SemaphoreType.DMA((2,)),
            pltpu.SemaphoreType.DMA((2,)),
            pltpu.SemaphoreType.DMA((2,)),
        ],
    )
    return f(node_embed, emb, src, dst)


def _mlp_body(x_ref, v_ref, eps_ref, w1_ref, b1_ref, g_ref, bt_ref, w2_ref,
              b2_ref, out_ref):
    x = x_ref[...]
    v = v_ref[0, :N, :] + v_ref[1, :N, :]
    h = x * (1.0 + eps_ref[...]) + v
    z1 = jnp.dot(h, w1_ref[...], preferred_element_type=jnp.float32) + b1_ref[...]
    mean = jnp.mean(z1, axis=0, keepdims=True)
    var = jnp.mean((z1 - mean) ** 2, axis=0, keepdims=True)
    z1n = g_ref[...] * ((z1 - mean) / jnp.sqrt(var + 1e-5)) + bt_ref[...]
    z2 = jnp.maximum(z1n, 0.0)
    out_ref[...] = (
        jnp.dot(z2, w2_ref[...], preferred_element_type=jnp.float32) + b2_ref[...]
    )


def _mlp(node_embed, v, eps_param, W1, b1, gamma, beta, W2, b2):
    return pl.pallas_call(
        _mlp_body,
        out_shape=jax.ShapeDtypeStruct((N, D), jnp.float32),
    )(
        node_embed,
        v,
        eps_param.reshape(1, 1),
        W1,
        b1.reshape(1, 2 * D),
        gamma.reshape(1, 2 * D),
        beta.reshape(1, 2 * D),
        W2,
        b2.reshape(1, D),
    )


def kernel(node_embed, edge_index, edge_attr, We, be, W1, b1, gamma, beta, W2,
           b2, eps_param):
    n_pad = E_PAD - E
    src = jnp.pad(edge_index[1].astype(jnp.int32), (0, n_pad))
    pad_dst = N + jnp.arange(n_pad, dtype=jnp.int32) % N_PAD_ROWS
    dst = jnp.concatenate([edge_index[0].astype(jnp.int32), pad_dst])
    ea = jnp.pad(edge_attr, ((0, n_pad), (0, 1)))
    We_pad = jnp.pad(We, ((0, 1), (0, 0)))

    emb = _edge_encoder(ea, We_pad, be)
    v = _sc_scatter(node_embed, emb, src, dst)
    return _mlp(node_embed, v, eps_param, W1, b1, gamma, beta, W2, b2)

# --- scband reference (transcript-rebuilt; emitter-appended) ---
"""Pipeline reference for scband-gatlayer-37056977830466 (READ-ONLY COPY).

The authoritative reference and input builder live on the scoring server;
editing this copy changes nothing except your own understanding.
"""

import jax, jax.numpy as jnp
import numpy as np

N = 10000
E = 320000
D = 128

def setup_inputs(seed: int = 0) -> dict:
    key = jax.random.key(seed)
    ks = jax.random.split(key, 12)
    node_embed = jax.random.normal(ks[0], (N, D), dtype=jnp.float32)
    edge_index = jax.random.randint(ks[1], (2, E), 0, N, dtype=jnp.int64)
    edge_attr = jax.random.normal(ks[2], (E, 7), dtype=jnp.float32)
    # edge_encoder: Linear(7, emb_dim)
    We = jax.random.normal(ks[3], (7, D), dtype=jnp.float32) * (1.0 / np.sqrt(7))
    be = jnp.zeros((D,), dtype=jnp.float32)
    # mlp: Linear(D, 2D) -> BatchNorm1d(2D) -> ReLU -> Linear(2D, D)
    W1 = jax.random.normal(ks[4], (D, 2 * D), dtype=jnp.float32) * (1.0 / np.sqrt(D))
    b1 = jnp.zeros((2 * D,), dtype=jnp.float32)
    gamma = jnp.ones((2 * D,), dtype=jnp.float32)
    beta = jnp.zeros((2 * D,), dtype=jnp.float32)
    W2 = jax.random.normal(ks[5], (2 * D, D), dtype=jnp.float32) * (1.0 / np.sqrt(2 * D))
    b2 = jnp.zeros((D,), dtype=jnp.float32)
    eps_param = jnp.zeros((1,), dtype=jnp.float32)
    return {"node_embed": node_embed, "edge_index": edge_index, "edge_attr": edge_attr,
            "We": We, "be": be, "W1": W1, "b1": b1, "gamma": gamma, "beta": beta,
            "W2": W2, "b2": b2, "eps_param": eps_param}

def reference(node_embed, edge_index, edge_attr, We, be, W1, b1, gamma, beta, W2, b2, eps_param):
    # edge encoder
    edge_emb = edge_attr @ We + be
    # gather source node features (edge_index[1] = j)
    x_j = jnp.take(node_embed, edge_index[1], axis=0)
    x_j = jax.nn.relu(edge_emb + x_j)
    # scatter-add into destination nodes (edge_index[0])
    _v = jax.ops.segment_sum(x_j, edge_index[0], num_segments=node_embed.shape[0])
    h = (1.0 + eps_param[0]) * node_embed + _v
    # mlp: Linear -> BatchNorm1d (training-mode batch stats, eps=1e-5) -> ReLU -> Linear
    z1 = h @ W1 + b1
    mean = jnp.mean(z1, axis=0)
    var = jnp.mean((z1 - mean) ** 2, axis=0)  # biased variance as in PyTorch BN normalization
    z1n = (z1 - mean) / jnp.sqrt(var + 1e-5)
    z1n = gamma * z1n + beta
    z2 = jax.nn.relu(z1n)
    out = z2 @ W2 + b2
    return out

if __name__ == "__main__":
    import jax
    _d = setup_inputs()
    print(jax.jit(kernel)(*tuple(_d.values())))

</pallas_src>

<mosaic_0001>
#map = affine_map<(d0, d1) -> (0, 0)>
#map1 = affine_map<(d0, d1) -> (0)>
#map2 = affine_map<(d0, d1) -> (0, 0, 0)>
module attributes {stable_mosaic.version = 14 : i64} {
  func.func @_sc_body(%arg0: i32, %arg1: i32, %arg2: memref<10000x128xf32, #tpu.memory_space<hbm>>, %arg3: memref<325632x128xf32, #tpu.memory_space<hbm>>, %arg4: memref<325632xi32, #tpu.memory_space<hbm>>, %arg5: memref<325632xi32, #tpu.memory_space<hbm>>, %arg6: memref<2x10112x128xf32, #tpu.memory_space<hbm>>, %arg7: memref<10112x128xf32, #tpu.memory_space<vmem_shared>>, %arg8: memref<2x96xi32, #tpu.memory_space<vmem>>, %arg9: memref<2x96xi32, #tpu.memory_space<vmem>>, %arg10: memref<2x96x128xf32, #tpu.memory_space<vmem>>, %arg11: memref<2x96x128xf32, #tpu.memory_space<vmem>>, %arg12: memref<2x!tpu.dma_semaphore, #tpu.memory_space<semaphore_mem>>, %arg13: memref<2x!tpu.dma_semaphore, #tpu.memory_space<semaphore_mem>>, %arg14: memref<2x!tpu.dma_semaphore, #tpu.memory_space<semaphore_mem>>, %arg15: memref<2x!tpu.dma_semaphore, #tpu.memory_space<semaphore_mem>>, %arg16: memref<2x!tpu.dma_semaphore, #tpu.memory_space<semaphore_mem>>) attributes {dimension_semantics = [#tpu.dimension_semantics<core_parallel>, #tpu.dimension_semantics<subcore_parallel>], iteration_bounds = array<i64: 2, 16>, scalar_prefetch = 0 : i64, scratch_operands = 10 : i64, tpu.core_type = #tpu.core_type<sc_vector_subcore>, window_params = [{transform_indices = #map}, {transform_indices = #map}, {transform_indices = #map1}, {transform_indices = #map1}, {transform_indices = #map2}]} {
    %scan3A = arith.constant 0 : i32
    %scan3A_0 = arith.constant 0 : i32
    %scan3A_1 = arith.constant 96 : i32
    %scan3A_2 = arith.addi %scan3A_0, %scan3A_1 : i32
    %scan3A_3 = arith.constant 1 : i32
    %scan3A_4 = scf.for %scan3A_143 = %scan3A_0 to %scan3A_2 step %scan3A_3 iter_args(%scan3A_144 = %scan3A) -> (i32)  : i32 {
      %broadcast_in_dim3A = arith.constant 0.000000e+00 : f32
      %broadcast_in_dim3A_145 = vector.broadcast %broadcast_in_dim3A : f32 to vector<16xf32>
      %swap3A = arith.constant 0 : i32
      %swap3A_146 = arith.index_cast %swap3A : i32 to index
      %swap3A_147 = arith.index_cast %scan3A_143 : i32 to index
      %swap3A_148 = arith.constant 0 : index
      %swap3A_149 = tpu.vector_load %arg11[%swap3A_146, %swap3A_147, %swap3A_148] {strides = array<i32>} : memref<2x96x128xf32, #tpu.memory_space<vmem>>, vector<1x1x16xf32>,
      %swap3A_150 = vector.shape_cast %swap3A_149 : vector<1x1x16xf32> to vector<16xf32>
      %swap3A_151 = vector.shape_cast %broadcast_in_dim3A_145 : vector<16xf32> to vector<1x1x16xf32>
      tpu.vector_store %arg11[%swap3A_146, %swap3A_147, %swap3A_148], %swap3A_151 {strides = array<i32>} : memref<2x96x128xf32, #tpu.memory_space<vmem>>, vector<1x1x16xf32>,
      %broadcast_in_dim3A_152 = arith.constant 0.000000e+00 : f32
      %broadcast_in_dim3A_153 = vector.broadcast %broadcast_in_dim3A_152 : f32 to vector<16xf32>
      %swap3A_154 = arith.constant 0 : i32
      %swap3A_155 = arith.index_cast %swap3A_154 : i32 to index
      %swap3A_156 = arith.index_cast %scan3A_143 : i32 to index
      %swap3A_157 = arith.constant 16 : index
      %swap3A_158 = tpu.vector_load %arg11[%swap3A_155, %swap3A_156, %swap3A_157] {strides = array<i32>} : memref<2x96x128xf32, #tpu.memory_space<vmem>>, vector<1x1x16xf32>,
      %swap3A_159 = vector.shape_cast %swap3A_158 : vector<1x1x16xf32> to vector<16xf32>
      %swap3A_160 = vector.shape_cast %broadcast_in_dim3A_153 : vector<16xf32> to vector<1x1x16xf32>
      tpu.vector_store %arg11[%swap3A_155, %swap3A_156, %swap3A_157], %swap3A_160 {strides = array<i32>} : memref<2x96x128xf32, #tpu.memory_space<vmem>>, vector<1x1x16xf32>,
      %broadcast_in_dim3A_161 = arith.constant 0.000000e+00 : f32
      %broadcast_in_dim3A_162 = vector.broadcast %broadcast_in_dim3A_161 : f32 to vector<16xf32>
      %swap3A_163 = arith.constant 0 : i32
      %swap3A_164 = arith.index_cast %swap3A_163 : i32 to index
      %swap3A_165 = arith.index_cast %scan3A_143 : i32 to index
      %swap3A_166 = arith.constant 32 : index
      %swap3A_167 = tpu.vector_load %arg11[%swap3A_164, %swap3A_165, %swap3A_166] {strides = array<i32>} : memref<2x96x128xf32, #tpu.memory_space<vmem>>, vector<1x1x16xf32>,
      %swap3A_168 = vector.shape_cast %swap3A_167 : vector<1x1x16xf32> to vector<16xf32>
      %swap3A_169 = vector.shape_cast %broadcast_in_dim3A_162 : vector<16xf32> to vector<1x1x16xf32>
      tpu.vector_store %arg11[%swap3A_164, %swap3A_165, %swap3A_166], %swap3A_169 {strides = array<i32>} : memref<2x96x128xf32, #tpu.memory_space<vmem>>, vector<1x1x16xf32>,
      %broadcast_in_dim3A_170 = arith.constant 0.000000e+00 : f32
      %broadcast_in_dim3A_171 = vector.broadcast %broadcast_in_dim3A_170 : f32 to vector<16xf32>
      %swap3A_172 = arith.constant 0 : i32
      %swap3A_173 = arith.index_cast %swap3A_172 : i32 to index
      %swap3A_174 = arith.index_cast %scan3A_143 : i32 to index
      %swap3A_175 = arith.constant 48 : index
      %swap3A_176 = tpu.vector_load %arg11[%swap3A_173, %swap3A_174, %swap3A_175] {strides = array<i32>} : memref<2x96x128xf32, #tpu.memory_space<vmem>>, vector<1x1x16xf32>,
      %swap3A_177 = vector.shape_cast %swap3A_176 : vector<1x1x16xf32> to vector<16xf32>
      %swap3A_178 = vector.shape_cast %broadcast_in_dim3A_171 : vector<16xf32> to vector<1x1x16xf32>
      tpu.vector_store %arg11[%swap3A_173, %swap3A_174, %swap3A_175], %swap3A_178 {strides = array<i32>} : memref<2x96x128xf32, #tpu.memory_space<vmem>>, vector<1x1x16xf32>,
      %broadcast_in_dim3A_179 = arith.constant 0.000000e+00 : f32
      %broadcast_in_dim3A_180 = vector.broadcast %broadcast_in_dim3A_179 : f32 to vector<16xf32>
      %swap3A_181 = arith.constant 0 : i32
      %swap3A_182 = arith.index_cast %swap3A_181 : i32 to index
      %swap3A_183 = arith.index_cast %scan3A_143 : i32 to index
      %swap3A_184 = arith.constant 64 : index
      %swap3A_185 = tpu.vector_load %arg11[%swap3A_182, %swap3A_183, %swap3A_184] {strides = array<i32>} : memref<2x96x128xf32, #tpu.memory_space<vmem>>, vector<1x1x16xf32>,
      %swap3A_186 = vector.shape_cast %swap3A_185 : vector<1x1x16xf32> to vector<16xf32>
      %swap3A_187 = vector.shape_cast %broadcast_in_dim3A_180 : vector<16xf32> to vector<1x1x16xf32>
      tpu.vector_store %arg11[%swap3A_182, %swap3A_183, %swap3A_184], %swap3A_187 {strides = array<i32>} : memref<2x96x128xf32, #tpu.memory_space<vmem>>, vector<1x1x16xf32>,
      %broadcast_in_dim3A_188 = arith.constant 0.000000e+00 : f32
      %broadcast_in_dim3A_189 = vector.broadcast %broadcast_in_dim3A_188 : f32 to vector<16xf32>
      %swap3A_190 = arith.constant 0 : i32
      %swap3A_191 = arith.index_cast %swap3A_190 : i32 to index
      %swap3A_192 = arith.index_cast %scan3A_143 : i32 to index
      %swap3A_193 = arith.constant 80 : index
      %swap3A_194 = tpu.vector_load %arg11[%swap3A_191, %swap3A_192, %swap3A_193] {strides = array<i32>} : memref<2x96x128xf32, #tpu.memory_space<vmem>>, vector<1x1x16xf32>,
      %swap3A_195 = vector.shape_cast %swap3A_194 : vector<1x1x16xf32> to vector<16xf32>
      %swap3A_196 = vector.shape_cast %broadcast_in_dim3A_189 : vector<16xf32> to vector<1x1x16xf32>
      tpu.vector_store %arg11[%swap3A_191, %swap3A_192, %swap3A_193], %swap3A_196 {strides = array<i32>} : memref<2x96x128xf32, #tpu.memory_space<vmem>>, vector<1x1x16xf32>,
      %broadcast_in_dim3A_197 = arith.constant 0.000000e+00 : f32
      %broadcast_in_dim3A_198 = vector.broadcast %broadcast_in_dim3A_197 : f32 to vector<16xf32>
      %swap3A_199 = arith.constant 0 : i32
      %swap3A_200 = arith.index_cast %swap3A_199 : i32 to index
      %swap3A_201 = arith.index_cast %scan3A_143 : i32 to index
      %swap3A_202 = arith.constant 96 : index
      %swap3A_203 = tpu.vector_load %arg11[%swap3A_200, %swap3A_201, %swap3A_202] {strides = array<i32>} : memref<2x96x128xf32, #tpu.memory_space<vmem>>, vector<1x1x16xf32>,
      %swap3A_204 = vector.shape_cast %swap3A_203 : vector<1x1x16xf32> to vector<16xf32>
      %swap3A_205 = vector.shape_cast %broadcast_in_dim3A_198 : vector<16xf32> to vector<1x1x16xf32>
      tpu.vector_store %arg11[%swap3A_200, %swap3A_201, %swap3A_202], %swap3A_205 {strides = array<i32>} : memref<2x96x128xf32, #tpu.memory_space<vmem>>, vector<1x1x16xf32>,
      %broadcast_in_dim3A_206 = arith.constant 0.000000e+00 : f32
      %broadcast_in_dim3A_207 = vector.broadcast %broadcast_in_dim3A_206 : f32 to vector<16xf32>
      %swap3A_208 = arith.constant 0 : i32
      %swap3A_209 = arith.index_cast %swap3A_208 : i32 to index
      %swap3A_210 = arith.index_cast %scan3A_143 : i32 to index
      %swap3A_211 = arith.constant 112 : index
      %swap3A_212 = tpu.vector_load %arg11[%swap3A_209, %swap3A_210, %swap3A_211] {strides = array<i32>} : memref<2x96x128xf32, #tpu.memory_space<vmem>>, vector<1x1x16xf32>,
      %swap3A_213 = vector.shape_cast %swap3A_212 : vector<1x1x16xf32> to vector<16xf32>
      %swap3A_214 = vector.shape_cast %broadcast_in_dim3A_207 : vector<16xf32> to vector<1x1x16xf32>
      tpu.vector_store %arg11[%swap3A_209, %swap3A_210, %swap3A_211], %swap3A_214 {strides = array<i32>} : memref<2x96x128xf32, #tpu.memory_space<vmem>>, vector<1x1x16xf32>,
      %scan3A_215 = arith.constant 0 : i32
      scf.yield %scan3A_215 : i32
    }
    %scan3A_5 = arith.constant 96 : i32
    %mul3A = arith.constant 632 : i32
    %mul3A_6 = arith.muli %arg1, %mul3A : i32
    %add3A = arith.constant 0 : i32
    %add3A_7 = arith.addi %mul3A_6, %add3A : i32
    %run_scoped3A = arith.constant 0 : i32
    "tpu.region"() ({
      %run_scoped3A_143 = tpu.sem_alloc : memref<!tpu.dma_semaphore, #tpu.memory_space<semaphore_mem>>
      %dma_start3A_144 = arith.constant 0 : i32
      %dma_start3A_145 = arith.constant 0 : i32
      %dma_start3A_146 = tpu.memref_slice %arg11[%run_scoped3A, %dma_start3A_144, %dma_start3A_145] : memref<2x96x128xf32, #tpu.memory_space<vmem>> -> memref<1x96x128xf32, #tpu.memory_space<vmem>>
      %dma_start3A_147 = tpu.memref_squeeze %dma_start3A_146 : memref<1x96x128xf32, #tpu.memory_space<vmem>> -> memref<96x128xf32, #tpu.memory_space<vmem>>
      %dma_start3A_148 = arith.constant 0 : i32
      %dma_start3A_149 = tpu.memref_slice %arg7[%add3A_7, %dma_start3A_148] : memref<10112x128xf32, #tpu.memory_space<vmem_shared>> -> memref<96x128xf32, #tpu.memory_space<vmem_shared>>
      %dma_start3A_150 = arith.constant 0 : i32
      %dma_start3A_151 = tpu.memref_slice %arg7[%add3A_7, %dma_start3A_150] : memref<10112x128xf32, #tpu.memory_space<vmem_shared>> -> memref<96x128xf32, #tpu.memory_space<vmem_shared>>
      %dma_start3A_152 = arith.constant 0 : i32
      %dma_start3A_153 = arith.constant 0 : i32
      %dma_start3A_154 = tpu.memref_slice %arg11[%run_scoped3A, %dma_start3A_152, %dma_start3A_153] : memref<2x96x128xf32, #tpu.memory_space<vmem>> -> memref<1x96x128xf32, #tpu.memory_space<vmem>>
      %dma_start3A_155 = tpu.memref_squeeze %dma_start3A_154 : memref<1x96x128xf32, #tpu.memory_space<vmem>> -> memref<96x128xf32, #tpu.memory_space<vmem>>
      tpu.enqueue_dma source(%dma_start3A_155 : memref<96x128xf32, #tpu.memory_space<vmem>>) target(%dma_start3A_151 : memref<96x128xf32, #tpu.memory_space<vmem_shared>>) target_semaphore(%run_scoped3A_143 : memref<!tpu.dma_semaphore, #tpu.memory_space<semaphore_mem>>)
      %dma_wait3A_156 = arith.constant 0 : i32
      %dma_wait3A_157 = arith.constant 0 : i32
      %dma_wait3A_158 = tpu.memref_slice %arg11[%run_scoped3A, %dma_wait3A_156, %dma_wait3A_157] : memref<2x96x128xf32, #tpu.memory_space<vmem>> -> memref<1x96x128xf32, #tpu.memory_space<vmem>>
      %dma_wait3A_159 = tpu.memref_squeeze %dma_wait3A_158 : memref<1x96x128xf32, #tpu.memory_space<vmem>> -> memref<96x128xf32, #tpu.memory_space<vmem>>
      %dma_wait3A_160 = arith.constant 0 : i32
      %dma_wait3A_161 = tpu.memref_slice %arg7[%add3A_7, %dma_wait3A_160] : memref<10112x128xf32, #tpu.memory_space<vmem_shared>> -> memref<96x128xf32, #tpu.memory_space<vmem_shared>>
      %dma_wait3A_162 = arith.constant 0 : i32
      %dma_wait3A_163 = tpu.memref_slice %arg7[%add3A_7, %dma_wait3A_162] : memref<10112x128xf32, #tpu.memory_space<vmem_shared>> -> memref<96x128xf32, #tpu.memory_space<vmem_shared>>
      %dma_wait3A_164 = arith.constant 0 : i32
      %dma_wait3A_165 = arith.constant 0 : i32
      %dma_wait3A_166 = tpu.memref_slice %arg11[%run_scoped3A, %dma_wait3A_164, %dma_wait3A_165] : memref<2x96x128xf32, #tpu.memory_space<vmem>> -> memref<1x96x128xf32, #tpu.memory_space<vmem>>
      %dma_wait3A_167 = tpu.memref_squeeze %dma_wait3A_166 : memref<1x96x128xf32, #tpu.memory_space<vmem>> -> memref<96x128xf32, #tpu.memory_space<vmem>>
      tpu.wait_dma2 semaphore(%run_scoped3A_143 : memref<!tpu.dma_semaphore, #tpu.memory_space<semaphore_mem>>) src(%dma_wait3A_167 : memref<96x128xf32, #tpu.memory_space<vmem>>) dst(%dma_wait3A_163 : memref<96x128xf32, #tpu.memory_space<vmem_shared>>)
      tpu.yield
    }) : () -> ()
    %add3A_8 = arith.constant 96 : i32
    %add3A_9 = arith.addi %mul3A_6, %add3A_8 : i32
    %run_scoped3A_10 = arith.constant 0 : i32
    "tpu.region"() ({
      %run_scoped3A_143 = tpu.sem_alloc : memref<!tpu.dma_semaphore, #tpu.memory_space<semaphore_mem>>
      %dma_start3A_144 = arith.constant 0 : i32
      %dma_start3A_145 = arith.constant 0 : i32
      %dma_start3A_146 = tpu.memref_slice %arg11[%run_scoped3A_10, %dma_start3A_144, %dma_start3A_145] : memref<2x96x128xf32, #tpu.memory_space<vmem>> -> memref<1x96x128xf32, #tpu.memory_space<vmem>>
      %dma_start3A_147 = tpu.memref_squeeze %dma_start3A_146 : memref<1x96x128xf32, #tpu.memory_space<vmem>> -> memref<96x128xf32, #tpu.memory_space<vmem>>
      %dma_start3A_148 = arith.constant 0 : i32
      %dma_start3A_149 = tpu.memref_slice %arg7[%add3A_9, %dma_start3A_148] : memref<10112x128xf32, #tpu.memory_space<vmem_shared>> -> memref<96x128xf32, #tpu.memory_space<vmem_shared>>
      %dma_start3A_150 = arith.constant 0 : i32
      %dma_start3A_151 = tpu.memref_slice %arg7[%add3A_9, %dma_start3A_150] : memref<10112x128xf32, #tpu.memory_space<vmem_shared>> -> memref<96x128xf32, #tpu.memory_space<vmem_shared>>
      %dma_start3A_152 = arith.constant 0 : i32
      %dma_start3A_153 = arith.constant 0 : i32
      %dma_start3A_154 = tpu.memref_slice %arg11[%run_scoped3A_10, %dma_start3A_152, %dma_start3A_153] : memref<2x96x128xf32, #tpu.memory_space<vmem>> -> memref<1x96x128xf32, #tpu.memory_space<vmem>>
      %dma_start3A_155 = tpu.memref_squeeze %dma_start3A_154 : memref<1x96x128xf32, #tpu.memory_space<vmem>> -> memref<96x128xf32, #tpu.memory_space<vmem>>
      tpu.enqueue_dma source(%dma_start3A_155 : memref<96x128xf32, #tpu.memory_space<vmem>>) target(%dma_start3A_151 : memref<96x128xf32, #tpu.memory_space<vmem_shared>>) target_semaphore(%run_scoped3A_143 : memref<!tpu.dma_semaphore, #tpu.memory_space<semaphore_mem>>)
      %dma_wait3A_156 = arith.constant 0 : i32
      %dma_wait3A_157 = arith.constant 0 : i32
      %dma_wait3A_158 = tpu.memref_slice %arg11[%run_scoped3A_10, %dma_wait3A_156, %dma_wait3A_157] : memref<2x96x128xf32, #tpu.memory_space<vmem>> -> memref<1x96x128xf32, #tpu.memory_space<vmem>>
      %dma_wait3A_159 = tpu.memref_squeeze %dma_wait3A_158 : memref<1x96x128xf32, #tpu.memory_space<vmem>> -> memref<96x128xf32, #tpu.memory_space<vmem>>
      %dma_wait3A_160 = arith.constant 0 : i32
      %dma_wait3A_161 = tpu.memref_slice %arg7[%add3A_9, %dma_wait3A_160] : memref<10112x128xf32, #tpu.memory_space<vmem_shared>> -> memref<96x128xf32, #tpu.memory_space<vmem_shared>>
      %dma_wait3A_162 = arith.constant 0 : i32
      %dma_wait3A_163 = tpu.memref_slice %arg7[%add3A_9, %dma_wait3A_162] : memref<10112x128xf32, #tpu.memory_space<vmem_shared>> -> memref<96x128xf32, #tpu.memory_space<vmem_shared>>
      %dma_wait3A_164 = arith.constant 0 : i32
      %dma_wait3A_165 = arith.constant 0 : i32
      %dma_wait3A_166 = tpu.memref_slice %arg11[%run_scoped3A_10, %dma_wait3A_164, %dma_wait3A_165] : memref<2x96x128xf32, #tpu.memory_space<vmem>> -> memref<1x96x128xf32, #tpu.memory_space<vmem>>
      %dma_wait3A_167 = tpu.memref_squeeze %dma_wait3A_166 : memref<1x96x128xf32, #tpu.memory_space<vmem>> -> memref<96x128xf32, #tpu.memory_space<vmem>>
      tpu.wait_dma2 semaphore(%run_scoped3A_143 : memref<!tpu.dma_semaphore, #tpu.memory_space<semaphore_mem>>) src(%dma_wait3A_167 : memref<96x128xf32, #tpu.memory_space<vmem>>) dst(%dma_wait3A_163 : memref<96x128xf32, #tpu.memory_space<vmem_shared>>)
      tpu.yield
    }) : () -> ()
    %add3A_11 = arith.constant 192 : i32
    %add3A_12 = arith.addi %mul3A_6, %add3A_11 : i32
    %run_scoped3A_13 = arith.constant 0 : i32
    "tpu.region"() ({
      %run_scoped3A_143 = tpu.sem_alloc : memref<!tpu.dma_semaphore, #tpu.memory_space<semaphore_mem>>
      %dma_start3A_144 = arith.constant 0 : i32
      %dma_start3A_145 = arith.constant 0 : i32
      %dma_start3A_146 = tpu.memref_slice %arg11[%run_scoped3A_13, %dma_start3A_144, %dma_start3A_145] : memref<2x96x128xf32, #tpu.memory_space<vmem>> -> memref<1x96x128xf32, #tpu.memory_space<vmem>>
      %dma_start3A_147 = tpu.memref_squeeze %dma_start3A_146 : memref<1x96x128xf32, #tpu.memory_space<vmem>> -> memref<96x128xf32, #tpu.memory_space<vmem>>
      %dma_start3A_148 = arith.constant 0 : i32
      %dma_start3A_149 = tpu.memref_slice %arg7[%add3A_12, %dma_start3A_148] : memref<10112x128xf32, #tpu.memory_space<vmem_shared>> -> memref<96x128xf32, #tpu.memory_space<vmem_shared>>
      %dma_start3A_150 = arith.constant 0 : i32
      %dma_start3A_151 = tpu.memref_slice %arg7[%add3A_12, %dma_start3A_150] : memref<10112x128xf32, #tpu.memory_space<vmem_shared>> -> memref<96x128xf32, #tpu.memory_space<vmem_shared>>
      %dma_start3A_152 = arith.constant 0 : i32
      %dma_start3A_153 = arith.constant 0 : i32
      %dma_start3A_154 = tpu.memref_slice %arg11[%run_scoped3A_13, %dma_start3A_152, %dma_start3A_153] : memref<2x96x128xf32, #tpu.memory_space<vmem>> -> memref<1x96x128xf32, #tpu.memory_space<vmem>>
      %dma_start3A_155 = tpu.memref_squeeze %dma_start3A_154 : memref<1x96x128xf32, #tpu.memory_space<vmem>> -> memref<96x128xf32, #tpu.memory_space<vmem>>
      tpu.enqueue_dma source(%dma_start3A_155 : memref<96x128xf32, #tpu.memory_space<vmem>>) target(%dma_start3A_151 : memref<96x128xf32, #tpu.memory_space<vmem_shared>>) target_semaphore(%run_scoped3A_143 : memref<!tpu.dma_semaphore, #tpu.memory_space<semaphore_mem>>)
      %dma_wait3A_156 = arith.constant 0 : i32
      %dma_wait3A_157 = arith.constant 0 : i32
      %dma_wait3A_158 = tpu.memref_slice %arg11[%run_scoped3A_13, %dma_wait3A_156, %dma_wait3A_157] : memref<2x96x128xf32, #tpu.memory_space<vmem>> -> memref<1x96x128xf32, #tpu.memory_space<vmem>>
      %dma_wait3A_159 = tpu.memref_squeeze %dma_wait3A_158 : memref<1x96x128xf32, #tpu.memory_space<vmem>> -> memref<96x128xf32, #tpu.memory_space<vmem>>
      %dma_wait3A_160 = arith.constant 0 : i32
      %dma_wait3A_161 = tpu.memref_slice %arg7[%add3A_12, %dma_wait3A_160] : memref<10112x128xf32, #tpu.memory_space<vmem_shared>> -> memref<96x128xf32, #tpu.memory_space<vmem_shared>>
      %dma_wait3A_162 = arith.constant 0 : i32
      %dma_wait3A_163 = tpu.memref_slice %arg7[%add3A_12, %dma_wait3A_162] : memref<10112x128xf32, #tpu.memory_space<vmem_shared>> -> memref<96x128xf32, #tpu.memory_space<vmem_shared>>
      %dma_wait3A_164 = arith.constant 0 : i32
      %dma_wait3A_165 = arith.constant 0 : i32
      %dma_wait3A_166 = tpu.memref_slice %arg11[%run_scoped3A_13, %dma_wait3A_164, %dma_wait3A_165] : memref<2x96x128xf32, #tpu.memory_space<vmem>> -> memref<1x96x128xf32, #tpu.memory_space<vmem>>
      %dma_wait3A_167 = tpu.memref_squeeze %dma_wait3A_166 : memref<1x96x128xf32, #tpu.memory_space<vmem>> -> memref<96x128xf32, #tpu.memory_space<vmem>>
      tpu.wait_dma2 semaphore(%run_scoped3A_143 : memref<!tpu.dma_semaphore, #tpu.memory_space<semaphore_mem>>) src(%dma_wait3A_167 : memref<96x128xf32, #tpu.memory_space<vmem>>) dst(%dma_wait3A_163 : memref<96x128xf32, #tpu.memory_space<vmem_shared>>)
      tpu.yield
    }) : () -> ()
    %add3A_14 = arith.constant 288 : i32
    %add3A_15 = arith.addi %mul3A_6, %add3A_14 : i32
    %run_scoped3A_16 = arith.constant 0 : i32
    "tpu.region"() ({
      %run_scoped3A_143 = tpu.sem_alloc : memref<!tpu.dma_semaphore, #tpu.memory_space<semaphore_mem>>
      %dma_start3A_144 = arith.constant 0 : i32
      %dma_start3A_145 = arith.constant 0 : i32
      %dma_start3A_146 = tpu.memref_slice %arg11[%run_scoped3A_16, %dma_start3A_144, %dma_start3A_145] : memref<2x96x128xf32, #tpu.memory_space<vmem>> -> memref<1x96x128xf32, #tpu.memory_space<vmem>>
      %dma_start3A_147 = tpu.memref_squeeze %dma_start3A_146 : memref<1x96x128xf32, #tpu.memory_space<vmem>> -> memref<96x128xf32, #tpu.memory_space<vmem>>
      %dma_start3A_148 = arith.constant 0 : i32
      %dma_start3A_149 = tpu.memref_slice %arg7[%add3A_15, %dma_start3A_148] : memref<10112x128xf32, #tpu.memory_space<vmem_shared>> -> memref<96x128xf32, #tpu.memory_space<vmem_shared>>
      %dma_start3A_150 = arith.constant 0 : i32
      %dma_start3A_151 = tpu.memref_slice %arg7[%add3A_15, %dma_start3A_150] : memref<10112x128xf32, #tpu.memory_space<vmem_shared>> -> memref<96x128xf32, #tpu.memory_space<vmem_shared>>
      %dma_start3A_152 = arith.constant 0 : i32
      %dma_start3A_153 = arith.constant 0 : i32
      %dma_start3A_154 = tpu.memref_slice %arg11[%run_scoped3A_16, %dma_start3A_152, %dma_start3A_153] : memref<2x96x128xf32, #tpu.memory_space<vmem>> -> memref<1x96x128xf32, #tpu.memory_space<vmem>>
      %dma_start3A_155 = tpu.memref_squeeze %dma_start3A_154 : memref<1x96x128xf32, #tpu.memory_space<vmem>> -> memref<96x128xf32, #tpu.memory_space<vmem>>
      tpu.enqueue_dma source(%dma_start3A_155 : memref<96x128xf32, #tpu.memory_space<vmem>>) target(%dma_start3A_151 : memref<96x128xf32, #tpu.memory_space<vmem_shared>>) target_semaphore(%run_scoped3A_143 : memref<!tpu.dma_semaphore, #tpu.memory_space<semaphore_mem>>)
      %dma_wait3A_156 = arith.constant 0 : i32
      %dma_wait3A_157 = arith.constant 0 : i32
      %dma_wait3A_158 = tpu.memref_slice %arg11[%run_scoped3A_16, %dma_wait3A_156, %dma_wait3A_157] : memref<2x96x128xf32, #tpu.memory_space<vmem>> -> memref<1x96x128xf32, #tpu.memory_space<vmem>>
      %dma_wait3A_159 = tpu.memref_squeeze %dma_wait3A_158 : memref<1x96x128xf32, #tpu.memory_space<vmem>> -> memref<96x128xf32, #tpu.memory_space<vmem>>
      %dma_wait3A_160 = arith.constant 0 : i32
      %dma_wait3A_161 = tpu.memref_slice %arg7[%add3A_15, %dma_wait3A_160] : memref<10112x128xf32, #tpu.memory_space<vmem_shared>> -> memref<96x128xf32, #tpu.memory_space<vmem_shared>>
      %dma_wait3A_162 = arith.constant 0 : i32
      %dma_wait3A_163 = tpu.memref_slice %arg7[%add3A_15, %dma_wait3A_162] : memref<10112x128xf32, #tpu.memory_space<vmem_shared>> -> memref<96x128xf32, #tpu.memory_space<vmem_shared>>
      %dma_wait3A_164 = arith.constant 0 : i32
      %dma_wait3A_165 = arith.constant 0 : i32
      %dma_wait3A_166 = tpu.memref_slice %arg11[%run_scoped3A_16, %dma_wait3A_164, %dma_wait3A_165] : memref<2x96x128xf32, #tpu.memory_space<vmem>> -> memref<1x96x128xf32, #tpu.memory_space<vmem>>
      %dma_wait3A_167 = tpu.memref_squeeze %dma_wait3A_166 : memref<1x96x128xf32, #tpu.memory_space<vmem>> -> memref<96x128xf32, #tpu.memory_space<vmem>>
      tpu.wait_dma2 semaphore(%run_scoped3A_143 : memref<!tpu.dma_semaphore, #tpu.memory_space<semaphore_mem>>) src(%dma_wait3A_167 : memref<96x128xf32, #tpu.memory_space<vmem>>) dst(%dma_wait3A_163 : memref<96x128xf32, #tpu.memory_space<vmem_shared>>)
      tpu.yield
    }) : () -> ()
    %add3A_17 = arith.constant 384 : i32
    %add3A_18 = arith.addi %mul3A_6, %add3A_17 : i32
    %run_scoped3A_19 = arith.constant 0 : i32
    "tpu.region"() ({
      %run_scoped3A_143 = tpu.sem_alloc : memref<!tpu.dma_semaphore, #tpu.memory_space<semaphore_mem>>
      %dma_start3A_144 = arith.constant 0 : i32
      %dma_start3A_145 = arith.constant 0 : i32
      %dma_start3A_146 = tpu.memref_slice %arg11[%run_scoped3A_19, %dma_start3A_144, %dma_start3A_145] : memref<2x96x128xf32, #tpu.memory_space<vmem>> -> memref<1x96x128xf32, #tpu.memory_space<vmem>>
      %dma_start3A_147 = tpu.memref_squeeze %dma_start3A_146 : memref<1x96x128xf32, #tpu.memory_space<vmem>> -> memref<96x128xf32, #tpu.memory_space<vmem>>
      %dma_start3A_148 = arith.constant 0 : i32
      %dma_start3A_149 = tpu.memref_slice %arg7[%add3A_18, %dma_start3A_148] : memref<10112x128xf32, #tpu.memory_space<vmem_shared>> -> memref<96x128xf32, #tpu.memory_space<vmem_shared>>
      %dma_start3A_150 = arith.constant 0 : i32
      %dma_start3A_151 = tpu.memref_slice %arg7[%add3A_18, %dma_start3A_150] : memref<10112x128xf32, #tpu.memory_space<vmem_shared>> -> memref<96x128xf32, #tpu.memory_space<vmem_shared>>
      %dma_start3A_152 = arith.constant 0 : i32
      %dma_start3A_153 = arith.constant 0 : i32
      %dma_start3A_154 = tpu.memref_slice %arg11[%run_scoped3A_19, %dma_start3A_152, %dma_start3A_153] : memref<2x96x128xf32, #tpu.memory_space<vmem>> -> memref<1x96x128xf32, #tpu.memory_space<vmem>>
      %dma_start3A_155 = tpu.memref_squeeze %dma_start3A_154 : memref<1x96x128xf32, #tpu.memory_space<vmem>> -> memref<96x128xf32, #tpu.memory_space<vmem>>
      tpu.enqueue_dma source(%dma_start3A_155 : memref<96x128xf32, #tpu.memory_space<vmem>>) target(%dma_start3A_151 : memref<96x128xf32, #tpu.memory_space<vmem_shared>>) target_semaphore(%run_scoped3A_143 : memref<!tpu.dma_semaphore, #tpu.memory_space<semaphore_mem>>)
      %dma_wait3A_156 = arith.constant 0 : i32
      %dma_wait3A_157 = arith.constant 0 : i32
      %dma_wait3A_158 = tpu.memref_slice %arg11[%run_scoped3A_19, %dma_wait3A_156, %dma_wait3A_157] : memref<2x96x128xf32, #tpu.memory_space<vmem>> -> memref<1x96x128xf32, #tpu.memory_space<vmem>>
      %dma_wait3A_159 = tpu.memref_squeeze %dma_wait3A_158 : memref<1x96x128xf32, #tpu.memory_space<vmem>> -> memref<96x128xf32, #tpu.memory_space<vmem>>
      %dma_wait3A_160 = arith.constant 0 : i32
      %dma_wait3A_161 = tpu.memref_slice %arg7[%add3A_18, %dma_wait3A_160] : memref<10112x128xf32, #tpu.memory_space<vmem_shared>> -> memref<96x128xf32, #tpu.memory_space<vmem_shared>>
      %dma_wait3A_162 = arith.constant 0 : i32
      %dma_wait3A_163 = tpu.memref_slice %arg7[%add3A_18, %dma_wait3A_162] : memref<10112x128xf32, #tpu.memory_space<vmem_shared>> -> memref<96x128xf32, #tpu.memory_space<vmem_shared>>
      %dma_wait3A_164 = arith.constant 0 : i32
      %dma_wait3A_165 = arith.constant 0 : i32
      %dma_wait3A_166 = tpu.memref_slice %arg11[%run_scoped3A_19, %dma_wait3A_164, %dma_wait3A_165] : memref<2x96x128xf32, #tpu.memory_space<vmem>> -> memref<1x96x128xf32, #tpu.memory_space<vmem>>
      %dma_wait3A_167 = tpu.memref_squeeze %dma_wait3A_166 : memref<1x96x128xf32, #tpu.memory_space<vmem>> -> memref<96x128xf32, #tpu.memory_space<vmem>>
      tpu.wait_dma2 semaphore(%run_scoped3A_143 : memref<!tpu.dma_semaphore, #tpu.memory_space<semaphore_mem>>) src(%dma_wait3A_167 : memref<96x128xf32, #tpu.memory_space<vmem>>) dst(%dma_wait3A_163 : memref<96x128xf32, #tpu.memory_space<vmem_shared>>)
      tpu.yield
    }) : () -> ()
    %add3A_20 = arith.constant 480 : i32
    %add3A_21 = arith.addi %mul3A_6, %add3A_20 : i32
    %run_scoped3A_22 = arith.constant 0 : i32
    "tpu.region"() ({
      %run_scoped3A_143 = tpu.sem_alloc : memref<!tpu.dma_semaphore, #tpu.memory_space<semaphore_mem>>
      %dma_start3A_144 = arith.constant 0 : i32
      %dma_start3A_145 = arith.constant 0 : i32
      %dma_start3A_146 = tpu.memref_slice %arg11[%run_scoped3A_22, %dma_start3A_144, %dma_start3A_145] : memref<2x96x128xf32, #tpu.memory_space<vmem>> -> memref<1x96x128xf32, #tpu.memory_space<vmem>>
      %dma_start3A_147 = tpu.memref_squeeze %dma_start3A_146 : memref<1x96x128xf32, #tpu.memory_space<vmem>> -> memref<96x128xf32, #tpu.memory_space<vmem>>
      %dma_start3A_148 = arith.constant 0 : i32
      %dma_start3A_149 = tpu.memref_slice %arg7[%add3A_21, %dma_start3A_148] : memref<10112x128xf32, #tpu.memory_space<vmem_shared>> -> memref<96x128xf32, #tpu.memory_space<vmem_shared>>
      %dma_start3A_150 = arith.constant 0 : i32
      %dma_start3A_151 = tpu.memref_slice %arg7[%add3A_21, %dma_start3A_150] : memref<10112x128xf32, #tpu.memory_space<vmem_shared>> -> memref<96x128xf32, #tpu.memory_space<vmem_shared>>
      %dma_start3A_152 = arith.constant 0 : i32
      %dma_start3A_153 = arith.constant 0 : i32
      %dma_start3A_154 = tpu.memref_slice %arg11[%run_scoped3A_22, %dma_start3A_152, %dma_start3A_153] : memref<2x96x128xf32, #tpu.memory_space<vmem>> -> memref<1x96x128xf32, #tpu.memory_space<vmem>>
      %dma_start3A_155 = tpu.memref_squeeze %dma_start3A_154 : memref<1x96x128xf32, #tpu.memory_space<vmem>> -> memref<96x128xf32, #tpu.memory_space<vmem>>
      tpu.enqueue_dma source(%dma_start3A_155 : memref<96x128xf32, #tpu.memory_space<vmem>>) target(%dma_start3A_151 : memref<96x128xf32, #tpu.memory_space<vmem_shared>>) target_semaphore(%run_scoped3A_143 : memref<!tpu.dma_semaphore, #tpu.memory_space<semaphore_mem>>)
      %dma_wait3A_156 = arith.constant 0 : i32
      %dma_wait3A_157 = arith.constant 0 : i32
      %dma_wait3A_158 = tpu.memref_slice %arg11[%run_scoped3A_22, %dma_wait3A_156, %dma_wait3A_157] : memref<2x96x128xf32, #tpu.memory_space<vmem>> -> memref<1x96x128xf32, #tpu.memory_space<vmem>>
      %dma_wait3A_159 = tpu.memref_squeeze %dma_wait3A_158 : memref<1x96x128xf32, #tpu.memory_space<vmem>> -> memref<96x128xf32, #tpu.memory_space<vmem>>
      %dma_wait3A_160 = arith.constant 0 : i32
      %dma_wait3A_161 = tpu.memref_slice %arg7[%add3A_21, %dma_wait3A_160] : memref<10112x128xf32, #tpu.memory_space<vmem_shared>> -> memref<96x128xf32, #tpu.memory_space<vmem_shared>>
      %dma_wait3A_162 = arith.constant 0 : i32
      %dma_wait3A_163 = tpu.memref_slice %arg7[%add3A_21, %dma_wait3A_162] : memref<10112x128xf32, #tpu.memory_space<vmem_shared>> -> memref<96x128xf32, #tpu.memory_space<vmem_shared>>
      %dma_wait3A_164 = arith.constant 0 : i32
      %dma_wait3A_165 = arith.constant 0 : i32
      %dma_wait3A_166 = tpu.memref_slice %arg11[%run_scoped3A_22, %dma_wait3A_164, %dma_wait3A_165] : memref<2x96x128xf32, #tpu.memory_space<vmem>> -> memref<1x96x128xf32, #tpu.memory_space<vmem>>
      %dma_wait3A_167 = tpu.memref_squeeze %dma_wait3A_166 : memref<1x96x128xf32, #tpu.memory_space<vmem>> -> memref<96x128xf32, #tpu.memory_space<vmem>>
      tpu.wait_dma2 semaphore(%run_scoped3A_143 : memref<!tpu.dma_semaphore, #tpu.memory_space<semaphore_mem>>) src(%dma_wait3A_167 : memref<96x128xf32, #tpu.memory_space<vmem>>) dst(%dma_wait3A_163 : memref<96x128xf32, #tpu.memory_space<vmem_shared>>)
      tpu.yield
    }) : () -> ()
    %add3A_23 = arith.constant 632 : i32
    %add3A_24 = arith.addi %mul3A_6, %add3A_23 : i32
    %sub3A = arith.constant 96 : i32
    %sub3A_25 = arith.subi %add3A_24, %sub3A : i32
    %run_scoped3A_26 = arith.constant 0 : i32
    "tpu.region"() ({
      %run_scoped3A_143 = tpu.sem_alloc : memref<!tpu.dma_semaphore, #tpu.memory_space<semaphore_mem>>
      %dma_start3A_144 = arith.constant 0 : i32
      %dma_start3A_145 = arith.constant 0 : i32
      %dma_start3A_146 = tpu.memref_slice %arg11[%run_scoped3A_26, %dma_start3A_144, %dma_start3A_145] : memref<2x96x128xf32, #tpu.memory_space<vmem>> -> memref<1x96x128xf32, #tpu.memory_space<vmem>>
      %dma_start3A_147 = tpu.memref_squeeze %dma_start3A_146 : memref<1x96x128xf32, #tpu.memory_space<vmem>> -> memref<96x128xf32, #tpu.memory_space<vmem>>
      %dma_start3A_148 = arith.constant 0 : i32
      %dma_start3A_149 = tpu.memref_slice %arg7[%sub3A_25, %dma_start3A_148] : memref<10112x128xf32, #tpu.memory_space<vmem_shared>> -> memref<96x128xf32, #tpu.memory_space<vmem_shared>>
      %dma_start3A_150 = arith.constant 0 : i32
      %dma_start3A_151 = tpu.memref_slice %arg7[%sub3A_25, %dma_start3A_150] : memref<10112x128xf32, #tpu.memory_space<vmem_shared>> -> memref<96x128xf32, #tpu.memory_space<vmem_shared>>
      %dma_start3A_152 = arith.constant 0 : i32
      %dma_start3A_153 = arith.constant 0 : i32
      %dma_start3A_154 = tpu.memref_slice %arg11[%run_scoped3A_26, %dma_start3A_152, %dma_start3A_153] : memref<2x96x128xf32, #tpu.memory_space<vmem>> -> memref<1x96x128xf32, #tpu.memory_space<vmem>>
      %dma_start3A_155 = tpu.memref_squeeze %dma_start3A_154 : memref<1x96x128xf32, #tpu.memory_space<vmem>> -> memref<96x128xf32, #tpu.memory_space<vmem>>
      tpu.enqueue_dma source(%dma_start3A_155 : memref<96x128xf32, #tpu.memory_space<vmem>>) target(%dma_start3A_151 : memref<96x128xf32, #tpu.memory_space<vmem_shared>>) target_semaphore(%run_scoped3A_143 : memref<!tpu.dma_semaphore, #tpu.memory_space<semaphore_mem>>)
      %dma_wait3A_156 = arith.constant 0 : i32
      %dma_wait3A_157 = arith.constant 0 : i32
      %dma_wait3A_158 = tpu.memref_slice %arg11[%run_scoped3A_26, %dma_wait3A_156, %dma_wait3A_157] : memref<2x96x128xf32, #tpu.memory_space<vmem>> -> memref<1x96x128xf32, #tpu.memory_space<vmem>>
      %dma_wait3A_159 = tpu.memref_squeeze %dma_wait3A_158 : memref<1x96x128xf32, #tpu.memory_space<vmem>> -> memref<96x128xf32, #tpu.memory_space<vmem>>
      %dma_wait3A_160 = arith.constant 0 : i32
      %dma_wait3A_161 = tpu.memref_slice %arg7[%sub3A_25, %dma_wait3A_160] : memref<10112x128xf32, #tpu.memory_space<vmem_shared>> -> memref<96x128xf32, #tpu.memory_space<vmem_shared>>
      %dma_wait3A_162 = arith.constant 0 : i32
      %dma_wait3A_163 = tpu.memref_slice %arg7[%sub3A_25, %dma_wait3A_162] : memref<10112x128xf32, #tpu.memory_space<vmem_shared>> -> memref<96x128xf32, #tpu.memory_space<vmem_shared>>
      %dma_wait3A_164 = arith.constant 0 : i32
      %dma_wait3A_165 = arith.constant 0 : i32
      %dma_wait3A_166 = tpu.memref_slice %arg11[%run_scoped3A_26, %dma_wait3A_164, %dma_wait3A_165] : memref<2x96x128xf32, #tpu.memory_space<vmem>> -> memref<1x96x128xf32, #tpu.memory_space<vmem>>
      %dma_wait3A_167 = tpu.memref_squeeze %dma_wait3A_166 : memref<1x96x128xf32, #tpu.memory_space<vmem>> -> memref<96x128xf32, #tpu.memory_space<vmem>>
      tpu.wait_dma2 semaphore(%run_scoped3A_143 : memref<!tpu.dma_semaphore, #tpu.memory_space<semaphore_mem>>) src(%dma_wait3A_167 : memref<96x128xf32, #tpu.memory_space<vmem>>) dst(%dma_wait3A_163 : memref<96x128xf32, #tpu.memory_space<vmem_shared>>)
      tpu.yield
    }) : () -> ()
    %barrier3A = arith.constant 0 : index
    tpu.barrier barrier_id(%barrier3A)
    %eq3A = arith.constant 0 : i32
    %eq3A_27 = arith.cmpi eq, %arg0, %eq3A : i32
    %jit3A = arith.constant 156 : i32
    %jit3A_28 = arith.constant 56 : i32
    %select_n3A = arith.select %eq3A_27, %jit3A, %jit3A_28 : i32
    %eq3A_29 = arith.constant 0 : i32
    %eq3A_30 = arith.cmpi eq, %arg0, %eq3A_29 : i32
    %mul3A_31 = arith.constant 14976 : i32
    %mul3A_32 = arith.muli %arg1, %mul3A_31 : i32
    %mul3A_33 = arith.constant 5376 : i32
    %mul3A_34 = arith.muli %arg1, %mul3A_33 : i32
    %add3A_35 = arith.constant 239616 : i32
    %add3A_36 = arith.addi %add3A_35, %mul3A_34 : i32
    %select_n3A_37 = arith.select %eq3A_30, %mul3A_32, %add3A_36 : i32
    %multiple_of3A = tpu.assume_multiple %select_n3A_37, 96 : i32
    %run_scoped3A_38 = arith.constant 0 : i32
    "tpu.region"() ({
      %run_scoped3A_143 = tpu.sem_alloc : memref<!tpu.dma_semaphore, #tpu.memory_space<semaphore_mem>>
      %dma_start3A_144 = arith.constant 0 : i32
      %dma_start3A_145 = tpu.memref_slice %arg8[%run_scoped3A_38, %dma_start3A_144] : memref<2x96xi32, #tpu.memory_space<vmem>> -> memref<1x96xi32, #tpu.memory_space<vmem>>
      %dma_start3A_146 = tpu.memref_squeeze %dma_start3A_145 : memref<1x96xi32, #tpu.memory_space<vmem>> -> memref<96xi32, #tpu.memory_space<vmem>>
      %dma_start3A_147 = tpu.memref_slice %arg4[%multiple_of3A] : memref<325632xi32, #tpu.memory_space<hbm>> -> memref<96xi32, #tpu.memory_space<hbm>>
      %dma_start3A_148 = arith.constant 0 : i32
      %dma_start3A_149 = tpu.memref_slice %arg8[%run_scoped3A_38, %dma_start3A_148] : memref<2x96xi32, #tpu.memory_space<vmem>> -> memref<1x96xi32, #tpu.memory_space<vmem>>
      %dma_start3A_150 = tpu.memref_squeeze %dma_start3A_149 : memref<1x96xi32, #tpu.memory_space<vmem>> -> memref<96xi32, #tpu.memory_space<vmem>>
      %dma_start3A_151 = tpu.memref_slice %arg4[%multiple_of3A] : memref<325632xi32, #tpu.memory_space<hbm>> -> memref<96xi32, #tpu.memory_space<hbm>>
      tpu.enqueue_dma source(%dma_start3A_151 : memref<96xi32, #tpu.memory_space<hbm>>) target(%dma_start3A_150 : memref<96xi32, #tpu.memory_space<vmem>>) target_semaphore(%run_scoped3A_143 : memref<!tpu.dma_semaphore, #tpu.memory_space<semaphore_mem>>)
      %dma_wait3A_152 = arith.constant 0 : i32
      %dma_wait3A_153 = tpu.memref_slice %arg8[%run_scoped3A_38, %dma_wait3A_152] : memref<2x96xi32, #tpu.memory_space<vmem>> -> memref<1x96xi32, #tpu.memory_space<vmem>>
      %dma_wait3A_154 = tpu.memref_squeeze %dma_wait3A_153 : memref<1x96xi32, #tpu.memory_space<vmem>> -> memref<96xi32, #tpu.memory_space<vmem>>
      %dma_wait3A_155 = tpu.memref_slice %arg4[%multiple_of3A] : memref<325632xi32, #tpu.memory_space<hbm>> -> memref<96xi32, #tpu.memory_space<hbm>>
      %dma_wait3A_156 = arith.constant 0 : i32
      %dma_wait3A_157 = tpu.memref_slice %arg8[%run_scoped3A_38, %dma_wait3A_156] : memref<2x96xi32, #tpu.memory_space<vmem>> -> memref<1x96xi32, #tpu.memory_space<vmem>>
      %dma_wait3A_158 = tpu.memref_squeeze %dma_wait3A_157 : memref<1x96xi32, #tpu.memory_space<vmem>> -> memref<96xi32, #tpu.memory_space<vmem>>
      %dma_wait3A_159 = tpu.memref_slice %arg4[%multiple_of3A] : memref<325632xi32, #tpu.memory_space<hbm>> -> memref<96xi32, #tpu.memory_space<hbm>>
      tpu.wait_dma2 semaphore(%run_scoped3A_143 : memref<!tpu.dma_semaphore, #tpu.memory_space<semaphore_mem>>) src(%dma_wait3A_159 : memref<96xi32, #tpu.memory_space<hbm>>) dst(%dma_wait3A_158 : memref<96xi32, #tpu.memory_space<vmem>>)
      tpu.yield
    }) : () -> ()
    %dma_start3A = arith.constant 0 : i32
    %dma_start3A_39 = arith.constant 0 : i32
    %dma_start3A_40 = arith.constant 0 : i32
    %dma_start3A_41 = arith.constant 0 : i32
    %dma_start3A_42 = arith.constant 0 : i32
    %dma_start3A_43 = tpu.memref_slice %arg10[%dma_start3A_39, %dma_start3A_41, %dma_start3A_42] : memref<2x96x128xf32, #tpu.memory_space<vmem>> -> memref<1x96x128xf32, #tpu.memory_space<vmem>>
    %dma_start3A_44 = tpu.memref_squeeze %dma_start3A_43 : memref<1x96x128xf32, #tpu.memory_space<vmem>> -> memref<96x128xf32, #tpu.memory_space<vmem>>
    %dma_start3A_45 = arith.constant 0 : i32
    %dma_start3A_46 = tpu.memref_slice %arg8[%dma_start3A, %dma_start3A_45] : memref<2x96xi32, #tpu.memory_space<vmem>> -> memref<1x96xi32, #tpu.memory_space<vmem>>
    %dma_start3A_47 = tpu.memref_squeeze %dma_start3A_46 : memref<1x96xi32, #tpu.memory_space<vmem>> -> memref<96xi32, #tpu.memory_space<vmem>>
    %dma_start3A_48 = arith.constant 0 : i32
    %dma_start3A_49 = arith.constant 0 : i32
    %dma_start3A_50 = tpu.memref_slice %arg2[%dma_start3A_48, %dma_start3A_49] : memref<10000x128xf32, #tpu.memory_space<hbm>> -> memref<10000x128xf32, #tpu.memory_space<hbm>>
    %dma_start3A_51 = tpu.memref_slice %arg12[%dma_start3A_40] : memref<2x!tpu.dma_semaphore, #tpu.memory_space<semaphore_mem>> -> memref<1x!tpu.dma_semaphore, #tpu.memory_space<semaphore_mem>>
    %dma_start3A_52 = tpu.memref_squeeze %dma_start3A_51 : memref<1x!tpu.dma_semaphore, #tpu.memory_space<semaphore_mem>> -> memref<!tpu.dma_semaphore, #tpu.memory_space<semaphore_mem>>
    tpu.enqueue_indirect_dma source(%dma_start3A_50 : memref<10000x128xf32, #tpu.memory_space<hbm>>) target(%dma_start3A_44 : memref<96x128xf32, #tpu.memory_space<vmem>>) offsets(%dma_start3A_47 : memref<96xi32, #tpu.memory_space<vmem>>) semaphore(%dma_start3A_52 : memref<!tpu.dma_semaphore, #tpu.memory_space<semaphore_mem>>)
    %multiple_of3A_53 = tpu.assume_multiple %select_n3A_37, 96 : i32
    %dma_start3A_54 = arith.constant 0 : i32
    %dma_start3A_55 = arith.constant 0 : i32
    %dma_start3A_56 = arith.constant 0 : i32
    %dma_start3A_57 = arith.constant 0 : i32
    %dma_start3A_58 = tpu.memref_slice %arg11[%dma_start3A_54, %dma_start3A_56, %dma_start3A_57] : memref<2x96x128xf32, #tpu.memory_space<vmem>> -> memref<1x96x128xf32, #tpu.memory_space<vmem>>
    %dma_start3A_59 = tpu.memref_squeeze %dma_start3A_58 : memref<1x96x128xf32, #tpu.memory_space<vmem>> -> memref<96x128xf32, #tpu.memory_space<vmem>>
    %dma_start3A_60 = arith.constant 0 : i32
    %dma_start3A_61 = tpu.memref_slice %arg3[%multiple_of3A_53, %dma_start3A_60] : memref<325632x128xf32, #tpu.memory_space<hbm>> -> memref<96x128xf32, #tpu.memory_space<hbm>>
    %dma_start3A_62 = tpu.memref_slice %arg13[%dma_start3A_55] : memref<2x!tpu.dma_semaphore, #tpu.memory_space<semaphore_mem>> -> memref<1x!tpu.dma_semaphore, #tpu.memory_space<semaphore_mem>>
    %dma_start3A_63 = tpu.memref_squeeze %dma_start3A_62 : memref<1x!tpu.dma_semaphore, #tpu.memory_space<semaphore_mem>> -> memref<!tpu.dma_semaphore, #tpu.memory_space<semaphore_mem>>
    %dma_start3A_64 = arith.constant 0 : i32
    %dma_start3A_65 = arith.constant 0 : i32
    %dma_start3A_66 = tpu.memref_slice %arg11[%dma_start3A_54, %dma_start3A_64, %dma_start3A_65] : memref<2x96x128xf32, #tpu.memory_space<vmem>> -> memref<1x96x128xf32, #tpu.memory_space<vmem>>
    %dma_start3A_67 = tpu.memref_squeeze %dma_start3A_66 : memref<1x96x128xf32, #tpu.memory_space<vmem>> -> memref<96x128xf32, #tpu.memory_space<vmem>>
    %dma_start3A_68 = arith.constant 0 : i32
    %dma_start3A_69 = tpu.memref_slice %arg3[%multiple_of3A_53, %dma_start3A_68] : memref<325632x128xf32, #tpu.memory_space<hbm>> -> memref<96x128xf32, #tpu.memory_space<hbm>>
    tpu.enqueue_dma source(%dma_start3A_69 : memref<96x128xf32, #tpu.memory_space<hbm>>) target(%dma_start3A_67 : memref<96x128xf32, #tpu.memory_space<vmem>>) target_semaphore(%dma_start3A_63 : memref<!tpu.dma_semaphore, #tpu.memory_space<semaphore_mem>>)
    %multiple_of3A_70 = tpu.assume_multiple %select_n3A_37, 96 : i32
    %dma_start3A_71 = arith.constant 0 : i32
    %dma_start3A_72 = arith.constant 0 : i32
    %dma_start3A_73 = arith.constant 0 : i32
    %dma_start3A_74 = tpu.memref_slice %arg9[%dma_start3A_71, %dma_start3A_73] : memref<2x96xi32, #tpu.memory_space<vmem>> -> memref<1x96xi32, #tpu.memory_space<vmem>>
    %dma_start3A_75 = tpu.memref_squeeze %dma_start3A_74 : memref<1x96xi32, #tpu.memory_space<vmem>> -> memref<96xi32, #tpu.memory_space<vmem>>
    %dma_start3A_76 = tpu.memref_slice %arg5[%multiple_of3A_70] : memref<325632xi32, #tpu.memory_space<hbm>> -> memref<96xi32, #tpu.memory_space<hbm>>
    %dma_start3A_77 = tpu.memref_slice %arg14[%dma_start3A_72] : memref<2x!tpu.dma_semaphore, #tpu.memory_space<semaphore_mem>> -> memref<1x!tpu.dma_semaphore, #tpu.memory_space<semaphore_mem>>
    %dma_start3A_78 = tpu.memref_squeeze %dma_start3A_77 : memref<1x!tpu.dma_semaphore, #tpu.memory_space<semaphore_mem>> -> memref<!tpu.dma_semaphore, #tpu.memory_space<semaphore_mem>>
    %dma_start3A_79 = arith.constant 0 : i32
    %dma_start3A_80 = tpu.memref_slice %arg9[%dma_start3A_71, %dma_start3A_79] : memref<2x96xi32, #tpu.memory_space<vmem>> -> memref<1x96xi32, #tpu.memory_space<vmem>>
    %dma_start3A_81 = tpu.memref_squeeze %dma_start3A_80 : memref<1x96xi32, #tpu.memory_space<vmem>> -> memref<96xi32, #tpu.memory_space<vmem>>
    %dma_start3A_82 = tpu.memref_slice %arg5[%multiple_of3A_70] : memref<325632xi32, #tpu.memory_space<hbm>> -> memref<96xi32, #tpu.memory_space<hbm>>
    tpu.enqueue_dma source(%dma_start3A_82 : memref<96xi32, #tpu.memory_space<hbm>>) target(%dma_start3A_81 : memref<96xi32, #tpu.memory_space<vmem>>) target_semaphore(%dma_start3A_78 : memref<!tpu.dma_semaphore, #tpu.memory_space<semaphore_mem>>)
    %add3A_83 = arith.constant 96 : i32
    %add3A_84 = arith.addi %select_n3A_37, %add3A_83 : i32
    %multiple_of3A_85 = tpu.assume_multiple %add3A_84, 96 : i32
    %dma_start3A_86 = arith.constant 1 : i32
    %dma_start3A_87 = arith.constant 1 : i32
    %dma_start3A_88 = arith.constant 0 : i32
    %dma_start3A_89 = tpu.memref_slice %arg8[%dma_start3A_86, %dma_start3A_88] : memref<2x96xi32, #tpu.memory_space<vmem>> -> memref<1x96xi32, #tpu.memory_space<vmem>>
    %dma_start3A_90 = tpu.memref_squeeze %dma_start3A_89 : memref<1x96xi32, #tpu.memory_space<vmem>> -> memref<96xi32, #tpu.memory_space<vmem>>
    %dma_start3A_91 = tpu.memref_slice %arg4[%multiple_of3A_85] : memref<325632xi32, #tpu.memory_space<hbm>> -> memref<96xi32, #tpu.memory_space<hbm>>
    %dma_start3A_92 = tpu.memref_slice %arg16[%dma_start3A_87] : memref<2x!tpu.dma_semaphore, #tpu.memory_space<semaphore_mem>> -> memref<1x!tpu.dma_semaphore, #tpu.memory_space<semaphore_mem>>
    %dma_start3A_93 = tpu.memref_squeeze %dma_start3A_92 : memref<1x!tpu.dma_semaphore, #tpu.memory_space<semaphore_mem>> -> memref<!tpu.dma_semaphore, #tpu.memory_space<semaphore_mem>>
    %dma_start3A_94 = arith.constant 0 : i32
    %dma_start3A_95 = tpu.memref_slice %arg8[%dma_start3A_86, %dma_start3A_94] : memref<2x96xi32, #tpu.memory_space<vmem>> -> memref<1x96xi32, #tpu.memory_space<vmem>>
    %dma_start3A_96 = tpu.memref_squeeze %dma_start3A_95 : memref<1x96xi32, #tpu.memory_space<vmem>> -> memref<96xi32, #tpu.memory_space<vmem>>
    %dma_start3A_97 = tpu.memref_slice %arg4[%multiple_of3A_85] : memref<325632xi32, #tpu.memory_space<hbm>> -> memref<96xi32, #tpu.memory_space<hbm>>
    tpu.enqueue_dma source(%dma_start3A_97 : memref<96xi32, #tpu.memory_space<hbm>>) target(%dma_start3A_96 : memref<96xi32, #tpu.memory_space<vmem>>) target_semaphore(%dma_start3A_93 : memref<!tpu.dma_semaphore, #tpu.memory_space<semaphore_mem>>)
    %jit3A_98 = arith.constant 2 : i32
    %div3A = arith.divsi %select_n3A, %jit3A_98 : i32
    %sign3A = arith.constant 0 : i32
    %sign3A_99 = arith.cmpi sgt, %select_n3A, %sign3A : i32
    %sign3A_100 = arith.extui %sign3A_99 : i1 to i32
    %sign3A_101 = arith.constant 0 : i32
    %sign3A_102 = arith.cmpi slt, %select_n3A, %sign3A_101 : i32
    %sign3A_103 = arith.extui %sign3A_102 : i1 to i32
    %sign3A_104 = arith.subi %sign3A_100, %sign3A_103 : i32
    %sign3A_105 = arith.constant 0 : i32
    %sign3A_106 = arith.cmpi sgt, %jit3A_98, %sign3A_105 : i32
    %sign3A_107 = arith.extui %sign3A_106 : i1 to i32
    %sign3A_108 = arith.constant 0 : i32
    %sign3A_109 = arith.cmpi slt, %jit3A_98, %sign3A_108 : i32
    %sign3A_110 = arith.extui %sign3A_109 : i1 to i32
    %sign3A_111 = arith.subi %sign3A_107, %sign3A_110 : i32
    %ne3A = arith.cmpi ne, %sign3A_104, %sign3A_111 : i32
    %rem3A = arith.remsi %select_n3A, %jit3A_98 : i32
    %ne3A_112 = arith.constant 0 : i32
    %ne3A_113 = arith.cmpi ne, %rem3A, %ne3A_112 : i32
    %and3A = arith.andi %ne3A, %ne3A_113 : i1
    %sub3A_114 = arith.constant 1 : i32
    %sub3A_115 = arith.subi %div3A, %sub3A_114 : i32
    %select_n3A_116 = arith.select %and3A, %sub3A_115, %div3A : i32
    %while3A = arith.constant 0 : i32
    %while3A_117 = arith.constant 0 : i32
    %while3A_118 = arith.subi %select_n3A_116, %while3A : i32
    %while3A_119 = arith.addi %while3A, %while3A_118 : i32
    %while3A_120 = arith.constant 1 : i32
    %while3A_121 = arith.divsi %while3A_118, %while3A_120 : i32
    %while3A_122 = arith.muli %while3A_121, %while3A_120 : i32
    %while3A_123 = arith.addi %while3A, %while3A_122 : i32
    %while3A_124 = arith.constant 1 : i32
    %while3A_125 = scf.for %while3A_143 = %while3A to %while3A_123 step %while3A_124 iter_args(%while3A_144 = %while3A_117) -> (i32)  : i32 {
      %mul3A_145 = arith.constant 2 : i32
      %mul3A_146 = arith.muli %mul3A_145, %while3A_143 : i32
      %ge3A = arith.constant 1 : i32
      %ge3A_147 = arith.cmpi sge, %mul3A_146, %ge3A : i32
      %convert_element_type3A = arith.extui %ge3A_147 : i1 to i32
      %cond3A = arith.constant 0 : i32
      %cond3A_148 = arith.cmpi ne, %convert_element_type3A, %cond3A : i32
      scf.if %cond3A_148 {
        %dma_wait3A_311 = arith.constant 1 : i32
        %dma_wait3A_312 = arith.constant 1 : i32
        %dma_wait3A_313 = arith.constant 1 : i32
        %dma_wait3A_314 = arith.constant 0 : i32
        %dma_wait3A_315 = arith.constant 0 : i32
        %dma_wait3A_316 = tpu.memref_slice %arg10[%dma_wait3A_311, %dma_wait3A_314, %dma_wait3A_315] : memref<2x96x128xf32, #tpu.memory_space<vmem>> -> memref<1x96x128xf32, #tpu.memory_space<vmem>>
        %dma_wait3A_317 = tpu.memref_squeeze %dma_wait3A_316 : memref<1x96x128xf32, #tpu.memory_space<vmem>> -> memref<96x128xf32, #tpu.memory_space<vmem>>
        %dma_wait3A_318 = arith.constant 0 : i32
        %dma_wait3A_319 = tpu.memref_slice %arg9[%dma_wait3A_312, %dma_wait3A_318] : memref<2x96xi32, #tpu.memory_space<vmem>> -> memref<1x96xi32, #tpu.memory_space<vmem>>
        %dma_wait3A_320 = tpu.memref_squeeze %dma_wait3A_319 : memref<1x96xi32, #tpu.memory_space<vmem>> -> memref<96xi32, #tpu.memory_space<vmem>>
        %dma_wait3A_321 = arith.constant 0 : i32
        %dma_wait3A_322 = arith.constant 0 : i32
        %dma_wait3A_323 = tpu.memref_slice %arg7[%dma_wait3A_321, %dma_wait3A_322] : memref<10112x128xf32, #tpu.memory_space<vmem_shared>> -> memref<10112x128xf32, #tpu.memory_space<vmem_shared>>
        %dma_wait3A_324 = tpu.memref_slice %arg15[%dma_wait3A_313] : memref<2x!tpu.dma_semaphore, #tpu.memory_space<semaphore_mem>> -> memref<1x!tpu.dma_semaphore, #tpu.memory_space<semaphore_mem>>
        %dma_wait3A_325 = tpu.memref_squeeze %dma_wait3A_324 : memref<1x!tpu.dma_semaphore, #tpu.memory_space<semaphore_mem>> -> memref<!tpu.dma_semaphore, #tpu.memory_space<semaphore_mem>>
        tpu.wait_indirect_dma semaphore(%dma_wait3A_325 : memref<!tpu.dma_semaphore, #tpu.memory_space<semaphore_mem>>) src(%dma_wait3A_317 : memref<96x128xf32, #tpu.memory_space<vmem>>) dst(%dma_wait3A_323 : memref<10112x128xf32, #tpu.memory_space<vmem_shared>>)
      } else {
      }
      %sub3A_149 = arith.constant 1 : i32
      %sub3A_150 = arith.subi %select_n3A, %sub3A_149 : i32
      %lt3A = arith.cmpi slt, %mul3A_146, %sub3A_150 : i32
      %convert_element_type3A_151 = arith.extui %lt3A : i1 to i32
      %cond3A_152 = arith.constant 0 : i32
      %cond3A_153 = arith.cmpi ne, %convert_element_type3A_151, %cond3A_152 : i32
      scf.if %cond3A_153 {
        %add3A_311 = arith.constant 1 : i32
        %add3A_312 = arith.addi %mul3A_146, %add3A_311 : i32
        %mul3A_313 = arith.constant 96 : i32
        %mul3A_314 = arith.muli %add3A_312, %mul3A_313 : i32
        %add3A_315 = arith.addi %select_n3A_37, %mul3A_314 : i32
        %multiple_of3A_316 = tpu.assume_multiple %add3A_315, 96 : i32
        %dma_wait3A_317 = arith.constant 1 : i32
        %dma_wait3A_318 = arith.constant 1 : i32
        %dma_wait3A_319 = arith.constant 0 : i32
        %dma_wait3A_320 = tpu.memref_slice %arg8[%dma_wait3A_317, %dma_wait3A_319] : memref<2x96xi32, #tpu.memory_space<vmem>> -> memref<1x96xi32, #tpu.memory_space<vmem>>
        %dma_wait3A_321 = tpu.memref_squeeze %dma_wait3A_320 : memref<1x96xi32, #tpu.memory_space<vmem>> -> memref<96xi32, #tpu.memory_space<vmem>>
        %dma_wait3A_322 = arith.constant 0 : i32
        %dma_wait3A_323 = tpu.memref_slice %arg4[%dma_wait3A_322] : memref<325632xi32, #tpu.memory_space<hbm>> -> memref<96xi32, #tpu.memory_space<hbm>>
        %dma_wait3A_324 = tpu.memref_slice %arg16[%dma_wait3A_318] : memref<2x!tpu.dma_semaphore, #tpu.memory_space<semaphore_mem>> -> memref<1x!tpu.dma_semaphore, #tpu.memory_space<semaphore_mem>>
        %dma_wait3A_325 = tpu.memref_squeeze %dma_wait3A_324 : memref<1x!tpu.dma_semaphore, #tpu.memory_space<semaphore_mem>> -> memref<!tpu.dma_semaphore, #tpu.memory_space<semaphore_mem>>
        %dma_wait3A_326 = arith.constant 0 : i32
        %dma_wait3A_327 = tpu.memref_slice %arg8[%dma_wait3A_317, %dma_wait3A_326] : memref<2x96xi32, #tpu.memory_space<vmem>> -> memref<1x96xi32, #tpu.memory_space<vmem>>
        %dma_wait3A_328 = tpu.memref_squeeze %dma_wait3A_327 : memref<1x96xi32, #tpu.memory_space<vmem>> -> memref<96xi32, #tpu.memory_space<vmem>>
        %dma_wait3A_329 = arith.constant 0 : i32
        %dma_wait3A_330 = tpu.memref_slice %arg4[%dma_wait3A_329] : memref<325632xi32, #tpu.memory_space<hbm>> -> memref<96xi32, #tpu.memory_space<hbm>>
        tpu.wait_dma2 semaphore(%dma_wait3A_325 : memref<!tpu.dma_semaphore, #tpu.memory_space<semaphore_mem>>) src(%dma_wait3A_330 : memref<96xi32, #tpu.memory_space<hbm>>) dst(%dma_wait3A_328 : memref<96xi32, #tpu.memory_space<vmem>>)
        %dma_start3A_331 = arith.constant 1 : i32
        %dma_start3A_332 = arith.constant 1 : i32
        %dma_start3A_333 = arith.constant 1 : i32
        %dma_start3A_334 = arith.constant 0 : i32
        %dma_start3A_335 = arith.constant 0 : i32
        %dma_start3A_336 = tpu.memref_slice %arg10[%dma_start3A_332, %dma_start3A_334, %dma_start3A_335] : memref<2x96x128xf32, #tpu.memory_space<vmem>> -> memref<1x96x128xf32, #tpu.memory_space<vmem>>
        %dma_start3A_337 = tpu.memref_squeeze %dma_start3A_336 : memref<1x96x128xf32, #tpu.memory_space<vmem>> -> memref<96x128xf32, #tpu.memory_space<vmem>>
        %dma_start3A_338 = arith.constant 0 : i32
        %dma_start3A_339 = tpu.memref_slice %arg8[%dma_start3A_331, %dma_start3A_338] : memref<2x96xi32, #tpu.memory_space<vmem>> -> memref<1x96xi32, #tpu.memory_space<vmem>>
        %dma_start3A_340 = tpu.memref_squeeze %dma_start3A_339 : memref<1x96xi32, #tpu.memory_space<vmem>> -> memref<96xi32, #tpu.memory_space<vmem>>
        %dma_start3A_341 = arith.constant 0 : i32
        %dma_start3A_342 = arith.constant 0 : i32
        %dma_start3A_343 = tpu.memref_slice %arg2[%dma_start3A_341, %dma_start3A_342] : memref<10000x128xf32, #tpu.memory_space<hbm>> -> memref<10000x128xf32, #tpu.memory_space<hbm>>
        %dma_start3A_344 = tpu.memref_slice %arg12[%dma_start3A_333] : memref<2x!tpu.dma_semaphore, #tpu.memory_space<semaphore_mem>> -> memref<1x!tpu.dma_semaphore, #tpu.memory_space<semaphore_mem>>
        %dma_start3A_345 = tpu.memref_squeeze %dma_start3A_344 : memref<1x!tpu.dma_semaphore, #tpu.memory_space<semaphore_mem>> -> memref<!tpu.dma_semaphore, #tpu.memory_space<semaphore_mem>>
        tpu.enqueue_indirect_dma source(%dma_start3A_343 : memref<10000x128xf32, #tpu.memory_space<hbm>>) target(%dma_start3A_337 : memref<96x128xf32, #tpu.memory_space<vmem>>) offsets(%dma_start3A_340 : memref<96xi32, #tpu.memory_space<vmem>>) semaphore(%dma_start3A_345 : memref<!tpu.dma_semaphore, #tpu.memory_space<semaphore_mem>>)
        %dma_start3A_346 = arith.constant 1 : i32
        %dma_start3A_347 = arith.constant 1 : i32
        %dma_start3A_348 = arith.constant 0 : i32
        %dma_start3A_349 = arith.constant 0 : i32
        %dma_start3A_350 = tpu.memref_slice %arg11[%dma_start3A_346, %dma_start3A_348, %dma_start3A_349] : memref<2x96x128xf32, #tpu.memory_space<vmem>> -> memref<1x96x128xf32, #tpu.memory_space<vmem>>
        %dma_start3A_351 = tpu.memref_squeeze %dma_start3A_350 : memref<1x96x128xf32, #tpu.memory_space<vmem>> -> memref<96x128xf32, #tpu.memory_space<vmem>>
        %dma_start3A_352 = arith.constant 0 : i32
        %dma_start3A_353 = tpu.memref_slice %arg3[%multiple_of3A_316, %dma_start3A_352] : memref<325632x128xf32, #tpu.memory_space<hbm>> -> memref<96x128xf32, #tpu.memory_space<hbm>>
        %dma_start3A_354 = tpu.memref_slice %arg13[%dma_start3A_347] : memref<2x!tpu.dma_semaphore, #tpu.memory_space<semaphore_mem>> -> memref<1x!tpu.dma_semaphore, #tpu.memory_space<semaphore_mem>>
        %dma_start3A_355 = tpu.memref_squeeze %dma_start3A_354 : memref<1x!tpu.dma_semaphore, #tpu.memory_space<semaphore_mem>> -> memref<!tpu.dma_semaphore, #tpu.memory_space<semaphore_mem>>
        %dma_start3A_356 = arith.constant 0 : i32
        %dma_start3A_357 = arith.constant 0 : i32
        %dma_start3A_358 = tpu.memref_slice %arg11[%dma_start3A_346, %dma_start3A_356, %dma_start3A_357] : memref<2x96x128xf32, #tpu.memory_space<vmem>> -> memref<1x96x128xf32, #tpu.memory_space<vmem>>
        %dma_start3A_359 = tpu.memref_squeeze %dma_start3A_358 : memref<1x96x128xf32, #tpu.memory_space<vmem>> -> memref<96x128xf32, #tpu.memory_space<vmem>>
        %dma_start3A_360 = arith.constant 0 : i32
        %dma_start3A_361 = tpu.memref_slice %arg3[%multiple_of3A_316, %dma_start3A_360] : memref<325632x128xf32, #tpu.memory_space<hbm>> -> memref<96x128xf32, #tpu.memory_space<hbm>>
        tpu.enqueue_dma source(%dma_start3A_361 : memref<96x128xf32, #tpu.memory_space<hbm>>) target(%dma_start3A_359 : memref<96x128xf32, #tpu.memory_space<vmem>>) target_semaphore(%dma_start3A_355 : memref<!tpu.dma_semaphore, #tpu.memory_space<semaphore_mem>>)
        %dma_start3A_362 = arith.constant 1 : i32
        %dma_start3A_363 = arith.constant 1 : i32
        %dma_start3A_364 = arith.constant 0 : i32
        %dma_start3A_365 = tpu.memref_slice %arg9[%dma_start3A_362, %dma_start3A_364] : memref<2x96xi32, #tpu.memory_space<vmem>> -> memref<1x96xi32, #tpu.memory_space<vmem>>
        %dma_start3A_366 = tpu.memref_squeeze %dma_start3A_365 : memref<1x96xi32, #tpu.memory_space<vmem>> -> memref<96xi32, #tpu.memory_space<vmem>>
        %dma_start3A_367 = tpu.memref_slice %arg5[%multiple_of3A_316] : memref<325632xi32, #tpu.memory_space<hbm>> -> memref<96xi32, #tpu.memory_space<hbm>>
        %dma_start3A_368 = tpu.memref_slice %arg14[%dma_start3A_363] : memref<2x!tpu.dma_semaphore, #tpu.memory_space<semaphore_mem>> -> memref<1x!tpu.dma_semaphore, #tpu.memory_space<semaphore_mem>>
        %dma_start3A_369 = tpu.memref_squeeze %dma_start3A_368 : memref<1x!tpu.dma_semaphore, #tpu.memory_space<semaphore_mem>> -> memref<!tpu.dma_semaphore, #tpu.memory_space<semaphore_mem>>
        %dma_start3A_370 = arith.constant 0 : i32
        %dma_start3A_371 = tpu.memref_slice %arg9[%dma_start3A_362, %dma_start3A_370] : memref<2x96xi32, #tpu.memory_space<vmem>> -> memref<1x96xi32, #tpu.memory_space<vmem>>
        %dma_start3A_372 = tpu.memref_squeeze %dma_start3A_371 : memref<1x96xi32, #tpu.memory_space<vmem>> -> memref<96xi32, #tpu.memory_space<vmem>>
        %dma_start3A_373 = tpu.memref_slice %arg5[%multiple_of3A_316] : memref<325632xi32, #tpu.memory_space<hbm>> -> memref<96xi32, #tpu.memory_space<hbm>>
        tpu.enqueue_dma source(%dma_start3A_373 : memref<96xi32, #tpu.memory_space<hbm>>) target(%dma_start3A_372 : memref<96xi32, #tpu.memory_space<vmem>>) target_semaphore(%dma_start3A_369 : memref<!tpu.dma_semaphore, #tpu.memory_space<semaphore_mem>>)
      } else {
      }
      %dma_wait3A_154 = arith.constant 0 : i32
      %dma_wait3A_155 = arith.constant 0 : i32
      %dma_wait3A_156 = arith.constant 0 : i32
      %dma_wait3A_157 = arith.constant 0 : i32
      %dma_wait3A_158 = arith.constant 0 : i32
      %dma_wait3A_159 = tpu.memref_slice %arg10[%dma_wait3A_155, %dma_wait3A_157, %dma_wait3A_158] : memref<2x96x128xf32, #tpu.memory_space<vmem>> -> memref<1x96x128xf32, #tpu.memory_space<vmem>>
      %dma_wait3A_160 = tpu.memref_squeeze %dma_wait3A_159 : memref<1x96x128xf32, #tpu.memory_space<vmem>> -> memref<96x128xf32, #tpu.memory_space<vmem>>
      %dma_wait3A_161 = arith.constant 0 : i32
      %dma_wait3A_162 = tpu.memref_slice %arg8[%dma_wait3A_154, %dma_wait3A_161] : memref<2x96xi32, #tpu.memory_space<vmem>> -> memref<1x96xi32, #tpu.memory_space<vmem>>
      %dma_wait3A_163 = tpu.memref_squeeze %dma_wait3A_162 : memref<1x96xi32, #tpu.memory_space<vmem>> -> memref<96xi32, #tpu.memory_space<vmem>>
      %dma_wait3A_164 = arith.constant 0 : i32
      %dma_wait3A_165 = arith.constant 0 : i32
      %dma_wait3A_166 = tpu.memref_slice %arg2[%dma_wait3A_164, %dma_wait3A_165] : memref<10000x128xf32, #tpu.memory_space<hbm>> -> memref<10000x128xf32, #tpu.memory_space<hbm>>
      %dma_wait3A_167 = tpu.memref_slice %arg12[%dma_wait3A_156] : memref<2x!tpu.dma_semaphore, #tpu.memory_space<semaphore_mem>> -> memref<1x!tpu.dma_semaphore, #tpu.memory_space<semaphore_mem>>
      %dma_wait3A_168 = tpu.memref_squeeze %dma_wait3A_167 : memref<1x!tpu.dma_semaphore, #tpu.memory_space<semaphore_mem>> -> memref<!tpu.dma_semaphore, #tpu.memory_space<semaphore_mem>>
      tpu.wait_indirect_dma semaphore(%dma_wait3A_168 : memref<!tpu.dma_semaphore, #tpu.memory_space<semaphore_mem>>) src(%dma_wait3A_166 : memref<10000x128xf32, #tpu.memory_space<hbm>>) dst(%dma_wait3A_160 : memref<96x128xf32, #tpu.memory_space<vmem>>)
      %dma_wait3A_169 = arith.constant 0 : i32
      %dma_wait3A_170 = arith.constant 0 : i32
      %dma_wait3A_171 = arith.constant 0 : i32
      %dma_wait3A_172 = arith.constant 0 : i32
      %dma_wait3A_173 = tpu.memref_slice %arg11[%dma_wait3A_169, %dma_wait3A_171, %dma_wait3A_172] : memref<2x96x128xf32, #tpu.memory_space<vmem>> -> memref<1x96x128xf32, #tpu.memory_space<vmem>>
      %dma_wait3A_174 = tpu.memref_squeeze %dma_wait3A_173 : memref<1x96x128xf32, #tpu.memory_space<vmem>> -> memref<96x128xf32, #tpu.memory_space<vmem>>
      %dma_wait3A_175 = arith.constant 0 : i32
      %dma_wait3A_176 = arith.constant 0 : i32
      %dma_wait3A_177 = tpu.memref_slice %arg3[%dma_wait3A_175, %dma_wait3A_176] : memref<325632x128xf32, #tpu.memory_space<hbm>> -> memref<96x128xf32, #tpu.memory_space<hbm>>
      %dma_wait3A_178 = tpu.memref_slice %arg13[%dma_wait3A_170] : memref<2x!tpu.dma_semaphore, #tpu.memory_space<semaphore_mem>> -> memref<1x!tpu.dma_semaphore, #tpu.memory_space<semaphore_mem>>
      %dma_wait3A_179 = tpu.memref_squeeze %dma_wait3A_178 : memref<1x!tpu.dma_semaphore, #tpu.memory_space<semaphore_mem>> -> memref<!tpu.dma_semaphore, #tpu.memory_space<semaphore_mem>>
      %dma_wait3A_180 = arith.constant 0 : i32
      %dma_wait3A_181 = arith.constant 0 : i32
      %dma_wait3A_182 = tpu.memref_slice %arg11[%dma_wait3A_169, %dma_wait3A_180, %dma_wait3A_181] : memref<2x96x128xf32, #tpu.memory_space<vmem>> -> memref<1x96x128xf32, #tpu.memory_space<vmem>>
      %dma_wait3A_183 = tpu.memref_squeeze %dma_wait3A_182 : memref<1x96x128xf32, #tpu.memory_space<vmem>> -> memref<96x128xf32, #tpu.memory_space<vmem>>
      %dma_wait3A_184 = arith.constant 0 : i32
      %dma_wait3A_185 = arith.constant 0 : i32
      %dma_wait3A_186 = tpu.memref_slice %arg3[%dma_wait3A_184, %dma_wait3A_185] : memref<325632x128xf32, #tpu.memory_space<hbm>> -> memref<96x128xf32, #tpu.memory_space<hbm>>
      tpu.wait_dma2 semaphore(%dma_wait3A_179 : memref<!tpu.dma_semaphore, #tpu.memory_space<semaphore_mem>>) src(%dma_wait3A_186 : memref<96x128xf32, #tpu.memory_space<hbm>>) dst(%dma_wait3A_183 : memref<96x128xf32, #tpu.memory_space<vmem>>)
      %sub3A_187 = arith.constant 2 : i32
      %sub3A_188 = arith.subi %select_n3A, %sub3A_187 : i32
      %lt3A_189 = arith.cmpi slt, %mul3A_146, %sub3A_188 : i32
      %convert_element_type3A_190 = arith.extui %lt3A_189 : i1 to i32
      %cond3A_191 = arith.constant 0 : i32
      %cond3A_192 = arith.cmpi ne, %convert_element_type3A_190, %cond3A_191 : i32
      scf.if %cond3A_192 {
        %add3A_311 = arith.constant 2 : i32
        %add3A_312 = arith.addi %mul3A_146, %add3A_311 : i32
        %mul3A_313 = arith.constant 96 : i32
        %mul3A_314 = arith.muli %add3A_312, %mul3A_313 : i32
        %add3A_315 = arith.addi %select_n3A_37, %mul3A_314 : i32
        %multiple_of3A_316 = tpu.assume_multiple %add3A_315, 96 : i32
        %dma_start3A_317 = arith.constant 0 : i32
        %dma_start3A_318 = arith.constant 0 : i32
        %dma_start3A_319 = arith.constant 0 : i32
        %dma_start3A_320 = tpu.memref_slice %arg8[%dma_start3A_317, %dma_start3A_319] : memref<2x96xi32, #tpu.memory_space<vmem>> -> memref<1x96xi32, #tpu.memory_space<vmem>>
        %dma_start3A_321 = tpu.memref_squeeze %dma_start3A_320 : memref<1x96xi32, #tpu.memory_space<vmem>> -> memref<96xi32, #tpu.memory_space<vmem>>
        %dma_start3A_322 = tpu.memref_slice %arg4[%multiple_of3A_316] : memref<325632xi32, #tpu.memory_space<hbm>> -> memref<96xi32, #tpu.memory_space<hbm>>
        %dma_start3A_323 = tpu.memref_slice %arg16[%dma_start3A_318] : memref<2x!tpu.dma_semaphore, #tpu.memory_space<semaphore_mem>> -> memref<1x!tpu.dma_semaphore, #tpu.memory_space<semaphore_mem>>
        %dma_start3A_324 = tpu.memref_squeeze %dma_start3A_323 : memref<1x!tpu.dma_semaphore, #tpu.memory_space<semaphore_mem>> -> memref<!tpu.dma_semaphore, #tpu.memory_space<semaphore_mem>>
        %dma_start3A_325 = arith.constant 0 : i32
        %dma_start3A_326 = tpu.memref_slice %arg8[%dma_start3A_317, %dma_start3A_325] : memref<2x96xi32, #tpu.memory_space<vmem>> -> memref<1x96xi32, #tpu.memory_space<vmem>>
        %dma_start3A_327 = tpu.memref_squeeze %dma_start3A_326 : memref<1x96xi32, #tpu.memory_space<vmem>> -> memref<96xi32, #tpu.memory_space<vmem>>
        %dma_start3A_328 = tpu.memref_slice %arg4[%multiple_of3A_316] : memref<325632xi32, #tpu.memory_space<hbm>> -> memref<96xi32, #tpu.memory_space<hbm>>
        tpu.enqueue_dma source(%dma_start3A_328 : memref<96xi32, #tpu.memory_space<hbm>>) target(%dma_start3A_327 : memref<96xi32, #tpu.memory_space<vmem>>) target_semaphore(%dma_start3A_324 : memref<!tpu.dma_semaphore, #tpu.memory_space<semaphore_mem>>)
      } else {
      }
      %parallel_loop3A = arith.constant 0 : i32
      %parallel_loop3A_193 = arith.constant 96 : i32
      %parallel_loop3A_194 = arith.constant 1 : i32
      scf.for %parallel_loop3A_311 = %parallel_loop3A to %parallel_loop3A_193 step %parallel_loop3A_194  : i32 {
        %parallel_loop3A_312 = arith.constant 0 : i32
        %parallel_loop3A_313 = arith.index_cast %parallel_loop3A_312 : i32 to index
        %parallel_loop3A_314 = arith.index_cast %parallel_loop3A_311 : i32 to index
        %parallel_loop3A_315 = arith.constant 0 : index
        %parallel_loop3A_316 = tpu.vector_load %arg10[%parallel_loop3A_313, %parallel_loop3A_314, %parallel_loop3A_315] {strides = array<i32>} : memref<2x96x128xf32, #tpu.memory_space<vmem>>, vector<1x1x16xf32>,
        %parallel_loop3A_317 = vector.shape_cast %parallel_loop3A_316 : vector<1x1x16xf32> to vector<16xf32>
        %parallel_loop3A_318 = arith.constant 0 : i32
        %parallel_loop3A_319 = arith.index_cast %parallel_loop3A_318 : i32 to index
        %parallel_loop3A_320 = arith.index_cast %parallel_loop3A_311 : i32 to index
        %parallel_loop3A_321 = arith.constant 0 : index
        %parallel_loop3A_322 = tpu.vector_load %arg11[%parallel_loop3A_319, %parallel_loop3A_320, %parallel_loop3A_321] {strides = array<i32>} : memref<2x96x128xf32, #tpu.memory_space<vmem>>, vector<1x1x16xf32>,
        %parallel_loop3A_323 = vector.shape_cast %parallel_loop3A_322 : vector<1x1x16xf32> to vector<16xf32>
        %parallel_loop3A_324 = arith.addf %parallel_loop3A_317, %parallel_loop3A_323 : vector<16xf32>
        %parallel_loop3A_325 = arith.constant 0.000000e+00 : f32
        %parallel_loop3A_326 = vector.broadcast %parallel_loop3A_325 : f32 to vector<16xf32>
        %parallel_loop3A_327 = arith.maximumf %parallel_loop3A_324, %parallel_loop3A_326 : vector<16xf32>
        %parallel_loop3A_328 = arith.constant 0 : i32
        %parallel_loop3A_329 = arith.index_cast %parallel_loop3A_328 : i32 to index
        %parallel_loop3A_330 = arith.index_cast %parallel_loop3A_311 : i32 to index
        %parallel_loop3A_331 = arith.constant 0 : index
        %parallel_loop3A_332 = tpu.vector_load %arg10[%parallel_loop3A_329, %parallel_loop3A_330, %parallel_loop3A_331] {strides = array<i32>} : memref<2x96x128xf32, #tpu.memory_space<vmem>>, vector<1x1x16xf32>,
        %parallel_loop3A_333 = vector.shape_cast %parallel_loop3A_332 : vector<1x1x16xf32> to vector<16xf32>
        %parallel_loop3A_334 = vector.shape_cast %parallel_loop3A_327 : vector<16xf32> to vector<1x1x16xf32>
        tpu.vector_store %arg10[%parallel_loop3A_329, %parallel_loop3A_330, %parallel_loop3A_331], %parallel_loop3A_334 {strides = array<i32>} : memref<2x96x128xf32, #tpu.memory_space<vmem>>, vector<1x1x16xf32>,
        %parallel_loop3A_335 = arith.constant 0 : i32
        %parallel_loop3A_336 = arith.index_cast %parallel_loop3A_335 : i32 to index
        %parallel_loop3A_337 = arith.index_cast %parallel_loop3A_311 : i32 to index
        %parallel_loop3A_338 = arith.constant 16 : index
        %parallel_loop3A_339 = tpu.vector_load %arg10[%parallel_loop3A_336, %parallel_loop3A_337, %parallel_loop3A_338] {strides = array<i32>} : memref<2x96x128xf32, #tpu.memory_space<vmem>>, vector<1x1x16xf32>,
        %parallel_loop3A_340 = vector.shape_cast %parallel_loop3A_339 : vector<1x1x16xf32> to vector<16xf32>
        %parallel_loop3A_341 = arith.constant 0 : i32
        %parallel_loop3A_342 = arith.index_cast %parallel_loop3A_341 : i32 to index
        %parallel_loop3A_343 = arith.index_cast %parallel_loop3A_311 : i32 to index
        %parallel_loop3A_344 = arith.constant 16 : index
        %parallel_loop3A_345 = tpu.vector_load %arg11[%parallel_loop3A_342, %parallel_loop3A_343, %parallel_loop3A_344] {strides = array<i32>} : memref<2x96x128xf32, #tpu.memory_space<vmem>>, vector<1x1x16xf32>,
        %parallel_loop3A_346 = vector.shape_cast %parallel_loop3A_345 : vector<1x1x16xf32> to vector<16xf32>
        %parallel_loop3A_347 = arith.addf %parallel_loop3A_340, %parallel_loop3A_346 : vector<16xf32>
        %parallel_loop3A_348 = arith.constant 0.000000e+00 : f32
        %parallel_loop3A_349 = vector.broadcast %parallel_loop3A_348 : f32 to vector<16xf32>
        %parallel_loop3A_350 = arith.maximumf %parallel_loop3A_347, %parallel_loop3A_349 : vector<16xf32>
        %parallel_loop3A_351 = arith.constant 0 : i32
        %parallel_loop3A_352 = arith.index_cast %parallel_loop3A_351 : i32 to index
        %parallel_loop3A_353 = arith.index_cast %parallel_loop3A_311 : i32 to index
        %parallel_loop3A_354 = arith.constant 16 : index
        %parallel_loop3A_355 = tpu.vector_load %arg10[%parallel_loop3A_352, %parallel_loop3A_353, %parallel_loop3A_354] {strides = array<i32>} : memref<2x96x128xf32, #tpu.memory_space<vmem>>, vector<1x1x16xf32>,
        %parallel_loop3A_356 = vector.shape_cast %parallel_loop3A_355 : vector<1x1x16xf32> to vector<16xf32>
        %parallel_loop3A_357 = vector.shape_cast %parallel_loop3A_350 : vector<16xf32> to vector<1x1x16xf32>
        tpu.vector_store %arg10[%parallel_loop3A_352, %parallel_loop3A_353, %parallel_loop3A_354], %parallel_loop3A_357 {strides = array<i32>} : memref<2x96x128xf32, #tpu.memory_space<vmem>>, vector<1x1x16xf32>,
        %parallel_loop3A_358 = arith.constant 0 : i32
        %parallel_loop3A_359 = arith.index_cast %parallel_loop3A_358 : i32 to index
        %parallel_loop3A_360 = arith.index_cast %parallel_loop3A_311 : i32 to index
        %parallel_loop3A_361 = arith.constant 32 : index
        %parallel_loop3A_362 = tpu.vector_load %arg10[%parallel_loop3A_359, %parallel_loop3A_360, %parallel_loop3A_361] {strides = array<i32>} : memref<2x96x128xf32, #tpu.memory_space<vmem>>, vector<1x1x16xf32>,
        %parallel_loop3A_363 = vector.shape_cast %parallel_loop3A_362 : vector<1x1x16xf32> to vector<16xf32>
        %parallel_loop3A_364 = arith.constant 0 : i32
        %parallel_loop3A_365 = arith.index_cast %parallel_loop3A_364 : i32 to index
        %parallel_loop3A_366 = arith.index_cast %parallel_loop3A_311 : i32 to index
        %parallel_loop3A_367 = arith.constant 32 : index
        %parallel_loop3A_368 = tpu.vector_load %arg11[%parallel_loop3A_365, %parallel_loop3A_366, %parallel_loop3A_367] {strides = array<i32>} : memref<2x96x128xf32, #tpu.memory_space<vmem>>, vector<1x1x16xf32>,
        %parallel_loop3A_369 = vector.shape_cast %parallel_loop3A_368 : vector<1x1x16xf32> to vector<16xf32>
        %parallel_loop3A_370 = arith.addf %parallel_loop3A_363, %parallel_loop3A_369 : vector<16xf32>
        %parallel_loop3A_371 = arith.constant 0.000000e+00 : f32
        %parallel_loop3A_372 = vector.broadcast %parallel_loop3A_371 : f32 to vector<16xf32>
        %parallel_loop3A_373 = arith.maximumf %parallel_loop3A_370, %parallel_loop3A_372 : vector<16xf32>
        %parallel_loop3A_374 = arith.constant 0 : i32
        %parallel_loop3A_375 = arith.index_cast %parallel_loop3A_374 : i32 to index
        %parallel_loop3A_376 = arith.index_cast %parallel_loop3A_311 : i32 to index
        %parallel_loop3A_377 = arith.constant 32 : index
        %parallel_loop3A_378 = tpu.vector_load %arg10[%parallel_loop3A_375, %parallel_loop3A_376, %parallel_loop3A_377] {strides = array<i32>} : memref<2x96x128xf32, #tpu.memory_space<vmem>>, vector<1x1x16xf32>,
        %parallel_loop3A_379 = vector.shape_cast %parallel_loop3A_378 : vector<1x1x16xf32> to vector<16xf32>
        %parallel_loop3A_380 = vector.shape_cast %parallel_loop3A_373 : vector<16xf32> to vector<1x1x16xf32>
        tpu.vector_store %arg10[%parallel_loop3A_375, %parallel_loop3A_376, %parallel_loop3A_377], %parallel_loop3A_380 {strides = array<i32>} : memref<2x96x128xf32, #tpu.memory_space<vmem>>, vector<1x1x16xf32>,
        %parallel_loop3A_381 = arith.constant 0 : i32
        %parallel_loop3A_382 = arith.index_cast %parallel_loop3A_381 : i32 to index
        %parallel_loop3A_383 = arith.index_cast %parallel_loop3A_311 : i32 to index
        %parallel_loop3A_384 = arith.constant 48 : index
        %parallel_loop3A_385 = tpu.vector_load %arg10[%parallel_loop3A_382, %parallel_loop3A_383, %parallel_loop3A_384] {strides = array<i32>} : memref<2x96x128xf32, #tpu.memory_space<vmem>>, vector<1x1x16xf32>,
        %parallel_loop3A_386 = vector.shape_cast %parallel_loop3A_385 : vector<1x1x16xf32> to vector<16xf32>
        %parallel_loop3A_387 = arith.constant 0 : i32
        %parallel_loop3A_388 = arith.index_cast %parallel_loop3A_387 : i32 to index
        %parallel_loop3A_389 = arith.index_cast %parallel_loop3A_311 : i32 to index
        %parallel_loop3A_390 = arith.constant 48 : index
        %parallel_loop3A_391 = tpu.vector_load %arg11[%parallel_loop3A_388, %parallel_loop3A_389, %parallel_loop3A_390] {strides = array<i32>} : memref<2x96x128xf32, #tpu.memory_space<vmem>>, vector<1x1x16xf32>,
        %parallel_loop3A_392 = vector.shape_cast %parallel_loop3A_391 : vector<1x1x16xf32> to vector<16xf32>
        %parallel_loop3A_393 = arith.addf %parallel_loop3A_386, %parallel_loop3A_392 : vector<16xf32>
        %parallel_loop3A_394 = arith.constant 0.000000e+00 : f32
        %parallel_loop3A_395 = vector.broadcast %parallel_loop3A_394 : f32 to vector<16xf32>
        %parallel_loop3A_396 = arith.maximumf %parallel_loop3A_393, %parallel_loop3A_395 : vector<16xf32>
        %parallel_loop3A_397 = arith.constant 0 : i32
        %parallel_loop3A_398 = arith.index_cast %parallel_loop3A_397 : i32 to index
        %parallel_loop3A_399 = arith.index_cast %parallel_loop3A_311 : i32 to index
        %parallel_loop3A_400 = arith.constant 48 : index
        %parallel_loop3A_401 = tpu.vector_load %arg10[%parallel_loop3A_398, %parallel_loop3A_399, %parallel_loop3A_400] {strides = array<i32>} : memref<2x96x128xf32, #tpu.memory_space<vmem>>, vector<1x1x16xf32>,
        %parallel_loop3A_402 = vector.shape_cast %parallel_loop3A_401 : vector<1x1x16xf32> to vector<16xf32>
        %parallel_loop3A_403 = vector.shape_cast %parallel_loop3A_396 : vector<16xf32> to vector<1x1x16xf32>
        tpu.vector_store %arg10[%parallel_loop3A_398, %parallel_loop3A_399, %parallel_loop3A_400], %parallel_loop3A_403 {strides = array<i32>} : memref<2x96x128xf32, #tpu.memory_space<vmem>>, vector<1x1x16xf32>,
        %parallel_loop3A_404 = arith.constant 0 : i32
        %parallel_loop3A_405 = arith.index_cast %parallel_loop3A_404 : i32 to index
        %parallel_loop3A_406 = arith.index_cast %parallel_loop3A_311 : i32 to index
        %parallel_loop3A_407 = arith.constant 64 : index
        %parallel_loop3A_408 = tpu.vector_load %arg10[%parallel_loop3A_405, %parallel_loop3A_406, %parallel_loop3A_407] {strides = array<i32>} : memref<2x96x128xf32, #tpu.memory_space<vmem>>, vector<1x1x16xf32>,
        %parallel_loop3A_409 = vector.shape_cast %parallel_loop3A_408 : vector<1x1x16xf32> to vector<16xf32>
        %parallel_loop3A_410 = arith.constant 0 : i32
        %parallel_loop3A_411 = arith.index_cast %parallel_loop3A_410 : i32 to index
        %parallel_loop3A_412 = arith.index_cast %parallel_loop3A_311 : i32 to index
        %parallel_loop3A_413 = arith.constant 64 : index
        %parallel_loop3A_414 = tpu.vector_load %arg11[%parallel_loop3A_411, %parallel_loop3A_412, %parallel_loop3A_413] {strides = array<i32>} : memref<2x96x128xf32, #tpu.memory_space<vmem>>, vector<1x1x16xf32>,
        %parallel_loop3A_415 = vector.shape_cast %parallel_loop3A_414 : vector<1x1x16xf32> to vector<16xf32>
        %parallel_loop3A_416 = arith.addf %parallel_loop3A_409, %parallel_loop3A_415 : vector<16xf32>
        %parallel_loop3A_417 = arith.constant 0.000000e+00 : f32
        %parallel_loop3A_418 = vector.broadcast %parallel_loop3A_417 : f32 to vector<16xf32>
        %parallel_loop3A_419 = arith.maximumf %parallel_loop3A_416, %parallel_loop3A_418 : vector<16xf32>
        %parallel_loop3A_420 = arith.constant 0 : i32
        %parallel_loop3A_421 = arith.index_cast %parallel_loop3A_420 : i32 to index
        %parallel_loop3A_422 = arith.index_cast %parallel_loop3A_311 : i32 to index
        %parallel_loop3A_423 = arith.constant 64 : index
        %parallel_loop3A_424 = tpu.vector_load %arg10[%parallel_loop3A_421, %parallel_loop3A_422, %parallel_loop3A_423] {strides = array<i32>} : memref<2x96x128xf32, #tpu.memory_space<vmem>>, vector<1x1x16xf32>,
        %parallel_loop3A_425 = vector.shape_cast %parallel_loop3A_424 : vector<1x1x16xf32> to vector<16xf32>
        %parallel_loop3A_426 = vector.shape_cast %parallel_loop3A_419 : vector<16xf32> to vector<1x1x16xf32>
        tpu.vector_store %arg10[%parallel_loop3A_421, %parallel_loop3A_422, %parallel_loop3A_423], %parallel_loop3A_426 {strides = array<i32>} : memref<2x96x128xf32, #tpu.memory_space<vmem>>, vector<1x1x16xf32>,
        %parallel_loop3A_427 = arith.constant 0 : i32
        %parallel_loop3A_428 = arith.index_cast %parallel_loop3A_427 : i32 to index
        %parallel_loop3A_429 = arith.index_cast %parallel_loop3A_311 : i32 to index
        %parallel_loop3A_430 = arith.constant 80 : index
        %parallel_loop3A_431 = tpu.vector_load %arg10[%parallel_loop3A_428, %parallel_loop3A_429, %parallel_loop3A_430] {strides = array<i32>} : memref<2x96x128xf32, #tpu.memory_space<vmem>>, vector<1x1x16xf32>,
        %parallel_loop3A_432 = vector.shape_cast %parallel_loop3A_431 : vector<1x1x16xf32> to vector<16xf32>
        %parallel_loop3A_433 = arith.constant 0 : i32
        %parallel_loop3A_434 = arith.index_cast %parallel_loop3A_433 : i32 to index
        %parallel_loop3A_435 = arith.index_cast %parallel_loop3A_311 : i32 to index
        %parallel_loop3A_436 = arith.constant 80 : index
        %parallel_loop3A_437 = tpu.vector_load %arg11[%parallel_loop3A_434, %parallel_loop3A_435, %parallel_loop3A_436] {strides = array<i32>} : memref<2x96x128xf32, #tpu.memory_space<vmem>>, vector<1x1x16xf32>,
        %parallel_loop3A_438 = vector.shape_cast %parallel_loop3A_437 : vector<1x1x16xf32> to vector<16xf32>
        %parallel_loop3A_439 = arith.addf %parallel_loop3A_432, %parallel_loop3A_438 : vector<16xf32>
        %parallel_loop3A_440 = arith.constant 0.000000e+00 : f32
        %parallel_loop3A_441 = vector.broadcast %parallel_loop3A_440 : f32 to vector<16xf32>
        %parallel_loop3A_442 = arith.maximumf %parallel_loop3A_439, %parallel_loop3A_441 : vector<16xf32>
        %parallel_loop3A_443 = arith.constant 0 : i32
        %parallel_loop3A_444 = arith.index_cast %parallel_loop3A_443 : i32 to index
        %parallel_loop3A_445 = arith.index_cast %parallel_loop3A_311 : i32 to index
        %parallel_loop3A_446 = arith.constant 80 : index
        %parallel_loop3A_447 = tpu.vector_load %arg10[%parallel_loop3A_444, %parallel_loop3A_445, %parallel_loop3A_446] {strides = array<i32>} : memref<2x96x128xf32, #tpu.memory_space<vmem>>, vector<1x1x16xf32>,
        %parallel_loop3A_448 = vector.shape_cast %parallel_loop3A_447 : vector<1x1x16xf32> to vector<16xf32>
        %parallel_loop3A_449 = vector.shape_cast %parallel_loop3A_442 : vector<16xf32> to vector<1x1x16xf32>
        tpu.vector_store %arg10[%parallel_loop3A_444, %parallel_loop3A_445, %parallel_loop3A_446], %parallel_loop3A_449 {strides = array<i32>} : memref<2x96x128xf32, #tpu.memory_space<vmem>>, vector<1x1x16xf32>,
        %parallel_loop3A_450 = arith.constant 0 : i32
        %parallel_loop3A_451 = arith.index_cast %parallel_loop3A_450 : i32 to index
        %parallel_loop3A_452 = arith.index_cast %parallel_loop3A_311 : i32 to index
        %parallel_loop3A_453 = arith.constant 96 : index
        %parallel_loop3A_454 = tpu.vector_load %arg10[%parallel_loop3A_451, %parallel_loop3A_452, %parallel_loop3A_453] {strides = array<i32>} : memref<2x96x128xf32, #tpu.memory_space<vmem>>, vector<1x1x16xf32>,
        %parallel_loop3A_455 = vector.shape_cast %parallel_loop3A_454 : vector<1x1x16xf32> to vector<16xf32>
        %parallel_loop3A_456 = arith.constant 0 : i32
        %parallel_loop3A_457 = arith.index_cast %parallel_loop3A_456 : i32 to index
        %parallel_loop3A_458 = arith.index_cast %parallel_loop3A_311 : i32 to index
        %parallel_loop3A_459 = arith.constant 96 : index
        %parallel_loop3A_460 = tpu.vector_load %arg11[%parallel_loop3A_457, %parallel_loop3A_458, %parallel_loop3A_459] {strides = array<i32>} : memref<2x96x128xf32, #tpu.memory_space<vmem>>, vector<1x1x16xf32>,
        %parallel_loop3A_461 = vector.shape_cast %parallel_loop3A_460 : vector<1x1x16xf32> to vector<16xf32>
        %parallel_loop3A_462 = arith.addf %parallel_loop3A_455, %parallel_loop3A_461 : vector<16xf32>
        %parallel_loop3A_463 = arith.constant 0.000000e+00 : f32
        %parallel_loop3A_464 = vector.broadcast %parallel_loop3A_463 : f32 to vector<16xf32>
        %parallel_loop3A_465 = arith.maximumf %parallel_loop3A_462, %parallel_loop3A_464 : vector<16xf32>
        %parallel_loop3A_466 = arith.constant 0 : i32
        %parallel_loop3A_467 = arith.index_cast %parallel_loop3A_466 : i32 to index
        %parallel_loop3A_468 = arith.index_cast %parallel_loop3A_311 : i32 to index
        %parallel_loop3A_469 = arith.constant 96 : index
        %parallel_loop3A_470 = tpu.vector_load %arg10[%parallel_loop3A_467, %parallel_loop3A_468, %parallel_loop3A_469] {strides = array<i32>} : memref<2x96x128xf32, #tpu.memory_space<vmem>>, vector<1x1x16xf32>,
        %parallel_loop3A_471 = vector.shape_cast %parallel_loop3A_470 : vector<1x1x16xf32> to vector<16xf32>
        %parallel_loop3A_472 = vector.shape_cast %parallel_loop3A_465 : vector<16xf32> to vector<1x1x16xf32>
        tpu.vector_store %arg10[%parallel_loop3A_467, %parallel_loop3A_468, %parallel_loop3A_469], %parallel_loop3A_472 {strides = array<i32>} : memref<2x96x128xf32, #tpu.memory_space<vmem>>, vector<1x1x16xf32>,
        %parallel_loop3A_473 = arith.constant 0 : i32
        %parallel_loop3A_474 = arith.index_cast %parallel_loop3A_473 : i32 to index
        %parallel_loop3A_475 = arith.index_cast %parallel_loop3A_311 : i32 to index
        %parallel_loop3A_476 = arith.constant 112 : index
        %parallel_loop3A_477 = tpu.vector_load %arg10[%parallel_loop3A_474, %parallel_loop3A_475, %parallel_loop3A_476] {strides = array<i32>} : memref<2x96x128xf32, #tpu.memory_space<vmem>>, vector<1x1x16xf32>,
        %parallel_loop3A_478 = vector.shape_cast %parallel_loop3A_477 : vector<1x1x16xf32> to vector<16xf32>
        %parallel_loop3A_479 = arith.constant 0 : i32
        %parallel_loop3A_480 = arith.index_cast %parallel_loop3A_479 : i32 to index
        %parallel_loop3A_481 = arith.index_cast %parallel_loop3A_311 : i32 to index
        %parallel_loop3A_482 = arith.constant 112 : index
        %parallel_loop3A_483 = tpu.vector_load %arg11[%parallel_loop3A_480, %parallel_loop3A_481, %parallel_loop3A_482] {strides = array<i32>} : memref<2x96x128xf32, #tpu.memory_space<vmem>>, vector<1x1x16xf32>,
        %parallel_loop3A_484 = vector.shape_cast %parallel_loop3A_483 : vector<1x1x16xf32> to vector<16xf32>
        %parallel_loop3A_485 = arith.addf %parallel_loop3A_478, %parallel_loop3A_484 : vector<16xf32>
        %parallel_loop3A_486 = arith.constant 0.000000e+00 : f32
        %parallel_loop3A_487 = vector.broadcast %parallel_loop3A_486 : f32 to vector<16xf32>
        %parallel_loop3A_488 = arith.maximumf %parallel_loop3A_485, %parallel_loop3A_487 : vector<16xf32>
        %parallel_loop3A_489 = arith.constant 0 : i32
        %parallel_loop3A_490 = arith.index_cast %parallel_loop3A_489 : i32 to index
        %parallel_loop3A_491 = arith.index_cast %parallel_loop3A_311 : i32 to index
        %parallel_loop3A_492 = arith.constant 112 : index
        %parallel_loop3A_493 = tpu.vector_load %arg10[%parallel_loop3A_490, %parallel_loop3A_491, %parallel_loop3A_492] {strides = array<i32>} : memref<2x96x128xf32, #tpu.memory_space<vmem>>, vector<1x1x16xf32>,
        %parallel_loop3A_494 = vector.shape_cast %parallel_loop3A_493 : vector<1x1x16xf32> to vector<16xf32>
        %parallel_loop3A_495 = vector.shape_cast %parallel_loop3A_488 : vector<16xf32> to vector<1x1x16xf32>
        tpu.vector_store %arg10[%parallel_loop3A_490, %parallel_loop3A_491, %parallel_loop3A_492], %parallel_loop3A_495 {strides = array<i32>} : memref<2x96x128xf32, #tpu.memory_space<vmem>>, vector<1x1x16xf32>,
      } {sc.loop_unroll_factor = 2 : i64, sc.parallel_access}
      %dma_wait3A_195 = arith.constant 0 : i32
      %dma_wait3A_196 = arith.constant 0 : i32
      %dma_wait3A_197 = arith.constant 0 : i32
      %dma_wait3A_198 = tpu.memref_slice %arg9[%dma_wait3A_195, %dma_wait3A_197] : memref<2x96xi32, #tpu.memory_space<vmem>> -> memref<1x96xi32, #tpu.memory_space<vmem>>
      %dma_wait3A_199 = tpu.memref_squeeze %dma_wait3A_198 : memref<1x96xi32, #tpu.memory_space<vmem>> -> memref<96xi32, #tpu.memory_space<vmem>>
      %dma_wait3A_200 = arith.constant 0 : i32
      %dma_wait3A_201 = tpu.memref_slice %arg5[%dma_wait3A_200] : memref<325632xi32, #tpu.memory_space<hbm>> -> memref<96xi32, #tpu.memory_space<hbm>>
      %dma_wait3A_202 = tpu.memref_slice %arg14[%dma_wait3A_196] : memref<2x!tpu.dma_semaphore, #tpu.memory_space<semaphore_mem>> -> memref<1x!tpu.dma_semaphore, #tpu.memory_space<semaphore_mem>>
      %dma_wait3A_203 = tpu.memref_squeeze %dma_wait3A_202 : memref<1x!tpu.dma_semaphore, #tpu.memory_space<semaphore_mem>> -> memref<!tpu.dma_semaphore, #tpu.memory_space<semaphore_mem>>
      %dma_wait3A_204 = arith.constant 0 : i32
      %dma_wait3A_205 = tpu.memref_slice %arg9[%dma_wait3A_195, %dma_wait3A_204] : memref<2x96xi32, #tpu.memory_space<vmem>> -> memref<1x96xi32, #tpu.memory_space<vmem>>
      %dma_wait3A_206 = tpu.memref_squeeze %dma_wait3A_205 : memref<1x96xi32, #tpu.memory_space<vmem>> -> memref<96xi32, #tpu.memory_space<vmem>>
      %dma_wait3A_207 = arith.constant 0 : i32
      %dma_wait3A_208 = tpu.memref_slice %arg5[%dma_wait3A_207] : memref<325632xi32, #tpu.memory_space<hbm>> -> memref<96xi32, #tpu.memory_space<hbm>>
      tpu.wait_dma2 semaphore(%dma_wait3A_203 : memref<!tpu.dma_semaphore, #tpu.memory_space<semaphore_mem>>) src(%dma_wait3A_208 : memref<96xi32, #tpu.memory_space<hbm>>) dst(%dma_wait3A_206 : memref<96xi32, #tpu.memory_space<vmem>>)
      %dma_start3A_209 = arith.constant 0 : i32
      %dma_start3A_210 = arith.constant 0 : i32
      %dma_start3A_211 = arith.constant 0 : i32
      %dma_start3A_212 = arith.constant 0 : i32
      %dma_start3A_213 = arith.constant 0 : i32
      %dma_start3A_214 = tpu.memref_slice %arg10[%dma_start3A_209, %dma_start3A_212, %dma_start3A_213] : memref<2x96x128xf32, #tpu.memory_space<vmem>> -> memref<1x96x128xf32, #tpu.memory_space<vmem>>
      %dma_start3A_215 = tpu.memref_squeeze %dma_start3A_214 : memref<1x96x128xf32, #tpu.memory_space<vmem>> -> memref<96x128xf32, #tpu.memory_space<vmem>>
      %dma_start3A_216 = arith.constant 0 : i32
      %dma_start3A_217 = tpu.memref_slice %arg9[%dma_start3A_210, %dma_start3A_216] : memref<2x96xi32, #tpu.memory_space<vmem>> -> memref<1x96xi32, #tpu.memory_space<vmem>>
      %dma_start3A_218 = tpu.memref_squeeze %dma_start3A_217 : memref<1x96xi32, #tpu.memory_space<vmem>> -> memref<96xi32, #tpu.memory_space<vmem>>
      %dma_start3A_219 = arith.constant 0 : i32
      %dma_start3A_220 = arith.constant 0 : i32
      %dma_start3A_221 = tpu.memref_slice %arg7[%dma_start3A_219, %dma_start3A_220] : memref<10112x128xf32, #tpu.memory_space<vmem_shared>> -> memref<10112x128xf32, #tpu.memory_space<vmem_shared>>
      %dma_start3A_222 = tpu.memref_slice %arg15[%dma_start3A_211] : memref<2x!tpu.dma_semaphore, #tpu.memory_space<semaphore_mem>> -> memref<1x!tpu.dma_semaphore, #tpu.memory_space<semaphore_mem>>
      %dma_start3A_223 = tpu.memref_squeeze %dma_start3A_222 : memref<1x!tpu.dma_semaphore, #tpu.memory_space<semaphore_mem>> -> memref<!tpu.dma_semaphore, #tpu.memory_space<semaphore_mem>>
      tpu.enqueue_indirect_dma source(%dma_start3A_215 : memref<96x128xf32, #tpu.memory_space<vmem>>) target(%dma_start3A_221 : memref<10112x128xf32, #tpu.memory_space<vmem_shared>>) offsets(%dma_start3A_218 : memref<96xi32, #tpu.memory_space<vmem>>) semaphore(%dma_start3A_223 : memref<!tpu.dma_semaphore, #tpu.memory_space<semaphore_mem>>) {add = true}
      %mul3A_224 = arith.constant 2 : i32
      %mul3A_225 = arith.muli %mul3A_224, %while3A_143 : i32
      %add3A_226 = arith.constant 1 : i32
      %add3A_227 = arith.addi %mul3A_225, %add3A_226 : i32
      %ge3A_228 = arith.constant 1 : i32
      %ge3A_229 = arith.cmpi sge, %add3A_227, %ge3A_228 : i32
      %convert_element_type3A_230 = arith.extui %ge3A_229 : i1 to i32
      %cond3A_231 = arith.constant 0 : i32
      %cond3A_232 = arith.cmpi ne, %convert_element_type3A_230, %cond3A_231 : i32
      scf.if %cond3A_232 {
        %dma_wait3A_311 = arith.constant 0 : i32
        %dma_wait3A_312 = arith.constant 0 : i32
        %dma_wait3A_313 = arith.constant 0 : i32
        %dma_wait3A_314 = arith.constant 0 : i32
        %dma_wait3A_315 = arith.constant 0 : i32
        %dma_wait3A_316 = tpu.memref_slice %arg10[%dma_wait3A_311, %dma_wait3A_314, %dma_wait3A_315] : memref<2x96x128xf32, #tpu.memory_space<vmem>> -> memref<1x96x128xf32, #tpu.memory_space<vmem>>
        %dma_wait3A_317 = tpu.memref_squeeze %dma_wait3A_316 : memref<1x96x128xf32, #tpu.memory_space<vmem>> -> memref<96x128xf32, #tpu.memory_space<vmem>>
        %dma_wait3A_318 = arith.constant 0 : i32
        %dma_wait3A_319 = tpu.memref_slice %arg9[%dma_wait3A_312, %dma_wait3A_318] : memref<2x96xi32, #tpu.memory_space<vmem>> -> memref<1x96xi32, #tpu.memory_space<vmem>>
        %dma_wait3A_320 = tpu.memref_squeeze %dma_wait3A_319 : memref<1x96xi32, #tpu.memory_space<vmem>> -> memref<96xi32, #tpu.memory_space<vmem>>
        %dma_wait3A_321 = arith.constant 0 : i32
        %dma_wait3A_322 = arith.constant 0 : i32
        %dma_wait3A_323 = tpu.memref_slice %arg7[%dma_wait3A_321, %dma_wait3A_322] : memref<10112x128xf32, #tpu.memory_space<vmem_shared>> -> memref<10112x128xf32, #tpu.memory_space<vmem_shared>>
        %dma_wait3A_324 = tpu.memref_slice %arg15[%dma_wait3A_313] : memref<2x!tpu.dma_semaphore, #tpu.memory_space<semaphore_mem>> -> memref<1x!tpu.dma_semaphore, #tpu.memory_space<semaphore_mem>>
        %dma_wait3A_325 = tpu.memref_squeeze %dma_wait3A_324 : memref<1x!tpu.dma_semaphore, #tpu.memory_space<semaphore_mem>> -> memref<!tpu.dma_semaphore, #tpu.memory_space<semaphore_mem>>
        tpu.wait_indirect_dma semaphore(%dma_wait3A_325 : memref<!tpu.dma_semaphore, #tpu.memory_space<semaphore_mem>>) src(%dma_wait3A_317 : memref<96x128xf32, #tpu.memory_space<vmem>>) dst(%dma_wait3A_323 : memref<10112x128xf32, #tpu.memory_space<vmem_shared>>)
      } else {
      }
      %sub3A_233 = arith.constant 1 : i32
      %sub3A_234 = arith.subi %select_n3A, %sub3A_233 : i32
      %lt3A_235 = arith.cmpi slt, %add3A_227, %sub3A_234 : i32
      %convert_element_type3A_236 = arith.extui %lt3A_235 : i1 to i32
      %cond3A_237 = arith.constant 0 : i32
      %cond3A_238 = arith.cmpi ne, %convert_element_type3A_236, %cond3A_237 : i32
      scf.if %cond3A_238 {
        %add3A_311 = arith.constant 1 : i32
        %add3A_312 = arith.addi %add3A_227, %add3A_311 : i32
        %mul3A_313 = arith.constant 96 : i32
        %mul3A_314 = arith.muli %add3A_312, %mul3A_313 : i32
        %add3A_315 = arith.addi %select_n3A_37, %mul3A_314 : i32
        %multiple_of3A_316 = tpu.assume_multiple %add3A_315, 96 : i32
        %dma_wait3A_317 = arith.constant 0 : i32
        %dma_wait3A_318 = arith.constant 0 : i32
        %dma_wait3A_319 = arith.constant 0 : i32
        %dma_wait3A_320 = tpu.memref_slice %arg8[%dma_wait3A_317, %dma_wait3A_319] : memref<2x96xi32, #tpu.memory_space<vmem>> -> memref<1x96xi32, #tpu.memory_space<vmem>>
        %dma_wait3A_321 = tpu.memref_squeeze %dma_wait3A_320 : memref<1x96xi32, #tpu.memory_space<vmem>> -> memref<96xi32, #tpu.memory_space<vmem>>
        %dma_wait3A_322 = arith.constant 0 : i32
        %dma_wait3A_323 = tpu.memref_slice %arg4[%dma_wait3A_322] : memref<325632xi32, #tpu.memory_space<hbm>> -> memref<96xi32, #tpu.memory_space<hbm>>
        %dma_wait3A_324 = tpu.memref_slice %arg16[%dma_wait3A_318] : memref<2x!tpu.dma_semaphore, #tpu.memory_space<semaphore_mem>> -> memref<1x!tpu.dma_semaphore, #tpu.memory_space<semaphore_mem>>
        %dma_wait3A_325 = tpu.memref_squeeze %dma_wait3A_324 : memref<1x!tpu.dma_semaphore, #tpu.memory_space<semaphore_mem>> -> memref<!tpu.dma_semaphore, #tpu.memory_space<semaphore_mem>>
        %dma_wait3A_326 = arith.constant 0 : i32
        %dma_wait3A_327 = tpu.memref_slice %arg8[%dma_wait3A_317, %dma_wait3A_326] : memref<2x96xi32, #tpu.memory_space<vmem>> -> memref<1x96xi32, #tpu.memory_space<vmem>>
        %dma_wait3A_328 = tpu.memref_squeeze %dma_wait3A_327 : memref<1x96xi32, #tpu.memory_space<vmem>> -> memref<96xi32, #tpu.memory_space<vmem>>
        %dma_wait3A_329 = arith.constant 0 : i32
        %dma_wait3A_330 = tpu.memref_slice %arg4[%dma_wait3A_329] : memref<325632xi32, #tpu.memory_space<hbm>> -> memref<96xi32, #tpu.memory_space<hbm>>
        tpu.wait_dma2 semaphore(%dma_wait3A_325 : memref<!tpu.dma_semaphore, #tpu.memory_space<semaphore_mem>>) src(%dma_wait3A_330 : memref<96xi32, #tpu.memory_space<hbm>>) dst(%dma_wait3A_328 : memref<96xi32, #tpu.memory_space<vmem>>)
        %dma_start3A_331 = arith.constant 0 : i32
        %dma_start3A_332 = arith.constant 0 : i32
        %dma_start3A_333 = arith.constant 0 : i32
        %dma_start3A_334 = arith.constant 0 : i32
        %dma_start3A_335 = arith.constant 0 : i32
        %dma_start3A_336 = tpu.memref_slice %arg10[%dma_start3A_332, %dma_start3A_334, %dma_start3A_335] : memref<2x96x128xf32, #tpu.memory_space<vmem>> -> memref<1x96x128xf32, #tpu.memory_space<vmem>>
        %dma_start3A_337 = tpu.memref_squeeze %dma_start3A_336 : memref<1x96x128xf32, #tpu.memory_space<vmem>> -> memref<96x128xf32, #tpu.memory_space<vmem>>
        %dma_start3A_338 = arith.constant 0 : i32
        %dma_start3A_339 = tpu.memref_slice %arg8[%dma_start3A_331, %dma_start3A_338] : memref<2x96xi32, #tpu.memory_space<vmem>> -> memref<1x96xi32, #tpu.memory_space<vmem>>
        %dma_start3A_340 = tpu.memref_squeeze %dma_start3A_339 : memref<1x96xi32, #tpu.memory_space<vmem>> -> memref<96xi32, #tpu.memory_space<vmem>>
        %dma_start3A_341 = arith.constant 0 : i32
        %dma_start3A_342 = arith.constant 0 : i32
        %dma_start3A_343 = tpu.memref_slice %arg2[%dma_start3A_341, %dma_start3A_342] : memref<10000x128xf32, #tpu.memory_space<hbm>> -> memref<10000x128xf32, #tpu.memory_space<hbm>>
        %dma_start3A_344 = tpu.memref_slice %arg12[%dma_start3A_333] : memref<2x!tpu.dma_semaphore, #tpu.memory_space<semaphore_mem>> -> memref<1x!tpu.dma_semaphore, #tpu.memory_space<semaphore_mem>>
        %dma_start3A_345 = tpu.memref_squeeze %dma_start3A_344 : memref<1x!tpu.dma_semaphore, #tpu.memory_space<semaphore_mem>> -> memref<!tpu.dma_semaphore, #tpu.memory_space<semaphore_mem>>
        tpu.enqueue_indirect_dma source(%dma_start3A_343 : memref<10000x128xf32, #tpu.memory_space<hbm>>) target(%dma_start3A_337 : memref<96x128xf32, #tpu.memory_space<vmem>>) offsets(%dma_start3A_340 : memref<96xi32, #tpu.memory_space<vmem>>) semaphore(%dma_start3A_345 : memref<!tpu.dma_semaphore, #tpu.memory_space<semaphore_mem>>)
        %dma_start3A_346 = arith.constant 0 : i32
        %dma_start3A_347 = arith.constant 0 : i32
        %dma_start3A_348 = arith.constant 0 : i32
        %dma_start3A_349 = arith.constant 0 : i32
        %dma_start3A_350 = tpu.memref_slice %arg11[%dma_start3A_346, %dma_start3A_348, %dma_start3A_349] : memref<2x96x128xf32, #tpu.memory_space<vmem>> -> memref<1x96x128xf32, #tpu.memory_space<vmem>>
        %dma_start3A_351 = tpu.memref_squeeze %dma_start3A_350 : memref<1x96x128xf32, #tpu.memory_space<vmem>> -> memref<96x128xf32, #tpu.memory_space<vmem>>
        %dma_start3A_352 = arith.constant 0 : i32
        %dma_start3A_353 = tpu.memref_slice %arg3[%multiple_of3A_316, %dma_start3A_352] : memref<325632x128xf32, #tpu.memory_space<hbm>> -> memref<96x128xf32, #tpu.memory_space<hbm>>
        %dma_start3A_354 = tpu.memref_slice %arg13[%dma_start3A_347] : memref<2x!tpu.dma_semaphore, #tpu.memory_space<semaphore_mem>> -> memref<1x!tpu.dma_semaphore, #tpu.memory_space<semaphore_mem>>
        %dma_start3A_355 = tpu.memref_squeeze %dma_start3A_354 : memref<1x!tpu.dma_semaphore, #tpu.memory_space<semaphore_mem>> -> memref<!tpu.dma_semaphore, #tpu.memory_space<semaphore_mem>>
        %dma_start3A_356 = arith.constant 0 : i32
        %dma_start3A_357 = arith.constant 0 : i32
        %dma_start3A_358 = tpu.memref_slice %arg11[%dma_start3A_346, %dma_start3A_356, %dma_start3A_357] : memref<2x96x128xf32, #tpu.memory_space<vmem>> -> memref<1x96x128xf32, #tpu.memory_space<vmem>>
        %dma_start3A_359 = tpu.memref_squeeze %dma_start3A_358 : memref<1x96x128xf32, #tpu.memory_space<vmem>> -> memref<96x128xf32, #tpu.memory_space<vmem>>
        %dma_start3A_360 = arith.constant 0 : i32
        %dma_start3A_361 = tpu.memref_slice %arg3[%multiple_of3A_316, %dma_start3A_360] : memref<325632x128xf32, #tpu.memory_space<hbm>> -> memref<96x128xf32, #tpu.memory_space<hbm>>
        tpu.enqueue_dma source(%dma_start3A_361 : memref<96x128xf32, #tpu.memory_space<hbm>>) target(%dma_start3A_359 : memref<96x128xf32, #tpu.memory_space<vmem>>) target_semaphore(%dma_start3A_355 : memref<!tpu.dma_semaphore, #tpu.memory_space<semaphore_mem>>)
        %dma_start3A_362 = arith.constant 0 : i32
        %dma_start3A_363 = arith.constant 0 : i32
        %dma_start3A_364 = arith.constant 0 : i32
        %dma_start3A_365 = tpu.memref_slice %arg9[%dma_start3A_362, %dma_start3A_364] : memref<2x96xi32, #tpu.memory_space<vmem>> -> memref<1x96xi32, #tpu.memory_space<vmem>>
        %dma_start3A_366 = tpu.memref_squeeze %dma_start3A_365 : memref<1x96xi32, #tpu.memory_space<vmem>> -> memref<96xi32, #tpu.memory_space<vmem>>
        %dma_start3A_367 = tpu.memref_slice %arg5[%multiple_of3A_316] : memref<325632xi32, #tpu.memory_space<hbm>> -> memref<96xi32, #tpu.memory_space<hbm>>
        %dma_start3A_368 = tpu.memref_slice %arg14[%dma_start3A_363] : memref<2x!tpu.dma_semaphore, #tpu.memory_space<semaphore_mem>> -> memref<1x!tpu.dma_semaphore, #tpu.memory_space<semaphore_mem>>
        %dma_start3A_369 = tpu.memref_squeeze %dma_start3A_368 : memref<1x!tpu.dma_semaphore, #tpu.memory_space<semaphore_mem>> -> memref<!tpu.dma_semaphore, #tpu.memory_space<semaphore_mem>>
        %dma_start3A_370 = arith.constant 0 : i32
        %dma_start3A_371 = tpu.memref_slice %arg9[%dma_start3A_362, %dma_start3A_370] : memref<2x96xi32, #tpu.memory_space<vmem>> -> memref<1x96xi32, #tpu.memory_space<vmem>>
        %dma_start3A_372 = tpu.memref_squeeze %dma_start3A_371 : memref<1x96xi32, #tpu.memory_space<vmem>> -> memref<96xi32, #tpu.memory_space<vmem>>
        %dma_start3A_373 = tpu.memref_slice %arg5[%multiple_of3A_316] : memref<325632xi32, #tpu.memory_space<hbm>> -> memref<96xi32, #tpu.memory_space<hbm>>
        tpu.enqueue_dma source(%dma_start3A_373 : memref<96xi32, #tpu.memory_space<hbm>>) target(%dma_start3A_372 : memref<96xi32, #tpu.memory_space<vmem>>) target_semaphore(%dma_start3A_369 : memref<!tpu.dma_semaphore, #tpu.memory_space<semaphore_mem>>)
      } else {
      }
      %dma_wait3A_239 = arith.constant 1 : i32
      %dma_wait3A_240 = arith.constant 1 : i32
      %dma_wait3A_241 = arith.constant 1 : i32
      %dma_wait3A_242 = arith.constant 0 : i32
      %dma_wait3A_243 = arith.constant 0 : i32
      %dma_wait3A_244 = tpu.memref_slice %arg10[%dma_wait3A_240, %dma_wait3A_242, %dma_wait3A_243] : memref<2x96x128xf32, #tpu.memory_space<vmem>> -> memref<1x96x128xf32, #tpu.memory_space<vmem>>
      %dma_wait3A_245 = tpu.memref_squeeze %dma_wait3A_244 : memref<1x96x128xf32, #tpu.memory_space<vmem>> -> memref<96x128xf32, #tpu.memory_space<vmem>>
      %dma_wait3A_246 = arith.constant 0 : i32
      %dma_wait3A_247 = tpu.memref_slice %arg8[%dma_wait3A_239, %dma_wait3A_246] : memref<2x96xi32, #tpu.memory_space<vmem>> -> memref<1x96xi32, #tpu.memory_space<vmem>>
      %dma_wait3A_248 = tpu.memref_squeeze %dma_wait3A_247 : memref<1x96xi32, #tpu.memory_space<vmem>> -> memref<96xi32, #tpu.memory_space<vmem>>
      %dma_wait3A_249 = arith.constant 0 : i32
      %dma_wait3A_250 = arith.constant 0 : i32
      %dma_wait3A_251 = tpu.memref_slice %arg2[%dma_wait3A_249, %dma_wait3A_250] : memref<10000x128xf32, #tpu.memory_space<hbm>> -> memref<10000x128xf32, #tpu.memory_space<hbm>>
      %dma_wait3A_252 = tpu.memref_slice %arg12[%dma_wait3A_241] : memref<2x!tpu.dma_semaphore, #tpu.memory_space<semaphore_mem>> -> memref<1x!tpu.dma_semaphore, #tpu.memory_space<semaphore_mem>>
      %dma_wait3A_253 = tpu.memref_squeeze %dma_wait3A_252 : memref<1x!tpu.dma_semaphore, #tpu.memory_space<semaphore_mem>> -> memref<!tpu.dma_semaphore, #tpu.memory_space<semaphore_mem>>
      tpu.wait_indirect_dma semaphore(%dma_wait3A_253 : memref<!tpu.dma_semaphore, #tpu.memory_space<semaphore_mem>>) src(%dma_wait3A_251 : memref<10000x128xf32, #tpu.memory_space<hbm>>) dst(%dma_wait3A_245 : memref<96x128xf32, #tpu.memory_space<vmem>>)
      %dma_wait3A_254 = arith.constant 1 : i32
      %dma_wait3A_255 = arith.constant 1 : i32
      %dma_wait3A_256 = arith.constant 0 : i32
      %dma_wait3A_257 = arith.constant 0 : i32
      %dma_wait3A_258 = tpu.memref_slice %arg11[%dma_wait3A_254, %dma_wait3A_256, %dma_wait3A_257] : memref<2x96x128xf32, #tpu.memory_space<vmem>> -> memref<1x96x128xf32, #tpu.memory_space<vmem>>
      %dma_wait3A_259 = tpu.memref_squeeze %dma_wait3A_258 : memref<1x96x128xf32, #tpu.memory_space<vmem>> -> memref<96x128xf32, #tpu.memory_space<vmem>>
      %dma_wait3A_260 = arith.constant 0 : i32
      %dma_wait3A_261 = arith.constant 0 : i32
      %dma_wait3A_262 = tpu.memref_slice %arg3[%dma_wait3A_260, %dma_wait3A_261] : memref<325632x128xf32, #tpu.memory_space<hbm>> -> memref<96x128xf32, #tpu.memory_space<hbm>>
      %dma_wait3A_263 = tpu.memref_slice %arg13[%dma_wait3A_255] : memref<2x!tpu.dma_semaphore, #tpu.memory_space<semaphore_mem>> -> memref<1x!tpu.dma_semaphore, #tpu.memory_space<semaphore_mem>>
      %dma_wait3A_264 = tpu.memref_squeeze %dma_wait3A_263 : memref<1x!tpu.dma_semaphore, #tpu.memory_space<semaphore_mem>> -> memref<!tpu.dma_semaphore, #tpu.memory_space<semaphore_mem>>
      %dma_wait3A_265 = arith.constant 0 : i32
      %dma_wait3A_266 = arith.constant 0 : i32
      %dma_wait3A_267 = tpu.memref_slice %arg11[%dma_wait3A_254, %dma_wait3A_265, %dma_wait3A_266] : memref<2x96x128xf32, #tpu.memory_space<vmem>> -> memref<1x96x128xf32, #tpu.memory_space<vmem>>
      %dma_wait3A_268 = tpu.memref_squeeze %dma_wait3A_267 : memref<1x96x128xf32, #tpu.memory_space<vmem>> -> memref<96x128xf32, #tpu.memory_space<vmem>>
      %dma_wait3A_269 = arith.constant 0 : i32
      %dma_wait3A_270 = arith.constant 0 : i32
      %dma_wait3A_271 = tpu.memref_slice %arg3[%dma_wait3A_269, %dma_wait3A_270] : memref<325632x128xf32, #tpu.memory_space<hbm>> -> memref<96x128xf32, #tpu.memory_space<hbm>>
      tpu.wait_dma2 semaphore(%dma_wait3A_264 : memref<!tpu.dma_semaphore, #tpu.memory_space<semaphore_mem>>) src(%dma_wait3A_271 : memref<96x128xf32, #tpu.memory_space<hbm>>) dst(%dma_wait3A_268 : memref<96x128xf32, #tpu.memory_space<vmem>>)
      %sub3A_272 = arith.constant 2 : i32
      %sub3A_273 = arith.subi %select_n3A, %sub3A_272 : i32
      %lt3A_274 = arith.cmpi slt, %add3A_227, %sub3A_273 : i32
      %convert_element_type3A_275 = arith.extui %lt3A_274 : i1 to i32
      %cond3A_276 = arith.constant 0 : i32
      %cond3A_277 = arith.cmpi ne, %convert_element_type3A_275, %cond3A_276 : i32
      scf.if %cond3A_277 {
        %add3A_311 = arith.constant 2 : i32
        %add3A_312 = arith.addi %add3A_227, %add3A_311 : i32
        %mul3A_313 = arith.constant 96 : i32
        %mul3A_314 = arith.muli %add3A_312, %mul3A_313 : i32
        %add3A_315 = arith.addi %select_n3A_37, %mul3A_314 : i32
        %multiple_of3A_316 = tpu.assume_multiple %add3A_315, 96 : i32
        %dma_start3A_317 = arith.constant 1 : i32
        %dma_start3A_318 = arith.constant 1 : i32
        %dma_start3A_319 = arith.constant 0 : i32
        %dma_start3A_320 = tpu.memref_slice %arg8[%dma_start3A_317, %dma_start3A_319] : memref<2x96xi32, #tpu.memory_space<vmem>> -> memref<1x96xi32, #tpu.memory_space<vmem>>
        %dma_start3A_321 = tpu.memref_squeeze %dma_start3A_320 : memref<1x96xi32, #tpu.memory_space<vmem>> -> memref<96xi32, #tpu.memory_space<vmem>>
        %dma_start3A_322 = tpu.memref_slice %arg4[%multiple_of3A_316] : memref<325632xi32, #tpu.memory_space<hbm>> -> memref<96xi32, #tpu.memory_space<hbm>>
        %dma_start3A_323 = tpu.memref_slice %arg16[%dma_start3A_318] : memref<2x!tpu.dma_semaphore, #tpu.memory_space<semaphore_mem>> -> memref<1x!tpu.dma_semaphore, #tpu.memory_space<semaphore_mem>>
        %dma_start3A_324 = tpu.memref_squeeze %dma_start3A_323 : memref<1x!tpu.dma_semaphore, #tpu.memory_space<semaphore_mem>> -> memref<!tpu.dma_semaphore, #tpu.memory_space<semaphore_mem>>
        %dma_start3A_325 = arith.constant 0 : i32
        %dma_start3A_326 = tpu.memref_slice %arg8[%dma_start3A_317, %dma_start3A_325] : memref<2x96xi32, #tpu.memory_space<vmem>> -> memref<1x96xi32, #tpu.memory_space<vmem>>
        %dma_start3A_327 = tpu.memref_squeeze %dma_start3A_326 : memref<1x96xi32, #tpu.memory_space<vmem>> -> memref<96xi32, #tpu.memory_space<vmem>>
        %dma_start3A_328 = tpu.memref_slice %arg4[%multiple_of3A_316] : memref<325632xi32, #tpu.memory_space<hbm>> -> memref<96xi32, #tpu.memory_space<hbm>>
        tpu.enqueue_dma source(%dma_start3A_328 : memref<96xi32, #tpu.memory_space<hbm>>) target(%dma_start3A_327 : memref<96xi32, #tpu.memory_space<vmem>>) target_semaphore(%dma_start3A_324 : memref<!tpu.dma_semaphore, #tpu.memory_space<semaphore_mem>>)
      } else {
      }
      %parallel_loop3A_278 = arith.constant 0 : i32
      %parallel_loop3A_279 = arith.constant 96 : i32
      %parallel_loop3A_280 = arith.constant 1 : i32
      scf.for %parallel_loop3A_311 = %parallel_loop3A_278 to %parallel_loop3A_279 step %parallel_loop3A_280  : i32 {
        %parallel_loop3A_312 = arith.constant 1 : i32
        %parallel_loop3A_313 = arith.index_cast %parallel_loop3A_312 : i32 to index
        %parallel_loop3A_314 = arith.index_cast %parallel_loop3A_311 : i32 to index
        %parallel_loop3A_315 = arith.constant 0 : index
        %parallel_loop3A_316 = tpu.vector_load %arg10[%parallel_loop3A_313, %parallel_loop3A_314, %parallel_loop3A_315] {strides = array<i32>} : memref<2x96x128xf32, #tpu.memory_space<vmem>>, vector<1x1x16xf32>,
        %parallel_loop3A_317 = vector.shape_cast %parallel_loop3A_316 : vector<1x1x16xf32> to vector<16xf32>
        %parallel_loop3A_318 = arith.constant 1 : i32
        %parallel_loop3A_319 = arith.index_cast %parallel_loop3A_318 : i32 to index
        %parallel_loop3A_320 = arith.index_cast %parallel_loop3A_311 : i32 to index
        %parallel_loop3A_321 = arith.constant 0 : index
        %parallel_loop3A_322 = tpu.vector_load %arg11[%parallel_loop3A_319, %parallel_loop3A_320, %parallel_loop3A_321] {strides = array<i32>} : memref<2x96x128xf32, #tpu.memory_space<vmem>>, vector<1x1x16xf32>,
        %parallel_loop3A_323 = vector.shape_cast %parallel_loop3A_322 : vector<1x1x16xf32> to vector<16xf32>
        %parallel_loop3A_324 = arith.addf %parallel_loop3A_317, %parallel_loop3A_323 : vector<16xf32>
        %parallel_loop3A_325 = arith.constant 0.000000e+00 : f32
        %parallel_loop3A_326 = vector.broadcast %parallel_loop3A_325 : f32 to vector<16xf32>
        %parallel_loop3A_327 = arith.maximumf %parallel_loop3A_324, %parallel_loop3A_326 : vector<16xf32>
        %parallel_loop3A_328 = arith.constant 1 : i32
        %parallel_loop3A_329 = arith.index_cast %parallel_loop3A_328 : i32 to index
        %parallel_loop3A_330 = arith.index_cast %parallel_loop3A_311 : i32 to index
        %parallel_loop3A_331 = arith.constant 0 : index
        %parallel_loop3A_332 = tpu.vector_load %arg10[%parallel_loop3A_329, %parallel_loop3A_330, %parallel_loop3A_331] {strides = array<i32>} : memref<2x96x128xf32, #tpu.memory_space<vmem>>, vector<1x1x16xf32>,
        %parallel_loop3A_333 = vector.shape_cast %parallel_loop3A_332 : vector<1x1x16xf32> to vector<16xf32>
        %parallel_loop3A_334 = vector.shape_cast %parallel_loop3A_327 : vector<16xf32> to vector<1x1x16xf32>
        tpu.vector_store %arg10[%parallel_loop3A_329, %parallel_loop3A_330, %parallel_loop3A_331], %parallel_loop3A_334 {strides = array<i32>} : memref<2x96x128xf32, #tpu.memory_space<vmem>>, vector<1x1x16xf32>,
        %parallel_loop3A_335 = arith.constant 1 : i32
        %parallel_loop3A_336 = arith.index_cast %parallel_loop3A_335 : i32 to index
        %parallel_loop3A_337 = arith.index_cast %parallel_loop3A_311 : i32 to index
        %parallel_loop3A_338 = arith.constant 16 : index
        %parallel_loop3A_339 = tpu.vector_load %arg10[%parallel_loop3A_336, %parallel_loop3A_337, %parallel_loop3A_338] {strides = array<i32>} : memref<2x96x128xf32, #tpu.memory_space<vmem>>, vector<1x1x16xf32>,
        %parallel_loop3A_340 = vector.shape_cast %parallel_loop3A_339 : vector<1x1x16xf32> to vector<16xf32>
        %parallel_loop3A_341 = arith.constant 1 : i32
        %parallel_loop3A_342 = arith.index_cast %parallel_loop3A_341 : i32 to index
        %parallel_loop3A_343 = arith.index_cast %parallel_loop3A_311 : i32 to index
        %parallel_loop3A_344 = arith.constant 16 : index
        %parallel_loop3A_345 = tpu.vector_load %arg11[%parallel_loop3A_342, %parallel_loop3A_343, %parallel_loop3A_344] {strides = array<i32>} : memref<2x96x128xf32, #tpu.memory_space<vmem>>, vector<1x1x16xf32>,
        %parallel_loop3A_346 = vector.shape_cast %parallel_loop3A_345 : vector<1x1x16xf32> to vector<16xf32>
        %parallel_loop3A_347 = arith.addf %parallel_loop3A_340, %parallel_loop3A_346 : vector<16xf32>
        %parallel_loop3A_348 = arith.constant 0.000000e+00 : f32
        %parallel_loop3A_349 = vector.broadcast %parallel_loop3A_348 : f32 to vector<16xf32>
        %parallel_loop3A_350 = arith.maximumf %parallel_loop3A_347, %parallel_loop3A_349 : vector<16xf32>
        %parallel_loop3A_351 = arith.constant 1 : i32
        %parallel_loop3A_352 = arith.index_cast %parallel_loop3A_351 : i32 to index
        %parallel_loop3A_353 = arith.index_cast %parallel_loop3A_311 : i32 to index
        %parallel_loop3A_354 = arith.constant 16 : index
        %parallel_loop3A_355 = tpu.vector_load %arg10[%parallel_loop3A_352, %parallel_loop3A_353, %parallel_loop3A_354] {strides = array<i32>} : memref<2x96x128xf32, #tpu.memory_space<vmem>>, vector<1x1x16xf32>,
        %parallel_loop3A_356 = vector.shape_cast %parallel_loop3A_355 : vector<1x1x16xf32> to vector<16xf32>
        %parallel_loop3A_357 = vector.shape_cast %parallel_loop3A_350 : vector<16xf32> to vector<1x1x16xf32>
        tpu.vector_store %arg10[%parallel_loop3A_352, %parallel_loop3A_353, %parallel_loop3A_354], %parallel_loop3A_357 {strides = array<i32>} : memref<2x96x128xf32, #tpu.memory_space<vmem>>, vector<1x1x16xf32>,
        %parallel_loop3A_358 = arith.constant 1 : i32
        %parallel_loop3A_359 = arith.index_cast %parallel_loop3A_358 : i32 to index
        %parallel_loop3A_360 = arith.index_cast %parallel_loop3A_311 : i32 to index
        %parallel_loop3A_361 = arith.constant 32 : index
        %parallel_loop3A_362 = tpu.vector_load %arg10[%parallel_loop3A_359, %parallel_loop3A_360, %parallel_loop3A_361] {strides = array<i32>} : memref<2x96x128xf32, #tpu.memory_space<vmem>>, vector<1x1x16xf32>,
        %parallel_loop3A_363 = vector.shape_cast %parallel_loop3A_362 : vector<1x1x16xf32> to vector<16xf32>
        %parallel_loop3A_364 = arith.constant 1 : i32
        %parallel_loop3A_365 = arith.index_cast %parallel_loop3A_364 : i32 to index
        %parallel_loop3A_366 = arith.index_cast %parallel_loop3A_311 : i32 to index
        %parallel_loop3A_367 = arith.constant 32 : index
        %parallel_loop3A_368 = tpu.vector_load %arg11[%parallel_loop3A_365, %parallel_loop3A_366, %parallel_loop3A_367] {strides = array<i32>} : memref<2x96x128xf32, #tpu.memory_space<vmem>>, vector<1x1x16xf32>,
        %parallel_loop3A_369 = vector.shape_cast %parallel_loop3A_368 : vector<1x1x16xf32> to vector<16xf32>
        %parallel_loop3A_370 = arith.addf %parallel_loop3A_363, %parallel_loop3A_369 : vector<16xf32>
        %parallel_loop3A_371 = arith.constant 0.000000e+00 : f32
        %parallel_loop3A_372 = vector.broadcast %parallel_loop3A_371 : f32 to vector<16xf32>
        %parallel_loop3A_373 = arith.maximumf %parallel_loop3A_370, %parallel_loop3A_372 : vector<16xf32>
        %parallel_loop3A_374 = arith.constant 1 : i32
        %parallel_loop3A_375 = arith.index_cast %parallel_loop3A_374 : i32 to index
        %parallel_loop3A_376 = arith.index_cast %parallel_loop3A_311 : i32 to index
        %parallel_loop3A_377 = arith.constant 32 : index
        %parallel_loop3A_378 = tpu.vector_load %arg10[%parallel_loop3A_375, %parallel_loop3A_376, %parallel_loop3A_377] {strides = array<i32>} : memref<2x96x128xf32, #tpu.memory_space<vmem>>, vector<1x1x16xf32>,
        %parallel_loop3A_379 = vector.shape_cast %parallel_loop3A_378 : vector<1x1x16xf32> to vector<16xf32>
        %parallel_loop3A_380 = vector.shape_cast %parallel_loop3A_373 : vector<16xf32> to vector<1x1x16xf32>
        tpu.vector_store %arg10[%parallel_loop3A_375, %parallel_loop3A_376, %parallel_loop3A_377], %parallel_loop3A_380 {strides = array<i32>} : memref<2x96x128xf32, #tpu.memory_space<vmem>>, vector<1x1x16xf32>,
        %parallel_loop3A_381 = arith.constant 1 : i32
        %parallel_loop3A_382 = arith.index_cast %parallel_loop3A_381 : i32 to index
        %parallel_loop3A_383 = arith.index_cast %parallel_loop3A_311 : i32 to index
        %parallel_loop3A_384 = arith.constant 48 : index
        %parallel_loop3A_385 = tpu.vector_load %arg10[%parallel_loop3A_382, %parallel_loop3A_383, %parallel_loop3A_384] {strides = array<i32>} : memref<2x96x128xf32, #tpu.memory_space<vmem>>, vector<1x1x16xf32>,
        %parallel_loop3A_386 = vector.shape_cast %parallel_loop3A_385 : vector<1x1x16xf32> to vector<16xf32>
        %parallel_loop3A_387 = arith.constant 1 : i32
        %parallel_loop3A_388 = arith.index_cast %parallel_loop3A_387 : i32 to index
        %parallel_loop3A_389 = arith.index_cast %parallel_loop3A_311 : i32 to index
        %parallel_loop3A_390 = arith.constant 48 : index
        %parallel_loop3A_391 = tpu.vector_load %arg11[%parallel_loop3A_388, %parallel_loop3A_389, %parallel_loop3A_390] {strides = array<i32>} : memref<2x96x128xf32, #tpu.memory_space<vmem>>, vector<1x1x16xf32>,
        %parallel_loop3A_392 = vector.shape_cast %parallel_loop3A_391 : vector<1x1x16xf32> to vector<16xf32>
        %parallel_loop3A_393 = arith.addf %parallel_loop3A_386, %parallel_loop3A_392 : vector<16xf32>
        %parallel_loop3A_394 = arith.constant 0.000000e+00 : f32
        %parallel_loop3A_395 = vector.broadcast %parallel_loop3A_394 : f32 to vector<16xf32>
        %parallel_loop3A_396 = arith.maximumf %parallel_loop3A_393, %parallel_loop3A_395 : vector<16xf32>
        %parallel_loop3A_397 = arith.constant 1 : i32
        %parallel_loop3A_398 = arith.index_cast %parallel_loop3A_397 : i32 to index
        %parallel_loop3A_399 = arith.index_cast %parallel_loop3A_311 : i32 to index
        %parallel_loop3A_400 = arith.constant 48 : index
        %parallel_loop3A_401 = tpu.vector_load %arg10[%parallel_loop3A_398, %parallel_loop3A_399, %parallel_loop3A_400] {strides = array<i32>} : memref<2x96x128xf32, #tpu.memory_space<vmem>>, vector<1x1x16xf32>,
        %parallel_loop3A_402 = vector.shape_cast %parallel_loop3A_401 : vector<1x1x16xf32> to vector<16xf32>
        %parallel_loop3A_403 = vector.shape_cast %parallel_loop3A_396 : vector<16xf32> to vector<1x1x16xf32>
        tpu.vector_store %arg10[%parallel_loop3A_398, %parallel_loop3A_399, %parallel_loop3A_400], %parallel_loop3A_403 {strides = array<i32>} : memref<2x96x128xf32, #tpu.memory_space<vmem>>, vector<1x1x16xf32>,
        %parallel_loop3A_404 = arith.constant 1 : i32
        %parallel_loop3A_405 = arith.index_cast %parallel_loop3A_404 : i32 to index
        %parallel_loop3A_406 = arith.index_cast %parallel_loop3A_311 : i32 to index
        %parallel_loop3A_407 = arith.constant 64 : index
        %parallel_loop3A_408 = tpu.vector_load %arg10[%parallel_loop3A_405, %parallel_loop3A_406, %parallel_loop3A_407] {strides = array<i32>} : memref<2x96x128xf32, #tpu.memory_space<vmem>>, vector<1x1x16xf32>,
        %parallel_loop3A_409 = vector.shape_cast %parallel_loop3A_408 : vector<1x1x16xf32> to vector<16xf32>
        %parallel_loop3A_410 = arith.constant 1 : i32
        %parallel_loop3A_411 = arith.index_cast %parallel_loop3A_410 : i32 to index
        %parallel_loop3A_412 = arith.index_cast %parallel_loop3A_311 : i32 to index
        %parallel_loop3A_413 = arith.constant 64 : index
        %parallel_loop3A_414 = tpu.vector_load %arg11[%parallel_loop3A_411, %parallel_loop3A_412, %parallel_loop3A_413] {strides = array<i32>} : memref<2x96x128xf32, #tpu.memory_space<vmem>>, vector<1x1x16xf32>,
        %parallel_loop3A_415 = vector.shape_cast %parallel_loop3A_414 : vector<1x1x16xf32> to vector<16xf32>
        %parallel_loop3A_416 = arith.addf %parallel_loop3A_409, %parallel_loop3A_415 : vector<16xf32>
        %parallel_loop3A_417 = arith.constant 0.000000e+00 : f32
        %parallel_loop3A_418 = vector.broadcast %parallel_loop3A_417 : f32 to vector<16xf32>
        %parallel_loop3A_419 = arith.maximumf %parallel_loop3A_416, %parallel_loop3A_418 : vector<16xf32>
        %parallel_loop3A_420 = arith.constant 1 : i32
        %parallel_loop3A_421 = arith.index_cast %parallel_loop3A_420 : i32 to index
        %parallel_loop3A_422 = arith.index_cast %parallel_loop3A_311 : i32 to index
        %parallel_loop3A_423 = arith.constant 64 : index
        %parallel_loop3A_424 = tpu.vector_load %arg10[%parallel_loop3A_421, %parallel_loop3A_422, %parallel_loop3A_423] {strides = array<i32>} : memref<2x96x128xf32, #tpu.memory_space<vmem>>, vector<1x1x16xf32>,
        %parallel_loop3A_425 = vector.shape_cast %parallel_loop3A_424 : vector<1x1x16xf32> to vector<16xf32>
        %parallel_loop3A_426 = vector.shape_cast %parallel_loop3A_419 : vector<16xf32> to vector<1x1x16xf32>
        tpu.vector_store %arg10[%parallel_loop3A_421, %parallel_loop3A_422, %parallel_loop3A_423], %parallel_loop3A_426 {strides = array<i32>} : memref<2x96x128xf32, #tpu.memory_space<vmem>>, vector<1x1x16xf32>,
        %parallel_loop3A_427 = arith.constant 1 : i32
        %parallel_loop3A_428 = arith.index_cast %parallel_loop3A_427 : i32 to index
        %parallel_loop3A_429 = arith.index_cast %parallel_loop3A_311 : i32 to index
        %parallel_loop3A_430 = arith.constant 80 : index
        %parallel_loop3A_431 = tpu.vector_load %arg10[%parallel_loop3A_428, %parallel_loop3A_429, %parallel_loop3A_430] {strides = array<i32>} : memref<2x96x128xf32, #tpu.memory_space<vmem>>, vector<1x1x16xf32>,
        %parallel_loop3A_432 = vector.shape_cast %parallel_loop3A_431 : vector<1x1x16xf32> to vector<16xf32>
        %parallel_loop3A_433 = arith.constant 1 : i32
        %parallel_loop3A_434 = arith.index_cast %parallel_loop3A_433 : i32 to index
        %parallel_loop3A_435 = arith.index_cast %parallel_loop3A_311 : i32 to index
        %parallel_loop3A_436 = arith.constant 80 : index
        %parallel_loop3A_437 = tpu.vector_load %arg11[%parallel_loop3A_434, %parallel_loop3A_435, %parallel_loop3A_436] {strides = array<i32>} : memref<2x96x128xf32, #tpu.memory_space<vmem>>, vector<1x1x16xf32>,
        %parallel_loop3A_438 = vector.shape_cast %parallel_loop3A_437 : vector<1x1x16xf32> to vector<16xf32>
        %parallel_loop3A_439 = arith.addf %parallel_loop3A_432, %parallel_loop3A_438 : vector<16xf32>
        %parallel_loop3A_440 = arith.constant 0.000000e+00 : f32
        %parallel_loop3A_441 = vector.broadcast %parallel_loop3A_440 : f32 to vector<16xf32>
        %parallel_loop3A_442 = arith.maximumf %parallel_loop3A_439, %parallel_loop3A_441 : vector<16xf32>
        %parallel_loop3A_443 = arith.constant 1 : i32
        %parallel_loop3A_444 = arith.index_cast %parallel_loop3A_443 : i32 to index
        %parallel_loop3A_445 = arith.index_cast %parallel_loop3A_311 : i32 to index
        %parallel_loop3A_446 = arith.constant 80 : index
        %parallel_loop3A_447 = tpu.vector_load %arg10[%parallel_loop3A_444, %parallel_loop3A_445, %parallel_loop3A_446] {strides = array<i32>} : memref<2x96x128xf32, #tpu.memory_space<vmem>>, vector<1x1x16xf32>,
        %parallel_loop3A_448 = vector.shape_cast %parallel_loop3A_447 : vector<1x1x16xf32> to vector<16xf32>
        %parallel_loop3A_449 = vector.shape_cast %parallel_loop3A_442 : vector<16xf32> to vector<1x1x16xf32>
        tpu.vector_store %arg10[%parallel_loop3A_444, %parallel_loop3A_445, %parallel_loop3A_446], %parallel_loop3A_449 {strides = array<i32>} : memref<2x96x128xf32, #tpu.memory_space<vmem>>, vector<1x1x16xf32>,
        %parallel_loop3A_450 = arith.constant 1 : i32
        %parallel_loop3A_451 = arith.index_cast %parallel_loop3A_450 : i32 to index
        %parallel_loop3A_452 = arith.index_cast %parallel_loop3A_311 : i32 to index
        %parallel_loop3A_453 = arith.constant 96 : index
        %parallel_loop3A_454 = tpu.vector_load %arg10[%parallel_loop3A_451, %parallel_loop3A_452, %parallel_loop3A_453] {strides = array<i32>} : memref<2x96x128xf32, #tpu.memory_space<vmem>>, vector<1x1x16xf32>,
        %parallel_loop3A_455 = vector.shape_cast %parallel_loop3A_454 : vector<1x1x16xf32> to vector<16xf32>
        %parallel_loop3A_456 = arith.constant 1 : i32
        %parallel_loop3A_457 = arith.index_cast %parallel_loop3A_456 : i32 to index
        %parallel_loop3A_458 = arith.index_cast %parallel_loop3A_311 : i32 to index
        %parallel_loop3A_459 = arith.constant 96 : index
        %parallel_loop3A_460 = tpu.vector_load %arg11[%parallel_loop3A_457, %parallel_loop3A_458, %parallel_loop3A_459] {strides = array<i32>} : memref<2x96x128xf32, #tpu.memory_space<vmem>>, vector<1x1x16xf32>,
        %parallel_loop3A_461 = vector.shape_cast %parallel_loop3A_460 : vector<1x1x16xf32> to vector<16xf32>
        %parallel_loop3A_462 = arith.addf %parallel_loop3A_455, %parallel_loop3A_461 : vector<16xf32>
        %parallel_loop3A_463 = arith.constant 0.000000e+00 : f32
        %parallel_loop3A_464 = vector.broadcast %parallel_loop3A_463 : f32 to vector<16xf32>
        %parallel_loop3A_465 = arith.maximumf %parallel_loop3A_462, %parallel_loop3A_464 : vector<16xf32>
        %parallel_loop3A_466 = arith.constant 1 : i32
        %parallel_loop3A_467 = arith.index_cast %parallel_loop3A_466 : i32 to index
        %parallel_loop3A_468 = arith.index_cast %parallel_loop3A_311 : i32 to index
        %parallel_loop3A_469 = arith.constant 96 : index
        %parallel_loop3A_470 = tpu.vector_load %arg10[%parallel_loop3A_467, %parallel_loop3A_468, %parallel_loop3A_469] {strides = array<i32>} : memref<2x96x128xf32, #tpu.memory_space<vmem>>, vector<1x1x16xf32>,
        %parallel_loop3A_471 = vector.shape_cast %parallel_loop3A_470 : vector<1x1x16xf32> to vector<16xf32>
        %parallel_loop3A_472 = vector.shape_cast %parallel_loop3A_465 : vector<16xf32> to vector<1x1x16xf32>
        tpu.vector_store %arg10[%parallel_loop3A_467, %parallel_loop3A_468, %parallel_loop3A_469], %parallel_loop3A_472 {strides = array<i32>} : memref<2x96x128xf32, #tpu.memory_space<vmem>>, vector<1x1x16xf32>,
        %parallel_loop3A_473 = arith.constant 1 : i32
        %parallel_loop3A_474 = arith.index_cast %parallel_loop3A_473 : i32 to index
        %parallel_loop3A_475 = arith.index_cast %parallel_loop3A_311 : i32 to index
        %parallel_loop3A_476 = arith.constant 112 : index
        %parallel_loop3A_477 = tpu.vector_load %arg10[%parallel_loop3A_474, %parallel_loop3A_475, %parallel_loop3A_476] {strides = array<i32>} : memref<2x96x128xf32, #tpu.memory_space<vmem>>, vector<1x1x16xf32>,
        %parallel_loop3A_478 = vector.shape_cast %parallel_loop3A_477 : vector<1x1x16xf32> to vector<16xf32>
        %parallel_loop3A_479 = arith.constant 1 : i32
        %parallel_loop3A_480 = arith.index_cast %parallel_loop3A_479 : i32 to index
        %parallel_loop3A_481 = arith.index_cast %parallel_loop3A_311 : i32 to index
        %parallel_loop3A_482 = arith.constant 112 : index
        %parallel_loop3A_483 = tpu.vector_load %arg11[%parallel_loop3A_480, %parallel_loop3A_481, %parallel_loop3A_482] {strides = array<i32>} : memref<2x96x128xf32, #tpu.memory_space<vmem>>, vector<1x1x16xf32>,
        %parallel_loop3A_484 = vector.shape_cast %parallel_loop3A_483 : vector<1x1x16xf32> to vector<16xf32>
        %parallel_loop3A_485 = arith.addf %parallel_loop3A_478, %parallel_loop3A_484 : vector<16xf32>
        %parallel_loop3A_486 = arith.constant 0.000000e+00 : f32
        %parallel_loop3A_487 = vector.broadcast %parallel_loop3A_486 : f32 to vector<16xf32>
        %parallel_loop3A_488 = arith.maximumf %parallel_loop3A_485, %parallel_loop3A_487 : vector<16xf32>
        %parallel_loop3A_489 = arith.constant 1 : i32
        %parallel_loop3A_490 = arith.index_cast %parallel_loop3A_489 : i32 to index
        %parallel_loop3A_491 = arith.index_cast %parallel_loop3A_311 : i32 to index
        %parallel_loop3A_492 = arith.constant 112 : index
        %parallel_loop3A_493 = tpu.vector_load %arg10[%parallel_loop3A_490, %parallel_loop3A_491, %parallel_loop3A_492] {strides = array<i32>} : memref<2x96x128xf32, #tpu.memory_space<vmem>>, vector<1x1x16xf32>,
        %parallel_loop3A_494 = vector.shape_cast %parallel_loop3A_493 : vector<1x1x16xf32> to vector<16xf32>
        %parallel_loop3A_495 = vector.shape_cast %parallel_loop3A_488 : vector<16xf32> to vector<1x1x16xf32>
        tpu.vector_store %arg10[%parallel_loop3A_490, %parallel_loop3A_491, %parallel_loop3A_492], %parallel_loop3A_495 {strides = array<i32>} : memref<2x96x128xf32, #tpu.memory_space<vmem>>, vector<1x1x16xf32>,
      } {sc.loop_unroll_factor = 2 : i64, sc.parallel_access}
      %dma_wait3A_281 = arith.constant 1 : i32
      %dma_wait3A_282 = arith.constant 1 : i32
      %dma_wait3A_283 = arith.constant 0 : i32
      %dma_wait3A_284 = tpu.memref_slice %arg9[%dma_wait3A_281, %dma_wait3A_283] : memref<2x96xi32, #tpu.memory_space<vmem>> -> memref<1x96xi32, #tpu.memory_space<vmem>>
      %dma_wait3A_285 = tpu.memref_squeeze %dma_wait3A_284 : memref<1x96xi32, #tpu.memory_space<vmem>> -> memref<96xi32, #tpu.memory_space<vmem>>
      %dma_wait3A_286 = arith.constant 0 : i32
      %dma_wait3A_287 = tpu.memref_slice %arg5[%dma_wait3A_286] : memref<325632xi32, #tpu.memory_space<hbm>> -> memref<96xi32, #tpu.memory_space<hbm>>
      %dma_wait3A_288 = tpu.memref_slice %arg14[%dma_wait3A_282] : memref<2x!tpu.dma_semaphore, #tpu.memory_space<semaphore_mem>> -> memref<1x!tpu.dma_semaphore, #tpu.memory_space<semaphore_mem>>
      %dma_wait3A_289 = tpu.memref_squeeze %dma_wait3A_288 : memref<1x!tpu.dma_semaphore, #tpu.memory_space<semaphore_mem>> -> memref<!tpu.dma_semaphore, #tpu.memory_space<semaphore_mem>>
      %dma_wait3A_290 = arith.constant 0 : i32
      %dma_wait3A_291 = tpu.memref_slice %arg9[%dma_wait3A_281, %dma_wait3A_290] : memref<2x96xi32, #tpu.memory_space<vmem>> -> memref<1x96xi32, #tpu.memory_space<vmem>>
      %dma_wait3A_292 = tpu.memref_squeeze %dma_wait3A_291 : memref<1x96xi32, #tpu.memory_space<vmem>> -> memref<96xi32, #tpu.memory_space<vmem>>
      %dma_wait3A_293 = arith.constant 0 : i32
      %dma_wait3A_294 = tpu.memref_slice %arg5[%dma_wait3A_293] : memref<325632xi32, #tpu.memory_space<hbm>> -> memref<96xi32, #tpu.memory_space<hbm>>
      tpu.wait_dma2 semaphore(%dma_wait3A_289 : memref<!tpu.dma_semaphore, #tpu.memory_space<semaphore_mem>>) src(%dma_wait3A_294 : memref<96xi32, #tpu.memory_space<hbm>>) dst(%dma_wait3A_292 : memref<96xi32, #tpu.memory_space<vmem>>)
      %dma_start3A_295 = arith.constant 1 : i32
      %dma_start3A_296 = arith.constant 1 : i32
      %dma_start3A_297 = arith.constant 1 : i32
      %dma_start3A_298 = arith.constant 0 : i32
      %dma_start3A_299 = arith.constant 0 : i32
      %dma_start3A_300 = tpu.memref_slice %arg10[%dma_start3A_295, %dma_start3A_298, %dma_start3A_299] : memref<2x96x128xf32, #tpu.memory_space<vmem>> -> memref<1x96x128xf32, #tpu.memory_space<vmem>>
      %dma_start3A_301 = tpu.memref_squeeze %dma_start3A_300 : memref<1x96x128xf32, #tpu.memory_space<vmem>> -> memref<96x128xf32, #tpu.memory_space<vmem>>
      %dma_start3A_302 = arith.constant 0 : i32
      %dma_start3A_303 = tpu.memref_slice %arg9[%dma_start3A_296, %dma_start3A_302] : memref<2x96xi32, #tpu.memory_space<vmem>> -> memref<1x96xi32, #tpu.memory_space<vmem>>
      %dma_start3A_304 = tpu.memref_squeeze %dma_start3A_303 : memref<1x96xi32, #tpu.memory_space<vmem>> -> memref<96xi32, #tpu.memory_space<vmem>>
      %dma_start3A_305 = arith.constant 0 : i32
      %dma_start3A_306 = arith.constant 0 : i32
      %dma_start3A_307 = tpu.memref_slice %arg7[%dma_start3A_305, %dma_start3A_306] : memref<10112x128xf32, #tpu.memory_space<vmem_shared>> -> memref<10112x128xf32, #tpu.memory_space<vmem_shared>>
      %dma_start3A_308 = tpu.memref_slice %arg15[%dma_start3A_297] : memref<2x!tpu.dma_semaphore, #tpu.memory_space<semaphore_mem>> -> memref<1x!tpu.dma_semaphore, #tpu.memory_space<semaphore_mem>>
      %dma_start3A_309 = tpu.memref_squeeze %dma_start3A_308 : memref<1x!tpu.dma_semaphore, #tpu.memory_space<semaphore_mem>> -> memref<!tpu.dma_semaphore, #tpu.memory_space<semaphore_mem>>
      tpu.enqueue_indirect_dma source(%dma_start3A_301 : memref<96x128xf32, #tpu.memory_space<vmem>>) target(%dma_start3A_307 : memref<10112x128xf32, #tpu.memory_space<vmem_shared>>) offsets(%dma_start3A_304 : memref<96xi32, #tpu.memory_space<vmem>>) semaphore(%dma_start3A_309 : memref<!tpu.dma_semaphore, #tpu.memory_space<semaphore_mem>>) {add = true}
      %while3A_310 = arith.constant 0 : i32
      scf.yield %while3A_310 : i32
    }
    %while3A_126 = arith.constant 1 : i32
    %while3A_127 = scf.for %while3A_143 = %while3A_123 to %while3A_119 step %while3A_126 iter_args(%while3A_144 = %while3A_125) -> (i32)  : i32 {
      %mul3A_145 = arith.constant 2 : i32
      %mul3A_146 = arith.muli %mul3A_145, %while3A_143 : i32
      %ge3A = arith.constant 1 : i32
      %ge3A_147 = arith.cmpi sge, %mul3A_146, %ge3A : i32
      %convert_element_type3A = arith.extui %ge3A_147 : i1 to i32
      %cond3A = arith.constant 0 : i32
      %cond3A_148 = arith.cmpi ne, %convert_element_type3A, %cond3A : i32
      scf.if %cond3A_148 {
        %dma_wait3A_311 = arith.constant 1 : i32
        %dma_wait3A_312 = arith.constant 1 : i32
        %dma_wait3A_313 = arith.constant 1 : i32
        %dma_wait3A_314 = arith.constant 0 : i32
        %dma_wait3A_315 = arith.constant 0 : i32
        %dma_wait3A_316 = tpu.memref_slice %arg10[%dma_wait3A_311, %dma_wait3A_314, %dma_wait3A_315] : memref<2x96x128xf32, #tpu.memory_space<vmem>> -> memref<1x96x128xf32, #tpu.memory_space<vmem>>
        %dma_wait3A_317 = tpu.memref_squeeze %dma_wait3A_316 : memref<1x96x128xf32, #tpu.memory_space<vmem>> -> memref<96x128xf32, #tpu.memory_space<vmem>>
        %dma_wait3A_318 = arith.constant 0 : i32
        %dma_wait3A_319 = tpu.memref_slice %arg9[%dma_wait3A_312, %dma_wait3A_318] : memref<2x96xi32, #tpu.memory_space<vmem>> -> memref<1x96xi32, #tpu.memory_space<vmem>>
        %dma_wait3A_320 = tpu.memref_squeeze %dma_wait3A_319 : memref<1x96xi32, #tpu.memory_space<vmem>> -> memref<96xi32, #tpu.memory_space<vmem>>
        %dma_wait3A_321 = arith.constant 0 : i32
        %dma_wait3A_322 = arith.constant 0 : i32
        %dma_wait3A_323 = tpu.memref_slice %arg7[%dma_wait3A_321, %dma_wait3A_322] : memref<10112x128xf32, #tpu.memory_space<vmem_shared>> -> memref<10112x128xf32, #tpu.memory_space<vmem_shared>>
        %dma_wait3A_324 = tpu.memref_slice %arg15[%dma_wait3A_313] : memref<2x!tpu.dma_semaphore, #tpu.memory_space<semaphore_mem>> -> memref<1x!tpu.dma_semaphore, #tpu.memory_space<semaphore_mem>>
        %dma_wait3A_325 = tpu.memref_squeeze %dma_wait3A_324 : memref<1x!tpu.dma_semaphore, #tpu.memory_space<semaphore_mem>> -> memref<!tpu.dma_semaphore, #tpu.memory_space<semaphore_mem>>
        tpu.wait_indirect_dma semaphore(%dma_wait3A_325 : memref<!tpu.dma_semaphore, #tpu.memory_space<semaphore_mem>>) src(%dma_wait3A_317 : memref<96x128xf32, #tpu.memory_space<vmem>>) dst(%dma_wait3A_323 : memref<10112x128xf32, #tpu.memory_space<vmem_shared>>)
      } else {
      }
      %sub3A_149 = arith.constant 1 : i32
      %sub3A_150 = arith.subi %select_n3A, %sub3A_149 : i32
      %lt3A = arith.cmpi slt, %mul3A_146, %sub3A_150 : i32
      %convert_element_type3A_151 = arith.extui %lt3A : i1 to i32
      %cond3A_152 = arith.constant 0 : i32
      %cond3A_153 = arith.cmpi ne, %convert_element_type3A_151, %cond3A_152 : i32
      scf.if %cond3A_153 {
        %add3A_311 = arith.constant 1 : i32
        %add3A_312 = arith.addi %mul3A_146, %add3A_311 : i32
        %mul3A_313 = arith.constant 96 : i32
        %mul3A_314 = arith.muli %add3A_312, %mul3A_313 : i32
        %add3A_315 = arith.addi %select_n3A_37, %mul3A_314 : i32
        %multiple_of3A_316 = tpu.assume_multiple %add3A_315, 96 : i32
        %dma_wait3A_317 = arith.constant 1 : i32
        %dma_wait3A_318 = arith.constant 1 : i32
        %dma_wait3A_319 = arith.constant 0 : i32
        %dma_wait3A_320 = tpu.memref_slice %arg8[%dma_wait3A_317, %dma_wait3A_319] : memref<2x96xi32, #tpu.memory_space<vmem>> -> memref<1x96xi32, #tpu.memory_space<vmem>>
        %dma_wait3A_321 = tpu.memref_squeeze %dma_wait3A_320 : memref<1x96xi32, #tpu.memory_space<vmem>> -> memref<96xi32, #tpu.memory_space<vmem>>
        %dma_wait3A_322 = arith.constant 0 : i32
        %dma_wait3A_323 = tpu.memref_slice %arg4[%dma_wait3A_322] : memref<325632xi32, #tpu.memory_space<hbm>> -> memref<96xi32, #tpu.memory_space<hbm>>
        %dma_wait3A_324 = tpu.memref_slice %arg16[%dma_wait3A_318] : memref<2x!tpu.dma_semaphore, #tpu.memory_space<semaphore_mem>> -> memref<1x!tpu.dma_semaphore, #tpu.memory_space<semaphore_mem>>
        %dma_wait3A_325 = tpu.memref_squeeze %dma_wait3A_324 : memref<1x!tpu.dma_semaphore, #tpu.memory_space<semaphore_mem>> -> memref<!tpu.dma_semaphore, #tpu.memory_space<semaphore_mem>>
        %dma_wait3A_326 = arith.constant 0 : i32
        %dma_wait3A_327 = tpu.memref_slice %arg8[%dma_wait3A_317, %dma_wait3A_326] : memref<2x96xi32, #tpu.memory_space<vmem>> -> memref<1x96xi32, #tpu.memory_space<vmem>>
        %dma_wait3A_328 = tpu.memref_squeeze %dma_wait3A_327 : memref<1x96xi32, #tpu.memory_space<vmem>> -> memref<96xi32, #tpu.memory_space<vmem>>
        %dma_wait3A_329 = arith.constant 0 : i32
        %dma_wait3A_330 = tpu.memref_slice %arg4[%dma_wait3A_329] : memref<325632xi32, #tpu.memory_space<hbm>> -> memref<96xi32, #tpu.memory_space<hbm>>
        tpu.wait_dma2 semaphore(%dma_wait3A_325 : memref<!tpu.dma_semaphore, #tpu.memory_space<semaphore_mem>>) src(%dma_wait3A_330 : memref<96xi32, #tpu.memory_space<hbm>>) dst(%dma_wait3A_328 : memref<96xi32, #tpu.memory_space<vmem>>)
        %dma_start3A_331 = arith.constant 1 : i32
        %dma_start3A_332 = arith.constant 1 : i32
        %dma_start3A_333 = arith.constant 1 : i32
        %dma_start3A_334 = arith.constant 0 : i32
        %dma_start3A_335 = arith.constant 0 : i32
        %dma_start3A_336 = tpu.memref_slice %arg10[%dma_start3A_332, %dma_start3A_334, %dma_start3A_335] : memref<2x96x128xf32, #tpu.memory_space<vmem>> -> memref<1x96x128xf32, #tpu.memory_space<vmem>>
        %dma_start3A_337 = tpu.memref_squeeze %dma_start3A_336 : memref<1x96x128xf32, #tpu.memory_space<vmem>> -> memref<96x128xf32, #tpu.memory_space<vmem>>
        %dma_start3A_338 = arith.constant 0 : i32
        %dma_start3A_339 = tpu.memref_slice %arg8[%dma_start3A_331, %dma_start3A_338] : memref<2x96xi32, #tpu.memory_space<vmem>> -> memref<1x96xi32, #tpu.memory_space<vmem>>
        %dma_start3A_340 = tpu.memref_squeeze %dma_start3A_339 : memref<1x96xi32, #tpu.memory_space<vmem>> -> memref<96xi32, #tpu.memory_space<vmem>>
        %dma_start3A_341 = arith.constant 0 : i32
        %dma_start3A_342 = arith.constant 0 : i32
        %dma_start3A_343 = tpu.memref_slice %arg2[%dma_start3A_341, %dma_start3A_342] : memref<10000x128xf32, #tpu.memory_space<hbm>> -> memref<10000x128xf32, #tpu.memory_space<hbm>>
        %dma_start3A_344 = tpu.memref_slice %arg12[%dma_start3A_333] : memref<2x!tpu.dma_semaphore, #tpu.memory_space<semaphore_mem>> -> memref<1x!tpu.dma_semaphore, #tpu.memory_space<semaphore_mem>>
        %dma_start3A_345 = tpu.memref_squeeze %dma_start3A_344 : memref<1x!tpu.dma_semaphore, #tpu.memory_space<semaphore_mem>> -> memref<!tpu.dma_semaphore, #tpu.memory_space<semaphore_mem>>
        tpu.enqueue_indirect_dma source(%dma_start3A_343 : memref<10000x128xf32, #tpu.memory_space<hbm>>) target(%dma_start3A_337 : memref<96x128xf32, #tpu.memory_space<vmem>>) offsets(%dma_start3A_340 : memref<96xi32, #tpu.memory_space<vmem>>) semaphore(%dma_start3A_345 : memref<!tpu.dma_semaphore, #tpu.memory_space<semaphore_mem>>)
        %dma_start3A_346 = arith.constant 1 : i32
        %dma_start3A_347 = arith.constant 1 : i32
        %dma_start3A_348 = arith.constant 0 : i32
        %dma_start3A_349 = arith.constant 0 : i32
        %dma_start3A_350 = tpu.memref_slice %arg11[%dma_start3A_346, %dma_start3A_348, %dma_start3A_349] : memref<2x96x128xf32, #tpu.memory_space<vmem>> -> memref<1x96x128xf32, #tpu.memory_space<vmem>>
        %dma_start3A_351 = tpu.memref_squeeze %dma_start3A_350 : memref<1x96x128xf32, #tpu.memory_space<vmem>> -> memref<96x128xf32, #tpu.memory_space<vmem>>
        %dma_start3A_352 = arith.constant 0 : i32
        %dma_start3A_353 = tpu.memref_slice %arg3[%multiple_of3A_316, %dma_start3A_352] : memref<325632x128xf32, #tpu.memory_space<hbm>> -> memref<96x128xf32, #tpu.memory_space<hbm>>
        %dma_start3A_354 = tpu.memref_slice %arg13[%dma_start3A_347] : memref<2x!tpu.dma_semaphore, #tpu.memory_space<semaphore_mem>> -> memref<1x!tpu.dma_semaphore, #tpu.memory_space<semaphore_mem>>
        %dma_start3A_355 = tpu.memref_squeeze %dma_start3A_354 : memref<1x!tpu.dma_semaphore, #tpu.memory_space<semaphore_mem>> -> memref<!tpu.dma_semaphore, #tpu.memory_space<semaphore_mem>>
        %dma_start3A_356 = arith.constant 0 : i32
        %dma_start3A_357 = arith.constant 0 : i32
        %dma_start3A_358 = tpu.memref_slice %arg11[%dma_start3A_346, %dma_start3A_356, %dma_start3A_357] : memref<2x96x128xf32, #tpu.memory_space<vmem>> -> memref<1x96x128xf32, #tpu.memory_space<vmem>>
        %dma_start3A_359 = tpu.memref_squeeze %dma_start3A_358 : memref<1x96x128xf32, #tpu.memory_space<vmem>> -> memref<96x128xf32, #tpu.memory_space<vmem>>
        %dma_start3A_360 = arith.constant 0 : i32
        %dma_start3A_361 = tpu.memref_slice %arg3[%multiple_of3A_316, %dma_start3A_360] : memref<325632x128xf32, #tpu.memory_space<hbm>> -> memref<96x128xf32, #tpu.memory_space<hbm>>
        tpu.enqueue_dma source(%dma_start3A_361 : memref<96x128xf32, #tpu.memory_space<hbm>>) target(%dma_start3A_359 : memref<96x128xf32, #tpu.memory_space<vmem>>) target_semaphore(%dma_start3A_355 : memref<!tpu.dma_semaphore, #tpu.memory_space<semaphore_mem>>)
        %dma_start3A_362 = arith.constant 1 : i32
        %dma_start3A_363 = arith.constant 1 : i32
        %dma_start3A_364 = arith.constant 0 : i32
        %dma_start3A_365 = tpu.memref_slice %arg9[%dma_start3A_362, %dma_start3A_364] : memref<2x96xi32, #tpu.memory_space<vmem>> -> memref<1x96xi32, #tpu.memory_space<vmem>>
        %dma_start3A_366 = tpu.memref_squeeze %dma_start3A_365 : memref<1x96xi32, #tpu.memory_space<vmem>> -> memref<96xi32, #tpu.memory_space<vmem>>
        %dma_start3A_367 = tpu.memref_slice %arg5[%multiple_of3A_316] : memref<325632xi32, #tpu.memory_space<hbm>> -> memref<96xi32, #tpu.memory_space<hbm>>
        %dma_start3A_368 = tpu.memref_slice %arg14[%dma_start3A_363] : memref<2x!tpu.dma_semaphore, #tpu.memory_space<semaphore_mem>> -> memref<1x!tpu.dma_semaphore, #tpu.memory_space<semaphore_mem>>
        %dma_start3A_369 = tpu.memref_squeeze %dma_start3A_368 : memref<1x!tpu.dma_semaphore, #tpu.memory_space<semaphore_mem>> -> memref<!tpu.dma_semaphore, #tpu.memory_space<semaphore_mem>>
        %dma_start3A_370 = arith.constant 0 : i32
        %dma_start3A_371 = tpu.memref_slice %arg9[%dma_start3A_362, %dma_start3A_370] : memref<2x96xi32, #tpu.memory_space<vmem>> -> memref<1x96xi32, #tpu.memory_space<vmem>>
        %dma_start3A_372 = tpu.memref_squeeze %dma_start3A_371 : memref<1x96xi32, #tpu.memory_space<vmem>> -> memref<96xi32, #tpu.memory_space<vmem>>
        %dma_start3A_373 = tpu.memref_slice %arg5[%multiple_of3A_316] : memref<325632xi32, #tpu.memory_space<hbm>> -> memref<96xi32, #tpu.memory_space<hbm>>
        tpu.enqueue_dma source(%dma_start3A_373 : memref<96xi32, #tpu.memory_space<hbm>>) target(%dma_start3A_372 : memref<96xi32, #tpu.memory_space<vmem>>) target_semaphore(%dma_start3A_369 : memref<!tpu.dma_semaphore, #tpu.memory_space<semaphore_mem>>)
      } else {
      }
      %dma_wait3A_154 = arith.constant 0 : i32
      %dma_wait3A_155 = arith.constant 0 : i32
      %dma_wait3A_156 = arith.constant 0 : i32
      %dma_wait3A_157 = arith.constant 0 : i32
      %dma_wait3A_158 = arith.constant 0 : i32
      %dma_wait3A_159 = tpu.memref_slice %arg10[%dma_wait3A_155, %dma_wait3A_157, %dma_wait3A_158] : memref<2x96x128xf32, #tpu.memory_space<vmem>> -> memref<1x96x128xf32, #tpu.memory_space<vmem>>
      %dma_wait3A_160 = tpu.memref_squeeze %dma_wait3A_159 : memref<1x96x128xf32, #tpu.memory_space<vmem>> -> memref<96x128xf32, #tpu.memory_space<vmem>>
      %dma_wait3A_161 = arith.constant 0 : i32
      %dma_wait3A_162 = tpu.memref_slice %arg8[%dma_wait3A_154, %dma_wait3A_161] : memref<2x96xi32, #tpu.memory_space<vmem>> -> memref<1x96xi32, #tpu.memory_space<vmem>>
      %dma_wait3A_163 = tpu.memref_squeeze %dma_wait3A_162 : memref<1x96xi32, #tpu.memory_space<vmem>> -> memref<96xi32, #tpu.memory_space<vmem>>
      %dma_wait3A_164 = arith.constant 0 : i32
      %dma_wait3A_165 = arith.constant 0 : i32
      %dma_wait3A_166 = tpu.memref_slice %arg2[%dma_wait3A_164, %dma_wait3A_165] : memref<10000x128xf32, #tpu.memory_space<hbm>> -> memref<10000x128xf32, #tpu.memory_space<hbm>>
      %dma_wait3A_167 = tpu.memref_slice %arg12[%dma_wait3A_156] : memref<2x!tpu.dma_semaphore, #tpu.memory_space<semaphore_mem>> -> memref<1x!tpu.dma_semaphore, #tpu.memory_space<semaphore_mem>>
      %dma_wait3A_168 = tpu.memref_squeeze %dma_wait3A_167 : memref<1x!tpu.dma_semaphore, #tpu.memory_space<semaphore_mem>> -> memref<!tpu.dma_semaphore, #tpu.memory_space<semaphore_mem>>
      tpu.wait_indirect_dma semaphore(%dma_wait3A_168 : memref<!tpu.dma_semaphore, #tpu.memory_space<semaphore_mem>>) src(%dma_wait3A_166 : memref<10000x128xf32, #tpu.memory_space<hbm>>) dst(%dma_wait3A_160 : memref<96x128xf32, #tpu.memory_space<vmem>>)
      %dma_wait3A_169 = arith.constant 0 : i32
      %dma_wait3A_170 = arith.constant 0 : i32
      %dma_wait3A_171 = arith.constant 0 : i32
      %dma_wait3A_172 = arith.constant 0 : i32
      %dma_wait3A_173 = tpu.memref_slice %arg11[%dma_wait3A_169, %dma_wait3A_171, %dma_wait3A_172] : memref<2x96x128xf32, #tpu.memory_space<vmem>> -> memref<1x96x128xf32, #tpu.memory_space<vmem>>
      %dma_wait3A_174 = tpu.memref_squeeze %dma_wait3A_173 : memref<1x96x128xf32, #tpu.memory_space<vmem>> -> memref<96x128xf32, #tpu.memory_space<vmem>>
      %dma_wait3A_175 = arith.constant 0 : i32
      %dma_wait3A_176 = arith.constant 0 : i32
      %dma_wait3A_177 = tpu.memref_slice %arg3[%dma_wait3A_175, %dma_wait3A_176] : memref<325632x128xf32, #tpu.memory_space<hbm>> -> memref<96x128xf32, #tpu.memory_space<hbm>>
      %dma_wait3A_178 = tpu.memref_slice %arg13[%dma_wait3A_170] : memref<2x!tpu.dma_semaphore, #tpu.memory_space<semaphore_mem>> -> memref<1x!tpu.dma_semaphore, #tpu.memory_space<semaphore_mem>>
      %dma_wait3A_179 = tpu.memref_squeeze %dma_wait3A_178 : memref<1x!tpu.dma_semaphore, #tpu.memory_space<semaphore_mem>> -> memref<!tpu.dma_semaphore, #tpu.memory_space<semaphore_mem>>
      %dma_wait3A_180 = arith.constant 0 : i32
      %dma_wait3A_181 = arith.constant 0 : i32
      %dma_wait3A_182 = tpu.memref_slice %arg11[%dma_wait3A_169, %dma_wait3A_180, %dma_wait3A_181] : memref<2x96x128xf32, #tpu.memory_space<vmem>> -> memref<1x96x128xf32, #tpu.memory_space<vmem>>
      %dma_wait3A_183 = tpu.memref_squeeze %dma_wait3A_182 : memref<1x96x128xf32, #tpu.memory_space<vmem>> -> memref<96x128xf32, #tpu.memory_space<vmem>>
      %dma_wait3A_184 = arith.constant 0 : i32
      %dma_wait3A_185 = arith.constant 0 : i32
      %dma_wait3A_186 = tpu.memref_slice %arg3[%dma_wait3A_184, %dma_wait3A_185] : memref<325632x128xf32, #tpu.memory_space<hbm>> -> memref<96x128xf32, #tpu.memory_space<hbm>>
      tpu.wait_dma2 semaphore(%dma_wait3A_179 : memref<!tpu.dma_semaphore, #tpu.memory_space<semaphore_mem>>) src(%dma_wait3A_186 : memref<96x128xf32, #tpu.memory_space<hbm>>) dst(%dma_wait3A_183 : memref<96x128xf32, #tpu.memory_space<vmem>>)
      %sub3A_187 = arith.constant 2 : i32
      %sub3A_188 = arith.subi %select_n3A, %sub3A_187 : i32
      %lt3A_189 = arith.cmpi slt, %mul3A_146, %sub3A_188 : i32
      %convert_element_type3A_190 = arith.extui %lt3A_189 : i1 to i32
      %cond3A_191 = arith.constant 0 : i32
      %cond3A_192 = arith.cmpi ne, %convert_element_type3A_190, %cond3A_191 : i32
      scf.if %cond3A_192 {
        %add3A_311 = arith.constant 2 : i32
        %add3A_312 = arith.addi %mul3A_146, %add3A_311 : i32
        %mul3A_313 = arith.constant 96 : i32
        %mul3A_314 = arith.muli %add3A_312, %mul3A_313 : i32
        %add3A_315 = arith.addi %select_n3A_37, %mul3A_314 : i32
        %multiple_of3A_316 = tpu.assume_multiple %add3A_315, 96 : i32
        %dma_start3A_317 = arith.constant 0 : i32
        %dma_start3A_318 = arith.constant 0 : i32
        %dma_start3A_319 = arith.constant 0 : i32
        %dma_start3A_320 = tpu.memref_slice %arg8[%dma_start3A_317, %dma_start3A_319] : memref<2x96xi32, #tpu.memory_space<vmem>> -> memref<1x96xi32, #tpu.memory_space<vmem>>
        %dma_start3A_321 = tpu.memref_squeeze %dma_start3A_320 : memref<1x96xi32, #tpu.memory_space<vmem>> -> memref<96xi32, #tpu.memory_space<vmem>>
        %dma_start3A_322 = tpu.memref_slice %arg4[%multiple_of3A_316] : memref<325632xi32, #tpu.memory_space<hbm>> -> memref<96xi32, #tpu.memory_space<hbm>>
        %dma_start3A_323 = tpu.memref_slice %arg16[%dma_start3A_318] : memref<2x!tpu.dma_semaphore, #tpu.memory_space<semaphore_mem>> -> memref<1x!tpu.dma_semaphore, #tpu.memory_space<semaphore_mem>>
        %dma_start3A_324 = tpu.memref_squeeze %dma_start3A_323 : memref<1x!tpu.dma_semaphore, #tpu.memory_space<semaphore_mem>> -> memref<!tpu.dma_semaphore, #tpu.memory_space<semaphore_mem>>
        %dma_start3A_325 = arith.constant 0 : i32
        %dma_start3A_326 = tpu.memref_slice %arg8[%dma_start3A_317, %dma_start3A_325] : memref<2x96xi32, #tpu.memory_space<vmem>> -> memref<1x96xi32, #tpu.memory_space<vmem>>
        %dma_start3A_327 = tpu.memref_squeeze %dma_start3A_326 : memref<1x96xi32, #tpu.memory_space<vmem>> -> memref<96xi32, #tpu.memory_space<vmem>>
        %dma_start3A_328 = tpu.memref_slice %arg4[%multiple_of3A_316] : memref<325632xi32, #tpu.memory_space<hbm>> -> memref<96xi32, #tpu.memory_space<hbm>>
        tpu.enqueue_dma source(%dma_start3A_328 : memref<96xi32, #tpu.memory_space<hbm>>) target(%dma_start3A_327 : memref<96xi32, #tpu.memory_space<vmem>>) target_semaphore(%dma_start3A_324 : memref<!tpu.dma_semaphore, #tpu.memory_space<semaphore_mem>>)
      } else {
      }
      %parallel_loop3A = arith.constant 0 : i32
      %parallel_loop3A_193 = arith.constant 96 : i32
      %parallel_loop3A_194 = arith.constant 1 : i32
      scf.for %parallel_loop3A_311 = %parallel_loop3A to %parallel_loop3A_193 step %parallel_loop3A_194  : i32 {
        %parallel_loop3A_312 = arith.constant 0 : i32
        %parallel_loop3A_313 = arith.index_cast %parallel_loop3A_312 : i32 to index
        %parallel_loop3A_314 = arith.index_cast %parallel_loop3A_311 : i32 to index
        %parallel_loop3A_315 = arith.constant 0 : index
        %parallel_loop3A_316 = tpu.vector_load %arg10[%parallel_loop3A_313, %parallel_loop3A_314, %parallel_loop3A_315] {strides = array<i32>} : memref<2x96x128xf32, #tpu.memory_space<vmem>>, vector<1x1x16xf32>,
        %parallel_loop3A_317 = vector.shape_cast %parallel_loop3A_316 : vector<1x1x16xf32> to vector<16xf32>
        %parallel_loop3A_318 = arith.constant 0 : i32
        %parallel_loop3A_319 = arith.index_cast %parallel_loop3A_318 : i32 to index
        %parallel_loop3A_320 = arith.index_cast %parallel_loop3A_311 : i32 to index
        %parallel_loop3A_321 = arith.constant 0 : index
        %parallel_loop3A_322 = tpu.vector_load %arg11[%parallel_loop3A_319, %parallel_loop3A_320, %parallel_loop3A_321] {strides = array<i32>} : memref<2x96x128xf32, #tpu.memory_space<vmem>>, vector<1x1x16xf32>,
        %parallel_loop3A_323 = vector.shape_cast %parallel_loop3A_322 : vector<1x1x16xf32> to vector<16xf32>
        %parallel_loop3A_324 = arith.addf %parallel_loop3A_317, %parallel_loop3A_323 : vector<16xf32>
        %parallel_loop3A_325 = arith.constant 0.000000e+00 : f32
        %parallel_loop3A_326 = vector.broadcast %parallel_loop3A_325 : f32 to vector<16xf32>
        %parallel_loop3A_327 = arith.maximumf %parallel_loop3A_324, %parallel_loop3A_326 : vector<16xf32>
        %parallel_loop3A_328 = arith.constant 0 : i32
        %parallel_loop3A_329 = arith.index_cast %parallel_loop3A_328 : i32 to index
        %parallel_loop3A_330 = arith.index_cast %parallel_loop3A_311 : i32 to index
        %parallel_loop3A_331 = arith.constant 0 : index
        %parallel_loop3A_332 = tpu.vector_load %arg10[%parallel_loop3A_329, %parallel_loop3A_330, %parallel_loop3A_331] {strides = array<i32>} : memref<2x96x128xf32, #tpu.memory_space<vmem>>, vector<1x1x16xf32>,
        %parallel_loop3A_333 = vector.shape_cast %parallel_loop3A_332 : vector<1x1x16xf32> to vector<16xf32>
        %parallel_loop3A_334 = vector.shape_cast %parallel_loop3A_327 : vector<16xf32> to vector<1x1x16xf32>
        tpu.vector_store %arg10[%parallel_loop3A_329, %parallel_loop3A_330, %parallel_loop3A_331], %parallel_loop3A_334 {strides = array<i32>} : memref<2x96x128xf32, #tpu.memory_space<vmem>>, vector<1x1x16xf32>,
        %parallel_loop3A_335 = arith.constant 0 : i32
        %parallel_loop3A_336 = arith.index_cast %parallel_loop3A_335 : i32 to index
        %parallel_loop3A_337 = arith.index_cast %parallel_loop3A_311 : i32 to index
        %parallel_loop3A_338 = arith.constant 16 : index
        %parallel_loop3A_339 = tpu.vector_load %arg10[%parallel_loop3A_336, %parallel_loop3A_337, %parallel_loop3A_338] {strides = array<i32>} : memref<2x96x128xf32, #tpu.memory_space<vmem>>, vector<1x1x16xf32>,
        %parallel_loop3A_340 = vector.shape_cast %parallel_loop3A_339 : vector<1x1x16xf32> to vector<16xf32>
        %parallel_loop3A_341 = arith.constant 0 : i32
        %parallel_loop3A_342 = arith.index_cast %parallel_loop3A_341 : i32 to index
        %parallel_loop3A_343 = arith.index_cast %parallel_loop3A_311 : i32 to index
        %parallel_loop3A_344 = arith.constant 16 : index
        %parallel_loop3A_345 = tpu.vector_load %arg11[%parallel_loop3A_342, %parallel_loop3A_343, %parallel_loop3A_344] {strides = array<i32>} : memref<2x96x128xf32, #tpu.memory_space<vmem>>, vector<1x1x16xf32>,
        %parallel_loop3A_346 = vector.shape_cast %parallel_loop3A_345 : vector<1x1x16xf32> to vector<16xf32>
        %parallel_loop3A_347 = arith.addf %parallel_loop3A_340, %parallel_loop3A_346 : vector<16xf32>
        %parallel_loop3A_348 = arith.constant 0.000000e+00 : f32
        %parallel_loop3A_349 = vector.broadcast %parallel_loop3A_348 : f32 to vector<16xf32>
        %parallel_loop3A_350 = arith.maximumf %parallel_loop3A_347, %parallel_loop3A_349 : vector<16xf32>
        %parallel_loop3A_351 = arith.constant 0 : i32
        %parallel_loop3A_352 = arith.index_cast %parallel_loop3A_351 : i32 to index
        %parallel_loop3A_353 = arith.index_cast %parallel_loop3A_311 : i32 to index
        %parallel_loop3A_354 = arith.constant 16 : index
        %parallel_loop3A_355 = tpu.vector_load %arg10[%parallel_loop3A_352, %parallel_loop3A_353, %parallel_loop3A_354] {strides = array<i32>} : memref<2x96x128xf32, #tpu.memory_space<vmem>>, vector<1x1x16xf32>,
        %parallel_loop3A_356 = vector.shape_cast %parallel_loop3A_355 : vector<1x1x16xf32> to vector<16xf32>
        %parallel_loop3A_357 = vector.shape_cast %parallel_loop3A_350 : vector<16xf32> to vector<1x1x16xf32>
        tpu.vector_store %arg10[%parallel_loop3A_352, %parallel_loop3A_353, %parallel_loop3A_354], %parallel_loop3A_357 {strides = array<i32>} : memref<2x96x128xf32, #tpu.memory_space<vmem>>, vector<1x1x16xf32>,
        %parallel_loop3A_358 = arith.constant 0 : i32
        %parallel_loop3A_359 = arith.index_cast %parallel_loop3A_358 : i32 to index
        %parallel_loop3A_360 = arith.index_cast %parallel_loop3A_311 : i32 to index
        %parallel_loop3A_361 = arith.constant 32 : index
        %parallel_loop3A_362 = tpu.vector_load %arg10[%parallel_loop3A_359, %parallel_loop3A_360, %parallel_loop3A_361] {strides = array<i32>} : memref<2x96x128xf32, #tpu.memory_space<vmem>>, vector<1x1x16xf32>,
        %parallel_loop3A_363 = vector.shape_cast %parallel_loop3A_362 : vector<1x1x16xf32> to vector<16xf32>
        %parallel_loop3A_364 = arith.constant 0 : i32
        %parallel_loop3A_365 = arith.index_cast %parallel_loop3A_364 : i32 to index
        %parallel_loop3A_366 = arith.index_cast %parallel_loop3A_311 : i32 to index
        %parallel_loop3A_367 = arith.constant 32 : index
        %parallel_loop3A_368 = tpu.vector_load %arg11[%parallel_loop3A_365, %parallel_loop3A_366, %parallel_loop3A_367] {strides = array<i32>} : memref<2x96x128xf32, #tpu.memory_space<vmem>>, vector<1x1x16xf32>,
        %parallel_loop3A_369 = vector.shape_cast %parallel_loop3A_368 : vector<1x1x16xf32> to vector<16xf32>
        %parallel_loop3A_370 = arith.addf %parallel_loop3A_363, %parallel_loop3A_369 : vector<16xf32>
        %parallel_loop3A_371 = arith.constant 0.000000e+00 : f32
        %parallel_loop3A_372 = vector.broadcast %parallel_loop3A_371 : f32 to vector<16xf32>
        %parallel_loop3A_373 = arith.maximumf %parallel_loop3A_370, %parallel_loop3A_372 : vector<16xf32>
        %parallel_loop3A_374 = arith.constant 0 : i32
        %parallel_loop3A_375 = arith.index_cast %parallel_loop3A_374 : i32 to index
        %parallel_loop3A_376 = arith.index_cast %parallel_loop3A_311 : i32 to index
        %parallel_loop3A_377 = arith.constant 32 : index
        %parallel_loop3A_378 = tpu.vector_load %arg10[%parallel_loop3A_375, %parallel_loop3A_376, %parallel_loop3A_377] {strides = array<i32>} : memref<2x96x128xf32, #tpu.memory_space<vmem>>, vector<1x1x16xf32>,
        %parallel_loop3A_379 = vector.shape_cast %parallel_loop3A_378 : vector<1x1x16xf32> to vector<16xf32>
        %parallel_loop3A_380 = vector.shape_cast %parallel_loop3A_373 : vector<16xf32> to vector<1x1x16xf32>
        tpu.vector_store %arg10[%parallel_loop3A_375, %parallel_loop3A_376, %parallel_loop3A_377], %parallel_loop3A_380 {strides = array<i32>} : memref<2x96x128xf32, #tpu.memory_space<vmem>>, vector<1x1x16xf32>,
        %parallel_loop3A_381 = arith.constant 0 : i32
        %parallel_loop3A_382 = arith.index_cast %parallel_loop3A_381 : i32 to index
        %parallel_loop3A_383 = arith.index_cast %parallel_loop3A_311 : i32 to index
        %parallel_loop3A_384 = arith.constant 48 : index
        %parallel_loop3A_385 = tpu.vector_load %arg10[%parallel_loop3A_382, %parallel_loop3A_383, %parallel_loop3A_384] {strides = array<i32>} : memref<2x96x128xf32, #tpu.memory_space<vmem>>, vector<1x1x16xf32>,
        %parallel_loop3A_386 = vector.shape_cast %parallel_loop3A_385 : vector<1x1x16xf32> to vector<16xf32>
        %parallel_loop3A_387 = arith.constant 0 : i32
        %parallel_loop3A_388 = arith.index_cast %parallel_loop3A_387 : i32 to index
        %parallel_loop3A_389 = arith.index_cast %parallel_loop3A_311 : i32 to index
        %parallel_loop3A_390 = arith.constant 48 : index
        %parallel_loop3A_391 = tpu.vector_load %arg11[%parallel_loop3A_388, %parallel_loop3A_389, %parallel_loop3A_390] {strides = array<i32>} : memref<2x96x128xf32, #tpu.memory_space<vmem>>, vector<1x1x16xf32>,
        %parallel_loop3A_392 = vector.shape_cast %parallel_loop3A_391 : vector<1x1x16xf32> to vector<16xf32>
        %parallel_loop3A_393 = arith.addf %parallel_loop3A_386, %parallel_loop3A_392 : vector<16xf32>
        %parallel_loop3A_394 = arith.constant 0.000000e+00 : f32
        %parallel_loop3A_395 = vector.broadcast %parallel_loop3A_394 : f32 to vector<16xf32>
        %parallel_loop3A_396 = arith.maximumf %parallel_loop3A_393, %parallel_loop3A_395 : vector<16xf32>
        %parallel_loop3A_397 = arith.constant 0 : i32
        %parallel_loop3A_398 = arith.index_cast %parallel_loop3A_397 : i32 to index
        %parallel_loop3A_399 = arith.index_cast %parallel_loop3A_311 : i32 to index
        %parallel_loop3A_400 = arith.constant 48 : index
        %parallel_loop3A_401 = tpu.vector_load %arg10[%parallel_loop3A_398, %parallel_loop3A_399, %parallel_loop3A_400] {strides = array<i32>} : memref<2x96x128xf32, #tpu.memory_space<vmem>>, vector<1x1x16xf32>,
        %parallel_loop3A_402 = vector.shape_cast %parallel_loop3A_401 : vector<1x1x16xf32> to vector<16xf32>
        %parallel_loop3A_403 = vector.shape_cast %parallel_loop3A_396 : vector<16xf32> to vector<1x1x16xf32>
        tpu.vector_store %arg10[%parallel_loop3A_398, %parallel_loop3A_399, %parallel_loop3A_400], %parallel_loop3A_403 {strides = array<i32>} : memref<2x96x128xf32, #tpu.memory_space<vmem>>, vector<1x1x16xf32>,
        %parallel_loop3A_404 = arith.constant 0 : i32
        %parallel_loop3A_405 = arith.index_cast %parallel_loop3A_404 : i32 to index
        %parallel_loop3A_406 = arith.index_cast %parallel_loop3A_311 : i32 to index
        %parallel_loop3A_407 = arith.constant 64 : index
        %parallel_loop3A_408 = tpu.vector_load %arg10[%parallel_loop3A_405, %parallel_loop3A_406, %parallel_loop3A_407] {strides = array<i32>} : memref<2x96x128xf32, #tpu.memory_space<vmem>>, vector<1x1x16xf32>,
        %parallel_loop3A_409 = vector.shape_cast %parallel_loop3A_408 : vector<1x1x16xf32> to vector<16xf32>
        %parallel_loop3A_410 = arith.constant 0 : i32
        %parallel_loop3A_411 = arith.index_cast %parallel_loop3A_410 : i32 to index
        %parallel_loop3A_412 = arith.index_cast %parallel_loop3A_311 : i32 to index
        %parallel_loop3A_413 = arith.constant 64 : index
        %parallel_loop3A_414 = tpu.vector_load %arg11[%parallel_loop3A_411, %parallel_loop3A_412, %parallel_loop3A_413] {strides = array<i32>} : memref<2x96x128xf32, #tpu.memory_space<vmem>>, vector<1x1x16xf32>,
        %parallel_loop3A_415 = vector.shape_cast %parallel_loop3A_414 : vector<1x1x16xf32> to vector<16xf32>
        %parallel_loop3A_416 = arith.addf %parallel_loop3A_409, %parallel_loop3A_415 : vector<16xf32>
        %parallel_loop3A_417 = arith.constant 0.000000e+00 : f32
        %parallel_loop3A_418 = vector.broadcast %parallel_loop3A_417 : f32 to vector<16xf32>
        %parallel_loop3A_419 = arith.maximumf %parallel_loop3A_416, %parallel_loop3A_418 : vector<16xf32>
        %parallel_loop3A_420 = arith.constant 0 : i32
        %parallel_loop3A_421 = arith.index_cast %parallel_loop3A_420 : i32 to index
        %parallel_loop3A_422 = arith.index_cast %parallel_loop3A_311 : i32 to index
        %parallel_loop3A_423 = arith.constant 64 : index
        %parallel_loop3A_424 = tpu.vector_load %arg10[%parallel_loop3A_421, %parallel_loop3A_422, %parallel_loop3A_423] {strides = array<i32>} : memref<2x96x128xf32, #tpu.memory_space<vmem>>, vector<1x1x16xf32>,
        %parallel_loop3A_425 = vector.shape_cast %parallel_loop3A_424 : vector<1x1x16xf32> to vector<16xf32>
        %parallel_loop3A_426 = vector.shape_cast %parallel_loop3A_419 : vector<16xf32> to vector<1x1x16xf32>
        tpu.vector_store %arg10[%parallel_loop3A_421, %parallel_loop3A_422, %parallel_loop3A_423], %parallel_loop3A_426 {strides = array<i32>} : memref<2x96x128xf32, #tpu.memory_space<vmem>>, vector<1x1x16xf32>,
        %parallel_loop3A_427 = arith.constant 0 : i32
        %parallel_loop3A_428 = arith.index_cast %parallel_loop3A_427 : i32 to index
        %parallel_loop3A_429 = arith.index_cast %parallel_loop3A_311 : i32 to index
        %parallel_loop3A_430 = arith.constant 80 : index
        %parallel_loop3A_431 = tpu.vector_load %arg10[%parallel_loop3A_428, %parallel_loop3A_429, %parallel_loop3A_430] {strides = array<i32>} : memref<2x96x128xf32, #tpu.memory_space<vmem>>, vector<1x1x16xf32>,
        %parallel_loop3A_432 = vector.shape_cast %parallel_loop3A_431 : vector<1x1x16xf32> to vector<16xf32>
        %parallel_loop3A_433 = arith.constant 0 : i32
        %parallel_loop3A_434 = arith.index_cast %parallel_loop3A_433 : i32 to index
        %parallel_loop3A_435 = arith.index_cast %parallel_loop3A_311 : i32 to index
        %parallel_loop3A_436 = arith.constant 80 : index
        %parallel_loop3A_437 = tpu.vector_load %arg11[%parallel_loop3A_434, %parallel_loop3A_435, %parallel_loop3A_436] {strides = array<i32>} : memref<2x96x128xf32, #tpu.memory_space<vmem>>, vector<1x1x16xf32>,
        %parallel_loop3A_438 = vector.shape_cast %parallel_loop3A_437 : vector<1x1x16xf32> to vector<16xf32>
        %parallel_loop3A_439 = arith.addf %parallel_loop3A_432, %parallel_loop3A_438 : vector<16xf32>
        %parallel_loop3A_440 = arith.constant 0.000000e+00 : f32
        %parallel_loop3A_441 = vector.broadcast %parallel_loop3A_440 : f32 to vector<16xf32>
        %parallel_loop3A_442 = arith.maximumf %parallel_loop3A_439, %parallel_loop3A_441 : vector<16xf32>
        %parallel_loop3A_443 = arith.constant 0 : i32
        %parallel_loop3A_444 = arith.index_cast %parallel_loop3A_443 : i32 to index
        %parallel_loop3A_445 = arith.index_cast %parallel_loop3A_311 : i32 to index
        %parallel_loop3A_446 = arith.constant 80 : index
        %parallel_loop3A_447 = tpu.vector_load %arg10[%parallel_loop3A_444, %parallel_loop3A_445, %parallel_loop3A_446] {strides = array<i32>} : memref<2x96x128xf32, #tpu.memory_space<vmem>>, vector<1x1x16xf32>,
        %parallel_loop3A_448 = vector.shape_cast %parallel_loop3A_447 : vector<1x1x16xf32> to vector<16xf32>
        %parallel_loop3A_449 = vector.shape_cast %parallel_loop3A_442 : vector<16xf32> to vector<1x1x16xf32>
        tpu.vector_store %arg10[%parallel_loop3A_444, %parallel_loop3A_445, %parallel_loop3A_446], %parallel_loop3A_449 {strides = array<i32>} : memref<2x96x128xf32, #tpu.memory_space<vmem>>, vector<1x1x16xf32>,
        %parallel_loop3A_450 = arith.constant 0 : i32
        %parallel_loop3A_451 = arith.index_cast %parallel_loop3A_450 : i32 to index
        %parallel_loop3A_452 = arith.index_cast %parallel_loop3A_311 : i32 to index
        %parallel_loop3A_453 = arith.constant 96 : index
        %parallel_loop3A_454 = tpu.vector_load %arg10[%parallel_loop3A_451, %parallel_loop3A_452, %parallel_loop3A_453] {strides = array<i32>} : memref<2x96x128xf32, #tpu.memory_space<vmem>>, vector<1x1x16xf32>,
        %parallel_loop3A_455 = vector.shape_cast %parallel_loop3A_454 : vector<1x1x16xf32> to vector<16xf32>
        %parallel_loop3A_456 = arith.constant 0 : i32
        %parallel_loop3A_457 = arith.index_cast %parallel_loop3A_456 : i32 to index
        %parallel_loop3A_458 = arith.index_cast %parallel_loop3A_311 : i32 to index
        %parallel_loop3A_459 = arith.constant 96 : index
        %parallel_loop3A_460 = tpu.vector_load %arg11[%parallel_loop3A_457, %parallel_loop3A_458, %parallel_loop3A_459] {strides = array<i32>} : memref<2x96x128xf32, #tpu.memory_space<vmem>>, vector<1x1x16xf32>,
        %parallel_loop3A_461 = vector.shape_cast %parallel_loop3A_460 : vector<1x1x16xf32> to vector<16xf32>
        %parallel_loop3A_462 = arith.addf %parallel_loop3A_455, %parallel_loop3A_461 : vector<16xf32>
        %parallel_loop3A_463 = arith.constant 0.000000e+00 : f32
        %parallel_loop3A_464 = vector.broadcast %parallel_loop3A_463 : f32 to vector<16xf32>
        %parallel_loop3A_465 = arith.maximumf %parallel_loop3A_462, %parallel_loop3A_464 : vector<16xf32>
        %parallel_loop3A_466 = arith.constant 0 : i32
        %parallel_loop3A_467 = arith.index_cast %parallel_loop3A_466 : i32 to index
        %parallel_loop3A_468 = arith.index_cast %parallel_loop3A_311 : i32 to index
        %parallel_loop3A_469 = arith.constant 96 : index
        %parallel_loop3A_470 = tpu.vector_load %arg10[%parallel_loop3A_467, %parallel_loop3A_468, %parallel_loop3A_469] {strides = array<i32>} : memref<2x96x128xf32, #tpu.memory_space<vmem>>, vector<1x1x16xf32>,
        %parallel_loop3A_471 = vector.shape_cast %parallel_loop3A_470 : vector<1x1x16xf32> to vector<16xf32>
        %parallel_loop3A_472 = vector.shape_cast %parallel_loop3A_465 : vector<16xf32> to vector<1x1x16xf32>
        tpu.vector_store %arg10[%parallel_loop3A_467, %parallel_loop3A_468, %parallel_loop3A_469], %parallel_loop3A_472 {strides = array<i32>} : memref<2x96x128xf32, #tpu.memory_space<vmem>>, vector<1x1x16xf32>,
        %parallel_loop3A_473 = arith.constant 0 : i32
        %parallel_loop3A_474 = arith.index_cast %parallel_loop3A_473 : i32 to index
        %parallel_loop3A_475 = arith.index_cast %parallel_loop3A_311 : i32 to index
        %parallel_loop3A_476 = arith.constant 112 : index
        %parallel_loop3A_477 = tpu.vector_load %arg10[%parallel_loop3A_474, %parallel_loop3A_475, %parallel_loop3A_476] {strides = array<i32>} : memref<2x96x128xf32, #tpu.memory_space<vmem>>, vector<1x1x16xf32>,
        %parallel_loop3A_478 = vector.shape_cast %parallel_loop3A_477 : vector<1x1x16xf32> to vector<16xf32>
        %parallel_loop3A_479 = arith.constant 0 : i32
        %parallel_loop3A_480 = arith.index_cast %parallel_loop3A_479 : i32 to index
        %parallel_loop3A_481 = arith.index_cast %parallel_loop3A_311 : i32 to index
        %parallel_loop3A_482 = arith.constant 112 : index
        %parallel_loop3A_483 = tpu.vector_load %arg11[%parallel_loop3A_480, %parallel_loop3A_481, %parallel_loop3A_482] {strides = array<i32>} : memref<2x96x128xf32, #tpu.memory_space<vmem>>, vector<1x1x16xf32>,
        %parallel_loop3A_484 = vector.shape_cast %parallel_loop3A_483 : vector<1x1x16xf32> to vector<16xf32>
        %parallel_loop3A_485 = arith.addf %parallel_loop3A_478, %parallel_loop3A_484 : vector<16xf32>
        %parallel_loop3A_486 = arith.constant 0.000000e+00 : f32
        %parallel_loop3A_487 = vector.broadcast %parallel_loop3A_486 : f32 to vector<16xf32>
        %parallel_loop3A_488 = arith.maximumf %parallel_loop3A_485, %parallel_loop3A_487 : vector<16xf32>
        %parallel_loop3A_489 = arith.constant 0 : i32
        %parallel_loop3A_490 = arith.index_cast %parallel_loop3A_489 : i32 to index
        %parallel_loop3A_491 = arith.index_cast %parallel_loop3A_311 : i32 to index
        %parallel_loop3A_492 = arith.constant 112 : index
        %parallel_loop3A_493 = tpu.vector_load %arg10[%parallel_loop3A_490, %parallel_loop3A_491, %parallel_loop3A_492] {strides = array<i32>} : memref<2x96x128xf32, #tpu.memory_space<vmem>>, vector<1x1x16xf32>,
        %parallel_loop3A_494 = vector.shape_cast %parallel_loop3A_493 : vector<1x1x16xf32> to vector<16xf32>
        %parallel_loop3A_495 = vector.shape_cast %parallel_loop3A_488 : vector<16xf32> to vector<1x1x16xf32>
        tpu.vector_store %arg10[%parallel_loop3A_490, %parallel_loop3A_491, %parallel_loop3A_492], %parallel_loop3A_495 {strides = array<i32>} : memref<2x96x128xf32, #tpu.memory_space<vmem>>, vector<1x1x16xf32>,
      } {sc.loop_unroll_factor = 2 : i64, sc.parallel_access}
      %dma_wait3A_195 = arith.constant 0 : i32
      %dma_wait3A_196 = arith.constant 0 : i32
      %dma_wait3A_197 = arith.constant 0 : i32
      %dma_wait3A_198 = tpu.memref_slice %arg9[%dma_wait3A_195, %dma_wait3A_197] : memref<2x96xi32, #tpu.memory_space<vmem>> -> memref<1x96xi32, #tpu.memory_space<vmem>>
      %dma_wait3A_199 = tpu.memref_squeeze %dma_wait3A_198 : memref<1x96xi32, #tpu.memory_space<vmem>> -> memref<96xi32, #tpu.memory_space<vmem>>
      %dma_wait3A_200 = arith.constant 0 : i32
      %dma_wait3A_201 = tpu.memref_slice %arg5[%dma_wait3A_200] : memref<325632xi32, #tpu.memory_space<hbm>> -> memref<96xi32, #tpu.memory_space<hbm>>
      %dma_wait3A_202 = tpu.memref_slice %arg14[%dma_wait3A_196] : memref<2x!tpu.dma_semaphore, #tpu.memory_space<semaphore_mem>> -> memref<1x!tpu.dma_semaphore, #tpu.memory_space<semaphore_mem>>
      %dma_wait3A_203 = tpu.memref_squeeze %dma_wait3A_202 : memref<1x!tpu.dma_semaphore, #tpu.memory_space<semaphore_mem>> -> memref<!tpu.dma_semaphore, #tpu.memory_space<semaphore_mem>>
      %dma_wait3A_204 = arith.constant 0 : i32
      %dma_wait3A_205 = tpu.memref_slice %arg9[%dma_wait3A_195, %dma_wait3A_204] : memref<2x96xi32, #tpu.memory_space<vmem>> -> memref<1x96xi32, #tpu.memory_space<vmem>>
      %dma_wait3A_206 = tpu.memref_squeeze %dma_wait3A_205 : memref<1x96xi32, #tpu.memory_space<vmem>> -> memref<96xi32, #tpu.memory_space<vmem>>
      %dma_wait3A_207 = arith.constant 0 : i32
      %dma_wait3A_208 = tpu.memref_slice %arg5[%dma_wait3A_207] : memref<325632xi32, #tpu.memory_space<hbm>> -> memref<96xi32, #tpu.memory_space<hbm>>
      tpu.wait_dma2 semaphore(%dma_wait3A_203 : memref<!tpu.dma_semaphore, #tpu.memory_space<semaphore_mem>>) src(%dma_wait3A_208 : memref<96xi32, #tpu.memory_space<hbm>>) dst(%dma_wait3A_206 : memref<96xi32, #tpu.memory_space<vmem>>)
      %dma_start3A_209 = arith.constant 0 : i32
      %dma_start3A_210 = arith.constant 0 : i32
      %dma_start3A_211 = arith.constant 0 : i32
      %dma_start3A_212 = arith.constant 0 : i32
      %dma_start3A_213 = arith.constant 0 : i32
      %dma_start3A_214 = tpu.memref_slice %arg10[%dma_start3A_209, %dma_start3A_212, %dma_start3A_213] : memref<2x96x128xf32, #tpu.memory_space<vmem>> -> memref<1x96x128xf32, #tpu.memory_space<vmem>>
      %dma_start3A_215 = tpu.memref_squeeze %dma_start3A_214 : memref<1x96x128xf32, #tpu.memory_space<vmem>> -> memref<96x128xf32, #tpu.memory_space<vmem>>
      %dma_start3A_216 = arith.constant 0 : i32
      %dma_start3A_217 = tpu.memref_slice %arg9[%dma_start3A_210, %dma_start3A_216] : memref<2x96xi32, #tpu.memory_space<vmem>> -> memref<1x96xi32, #tpu.memory_space<vmem>>
      %dma_start3A_218 = tpu.memref_squeeze %dma_start3A_217 : memref<1x96xi32, #tpu.memory_space<vmem>> -> memref<96xi32, #tpu.memory_space<vmem>>
      %dma_start3A_219 = arith.constant 0 : i32
      %dma_start3A_220 = arith.constant 0 : i32
      %dma_start3A_221 = tpu.memref_slice %arg7[%dma_start3A_219, %dma_start3A_220] : memref<10112x128xf32, #tpu.memory_space<vmem_shared>> -> memref<10112x128xf32, #tpu.memory_space<vmem_shared>>
      %dma_start3A_222 = tpu.memref_slice %arg15[%dma_start3A_211] : memref<2x!tpu.dma_semaphore, #tpu.memory_space<semaphore_mem>> -> memref<1x!tpu.dma_semaphore, #tpu.memory_space<semaphore_mem>>
      %dma_start3A_223 = tpu.memref_squeeze %dma_start3A_222 : memref<1x!tpu.dma_semaphore, #tpu.memory_space<semaphore_mem>> -> memref<!tpu.dma_semaphore, #tpu.memory_space<semaphore_mem>>
      tpu.enqueue_indirect_dma source(%dma_start3A_215 : memref<96x128xf32, #tpu.memory_space<vmem>>) target(%dma_start3A_221 : memref<10112x128xf32, #tpu.memory_space<vmem_shared>>) offsets(%dma_start3A_218 : memref<96xi32, #tpu.memory_space<vmem>>) semaphore(%dma_start3A_223 : memref<!tpu.dma_semaphore, #tpu.memory_space<semaphore_mem>>) {add = true}
      %mul3A_224 = arith.constant 2 : i32
      %mul3A_225 = arith.muli %mul3A_224, %while3A_143 : i32
      %add3A_226 = arith.constant 1 : i32
      %add3A_227 = arith.addi %mul3A_225, %add3A_226 : i32
      %ge3A_228 = arith.constant 1 : i32
      %ge3A_229 = arith.cmpi sge, %add3A_227, %ge3A_228 : i32
      %convert_element_type3A_230 = arith.extui %ge3A_229 : i1 to i32
      %cond3A_231 = arith.constant 0 : i32
      %cond3A_232 = arith.cmpi ne, %convert_element_type3A_230, %cond3A_231 : i32
      scf.if %cond3A_232 {
        %dma_wait3A_311 = arith.constant 0 : i32
        %dma_wait3A_312 = arith.constant 0 : i32
        %dma_wait3A_313 = arith.constant 0 : i32
        %dma_wait3A_314 = arith.constant 0 : i32
        %dma_wait3A_315 = arith.constant 0 : i32
        %dma_wait3A_316 = tpu.memref_slice %arg10[%dma_wait3A_311, %dma_wait3A_314, %dma_wait3A_315] : memref<2x96x128xf32, #tpu.memory_space<vmem>> -> memref<1x96x128xf32, #tpu.memory_space<vmem>>
        %dma_wait3A_317 = tpu.memref_squeeze %dma_wait3A_316 : memref<1x96x128xf32, #tpu.memory_space<vmem>> -> memref<96x128xf32, #tpu.memory_space<vmem>>
        %dma_wait3A_318 = arith.constant 0 : i32
        %dma_wait3A_319 = tpu.memref_slice %arg9[%dma_wait3A_312, %dma_wait3A_318] : memref<2x96xi32, #tpu.memory_space<vmem>> -> memref<1x96xi32, #tpu.memory_space<vmem>>
        %dma_wait3A_320 = tpu.memref_squeeze %dma_wait3A_319 : memref<1x96xi32, #tpu.memory_space<vmem>> -> memref<96xi32, #tpu.memory_space<vmem>>
        %dma_wait3A_321 = arith.constant 0 : i32
        %dma_wait3A_322 = arith.constant 0 : i32
        %dma_wait3A_323 = tpu.memref_slice %arg7[%dma_wait3A_321, %dma_wait3A_322] : memref<10112x128xf32, #tpu.memory_space<vmem_shared>> -> memref<10112x128xf32, #tpu.memory_space<vmem_shared>>
        %dma_wait3A_324 = tpu.memref_slice %arg15[%dma_wait3A_313] : memref<2x!tpu.dma_semaphore, #tpu.memory_space<semaphore_mem>> -> memref<1x!tpu.dma_semaphore, #tpu.memory_space<semaphore_mem>>
        %dma_wait3A_325 = tpu.memref_squeeze %dma_wait3A_324 : memref<1x!tpu.dma_semaphore, #tpu.memory_space<semaphore_mem>> -> memref<!tpu.dma_semaphore, #tpu.memory_space<semaphore_mem>>
        tpu.wait_indirect_dma semaphore(%dma_wait3A_325 : memref<!tpu.dma_semaphore, #tpu.memory_space<semaphore_mem>>) src(%dma_wait3A_317 : memref<96x128xf32, #tpu.memory_space<vmem>>) dst(%dma_wait3A_323 : memref<10112x128xf32, #tpu.memory_space<vmem_shared>>)
      } else {
      }
      %sub3A_233 = arith.constant 1 : i32
      %sub3A_234 = arith.subi %select_n3A, %sub3A_233 : i32
      %lt3A_235 = arith.cmpi slt, %add3A_227, %sub3A_234 : i32
      %convert_element_type3A_236 = arith.extui %lt3A_235 : i1 to i32
      %cond3A_237 = arith.constant 0 : i32
      %cond3A_238 = arith.cmpi ne, %convert_element_type3A_236, %cond3A_237 : i32
      scf.if %cond3A_238 {
        %add3A_311 = arith.constant 1 : i32
        %add3A_312 = arith.addi %add3A_227, %add3A_311 : i32
        %mul3A_313 = arith.constant 96 : i32
        %mul3A_314 = arith.muli %add3A_312, %mul3A_313 : i32
        %add3A_315 = arith.addi %select_n3A_37, %mul3A_314 : i32
        %multiple_of3A_316 = tpu.assume_multiple %add3A_315, 96 : i32
        %dma_wait3A_317 = arith.constant 0 : i32
        %dma_wait3A_318 = arith.constant 0 : i32
        %dma_wait3A_319 = arith.constant 0 : i32
        %dma_wait3A_320 = tpu.memref_slice %arg8[%dma_wait3A_317, %dma_wait3A_319] : memref<2x96xi32, #tpu.memory_space<vmem>> -> memref<1x96xi32, #tpu.memory_space<vmem>>
        %dma_wait3A_321 = tpu.memref_squeeze %dma_wait3A_320 : memref<1x96xi32, #tpu.memory_space<vmem>> -> memref<96xi32, #tpu.memory_space<vmem>>
        %dma_wait3A_322 = arith.constant 0 : i32
        %dma_wait3A_323 = tpu.memref_slice %arg4[%dma_wait3A_322] : memref<325632xi32, #tpu.memory_space<hbm>> -> memref<96xi32, #tpu.memory_space<hbm>>
        %dma_wait3A_324 = tpu.memref_slice %arg16[%dma_wait3A_318] : memref<2x!tpu.dma_semaphore, #tpu.memory_space<semaphore_mem>> -> memref<1x!tpu.dma_semaphore, #tpu.memory_space<semaphore_mem>>
        %dma_wait3A_325 = tpu.memref_squeeze %dma_wait3A_324 : memref<1x!tpu.dma_semaphore, #tpu.memory_space<semaphore_mem>> -> memref<!tpu.dma_semaphore, #tpu.memory_space<semaphore_mem>>
        %dma_wait3A_326 = arith.constant 0 : i32
        %dma_wait3A_327 = tpu.memref_slice %arg8[%dma_wait3A_317, %dma_wait3A_326] : memref<2x96xi32, #tpu.memory_space<vmem>> -> memref<1x96xi32, #tpu.memory_space<vmem>>
        %dma_wait3A_328 = tpu.memref_squeeze %dma_wait3A_327 : memref<1x96xi32, #tpu.memory_space<vmem>> -> memref<96xi32, #tpu.memory_space<vmem>>
        %dma_wait3A_329 = arith.constant 0 : i32
        %dma_wait3A_330 = tpu.memref_slice %arg4[%dma_wait3A_329] : memref<325632xi32, #tpu.memory_space<hbm>> -> memref<96xi32, #tpu.memory_space<hbm>>
        tpu.wait_dma2 semaphore(%dma_wait3A_325 : memref<!tpu.dma_semaphore, #tpu.memory_space<semaphore_mem>>) src(%dma_wait3A_330 : memref<96xi32, #tpu.memory_space<hbm>>) dst(%dma_wait3A_328 : memref<96xi32, #tpu.memory_space<vmem>>)
        %dma_start3A_331 = arith.constant 0 : i32
        %dma_start3A_332 = arith.constant 0 : i32
        %dma_start3A_333 = arith.constant 0 : i32
        %dma_start3A_334 = arith.constant 0 : i32
        %dma_start3A_335 = arith.constant 0 : i32
        %dma_start3A_336 = tpu.memref_slice %arg10[%dma_start3A_332, %dma_start3A_334, %dma_start3A_335] : memref<2x96x128xf32, #tpu.memory_space<vmem>> -> memref<1x96x128xf32, #tpu.memory_space<vmem>>
        %dma_start3A_337 = tpu.memref_squeeze %dma_start3A_336 : memref<1x96x128xf32, #tpu.memory_space<vmem>> -> memref<96x128xf32, #tpu.memory_space<vmem>>
        %dma_start3A_338 = arith.constant 0 : i32
        %dma_start3A_339 = tpu.memref_slice %arg8[%dma_start3A_331, %dma_start3A_338] : memref<2x96xi32, #tpu.memory_space<vmem>> -> memref<1x96xi32, #tpu.memory_space<vmem>>
        %dma_start3A_340 = tpu.memref_squeeze %dma_start3A_339 : memref<1x96xi32, #tpu.memory_space<vmem>> -> memref<96xi32, #tpu.memory_space<vmem>>
        %dma_start3A_341 = arith.constant 0 : i32
        %dma_start3A_342 = arith.constant 0 : i32
        %dma_start3A_343 = tpu.memref_slice %arg2[%dma_start3A_341, %dma_start3A_342] : memref<10000x128xf32, #tpu.memory_space<hbm>> -> memref<10000x128xf32, #tpu.memory_space<hbm>>
        %dma_start3A_344 = tpu.memref_slice %arg12[%dma_start3A_333] : memref<2x!tpu.dma_semaphore, #tpu.memory_space<semaphore_mem>> -> memref<1x!tpu.dma_semaphore, #tpu.memory_space<semaphore_mem>>
        %dma_start3A_345 = tpu.memref_squeeze %dma_start3A_344 : memref<1x!tpu.dma_semaphore, #tpu.memory_space<semaphore_mem>> -> memref<!tpu.dma_semaphore, #tpu.memory_space<semaphore_mem>>
        tpu.enqueue_indirect_dma source(%dma_start3A_343 : memref<10000x128xf32, #tpu.memory_space<hbm>>) target(%dma_start3A_337 : memref<96x128xf32, #tpu.memory_space<vmem>>) offsets(%dma_start3A_340 : memref<96xi32, #tpu.memory_space<vmem>>) semaphore(%dma_start3A_345 : memref<!tpu.dma_semaphore, #tpu.memory_space<semaphore_mem>>)
        %dma_start3A_346 = arith.constant 0 : i32
        %dma_start3A_347 = arith.constant 0 : i32
        %dma_start3A_348 = arith.constant 0 : i32
        %dma_start3A_349 = arith.constant 0 : i32
        %dma_start3A_350 = tpu.memref_slice %arg11[%dma_start3A_346, %dma_start3A_348, %dma_start3A_349] : memref<2x96x128xf32, #tpu.memory_space<vmem>> -> memref<1x96x128xf32, #tpu.memory_space<vmem>>
        %dma_start3A_351 = tpu.memref_squeeze %dma_start3A_350 : memref<1x96x128xf32, #tpu.memory_space<vmem>> -> memref<96x128xf32, #tpu.memory_space<vmem>>
        %dma_start3A_352 = arith.constant 0 : i32
        %dma_start3A_353 = tpu.memref_slice %arg3[%multiple_of3A_316, %dma_start3A_352] : memref<325632x128xf32, #tpu.memory_space<hbm>> -> memref<96x128xf32, #tpu.memory_space<hbm>>
        %dma_start3A_354 = tpu.memref_slice %arg13[%dma_start3A_347] : memref<2x!tpu.dma_semaphore, #tpu.memory_space<semaphore_mem>> -> memref<1x!tpu.dma_semaphore, #tpu.memory_space<semaphore_mem>>
        %dma_start3A_355 = tpu.memref_squeeze %dma_start3A_354 : memref<1x!tpu.dma_semaphore, #tpu.memory_space<semaphore_mem>> -> memref<!tpu.dma_semaphore, #tpu.memory_space<semaphore_mem>>
        %dma_start3A_356 = arith.constant 0 : i32
        %dma_start3A_357 = arith.constant 0 : i32
        %dma_start3A_358 = tpu.memref_slice %arg11[%dma_start3A_346, %dma_start3A_356, %dma_start3A_357] : memref<2x96x128xf32, #tpu.memory_space<vmem>> -> memref<1x96x128xf32, #tpu.memory_space<vmem>>
        %dma_start3A_359 = tpu.memref_squeeze %dma_start3A_358 : memref<1x96x128xf32, #tpu.memory_space<vmem>> -> memref<96x128xf32, #tpu.memory_space<vmem>>
        %dma_start3A_360 = arith.constant 0 : i32
        %dma_start3A_361 = tpu.memref_slice %arg3[%multiple_of3A_316, %dma_start3A_360] : memref<325632x128xf32, #tpu.memory_space<hbm>> -> memref<96x128xf32, #tpu.memory_space<hbm>>
        tpu.enqueue_dma source(%dma_start3A_361 : memref<96x128xf32, #tpu.memory_space<hbm>>) target(%dma_start3A_359 : memref<96x128xf32, #tpu.memory_space<vmem>>) target_semaphore(%dma_start3A_355 : memref<!tpu.dma_semaphore, #tpu.memory_space<semaphore_mem>>)
        %dma_start3A_362 = arith.constant 0 : i32
        %dma_start3A_363 = arith.constant 0 : i32
        %dma_start3A_364 = arith.constant 0 : i32
        %dma_start3A_365 = tpu.memref_slice %arg9[%dma_start3A_362, %dma_start3A_364] : memref<2x96xi32, #tpu.memory_space<vmem>> -> memref<1x96xi32, #tpu.memory_space<vmem>>
        %dma_start3A_366 = tpu.memref_squeeze %dma_start3A_365 : memref<1x96xi32, #tpu.memory_space<vmem>> -> memref<96xi32, #tpu.memory_space<vmem>>
        %dma_start3A_367 = tpu.memref_slice %arg5[%multiple_of3A_316] : memref<325632xi32, #tpu.memory_space<hbm>> -> memref<96xi32, #tpu.memory_space<hbm>>
        %dma_start3A_368 = tpu.memref_slice %arg14[%dma_start3A_363] : memref<2x!tpu.dma_semaphore, #tpu.memory_space<semaphore_mem>> -> memref<1x!tpu.dma_semaphore, #tpu.memory_space<semaphore_mem>>
        %dma_start3A_369 = tpu.memref_squeeze %dma_start3A_368 : memref<1x!tpu.dma_semaphore, #tpu.memory_space<semaphore_mem>> -> memref<!tpu.dma_semaphore, #tpu.memory_space<semaphore_mem>>
        %dma_start3A_370 = arith.constant 0 : i32
        %dma_start3A_371 = tpu.memref_slice %arg9[%dma_start3A_362, %dma_start3A_370] : memref<2x96xi32, #tpu.memory_space<vmem>> -> memref<1x96xi32, #tpu.memory_space<vmem>>
        %dma_start3A_372 = tpu.memref_squeeze %dma_start3A_371 : memref<1x96xi32, #tpu.memory_space<vmem>> -> memref<96xi32, #tpu.memory_space<vmem>>
        %dma_start3A_373 = tpu.memref_slice %arg5[%multiple_of3A_316] : memref<325632xi32, #tpu.memory_space<hbm>> -> memref<96xi32, #tpu.memory_space<hbm>>
        tpu.enqueue_dma source(%dma_start3A_373 : memref<96xi32, #tpu.memory_space<hbm>>) target(%dma_start3A_372 : memref<96xi32, #tpu.memory_space<vmem>>) target_semaphore(%dma_start3A_369 : memref<!tpu.dma_semaphore, #tpu.memory_space<semaphore_mem>>)
      } else {
      }
      %dma_wait3A_239 = arith.constant 1 : i32
      %dma_wait3A_240 = arith.constant 1 : i32
      %dma_wait3A_241 = arith.constant 1 : i32
      %dma_wait3A_242 = arith.constant 0 : i32
      %dma_wait3A_243 = arith.constant 0 : i32
      %dma_wait3A_244 = tpu.memref_slice %arg10[%dma_wait3A_240, %dma_wait3A_242, %dma_wait3A_243] : memref<2x96x128xf32, #tpu.memory_space<vmem>> -> memref<1x96x128xf32, #tpu.memory_space<vmem>>
      %dma_wait3A_245 = tpu.memref_squeeze %dma_wait3A_244 : memref<1x96x128xf32, #tpu.memory_space<vmem>> -> memref<96x128xf32, #tpu.memory_space<vmem>>
      %dma_wait3A_246 = arith.constant 0 : i32
      %dma_wait3A_247 = tpu.memref_slice %arg8[%dma_wait3A_239, %dma_wait3A_246] : memref<2x96xi32, #tpu.memory_space<vmem>> -> memref<1x96xi32, #tpu.memory_space<vmem>>
      %dma_wait3A_248 = tpu.memref_squeeze %dma_wait3A_247 : memref<1x96xi32, #tpu.memory_space<vmem>> -> memref<96xi32, #tpu.memory_space<vmem>>
      %dma_wait3A_249 = arith.constant 0 : i32
      %dma_wait3A_250 = arith.constant 0 : i32
      %dma_wait3A_251 = tpu.memref_slice %arg2[%dma_wait3A_249, %dma_wait3A_250] : memref<10000x128xf32, #tpu.memory_space<hbm>> -> memref<10000x128xf32, #tpu.memory_space<hbm>>
      %dma_wait3A_252 = tpu.memref_slice %arg12[%dma_wait3A_241] : memref<2x!tpu.dma_semaphore, #tpu.memory_space<semaphore_mem>> -> memref<1x!tpu.dma_semaphore, #tpu.memory_space<semaphore_mem>>
      %dma_wait3A_253 = tpu.memref_squeeze %dma_wait3A_252 : memref<1x!tpu.dma_semaphore, #tpu.memory_space<semaphore_mem>> -> memref<!tpu.dma_semaphore, #tpu.memory_space<semaphore_mem>>
      tpu.wait_indirect_dma semaphore(%dma_wait3A_253 : memref<!tpu.dma_semaphore, #tpu.memory_space<semaphore_mem>>) src(%dma_wait3A_251 : memref<10000x128xf32, #tpu.memory_space<hbm>>) dst(%dma_wait3A_245 : memref<96x128xf32, #tpu.memory_space<vmem>>)
      %dma_wait3A_254 = arith.constant 1 : i32
      %dma_wait3A_255 = arith.constant 1 : i32
      %dma_wait3A_256 = arith.constant 0 : i32
      %dma_wait3A_257 = arith.constant 0 : i32
      %dma_wait3A_258 = tpu.memref_slice %arg11[%dma_wait3A_254, %dma_wait3A_256, %dma_wait3A_257] : memref<2x96x128xf32, #tpu.memory_space<vmem>> -> memref<1x96x128xf32, #tpu.memory_space<vmem>>
      %dma_wait3A_259 = tpu.memref_squeeze %dma_wait3A_258 : memref<1x96x128xf32, #tpu.memory_space<vmem>> -> memref<96x128xf32, #tpu.memory_space<vmem>>
      %dma_wait3A_260 = arith.constant 0 : i32
      %dma_wait3A_261 = arith.constant 0 : i32
      %dma_wait3A_262 = tpu.memref_slice %arg3[%dma_wait3A_260, %dma_wait3A_261] : memref<325632x128xf32, #tpu.memory_space<hbm>> -> memref<96x128xf32, #tpu.memory_space<hbm>>
      %dma_wait3A_263 = tpu.memref_slice %arg13[%dma_wait3A_255] : memref<2x!tpu.dma_semaphore, #tpu.memory_space<semaphore_mem>> -> memref<1x!tpu.dma_semaphore, #tpu.memory_space<semaphore_mem>>
      %dma_wait3A_264 = tpu.memref_squeeze %dma_wait3A_263 : memref<1x!tpu.dma_semaphore, #tpu.memory_space<semaphore_mem>> -> memref<!tpu.dma_semaphore, #tpu.memory_space<semaphore_mem>>
      %dma_wait3A_265 = arith.constant 0 : i32
      %dma_wait3A_266 = arith.constant 0 : i32
      %dma_wait3A_267 = tpu.memref_slice %arg11[%dma_wait3A_254, %dma_wait3A_265, %dma_wait3A_266] : memref<2x96x128xf32, #tpu.memory_space<vmem>> -> memref<1x96x128xf32, #tpu.memory_space<vmem>>
      %dma_wait3A_268 = tpu.memref_squeeze %dma_wait3A_267 : memref<1x96x128xf32, #tpu.memory_space<vmem>> -> memref<96x128xf32, #tpu.memory_space<vmem>>
      %dma_wait3A_269 = arith.constant 0 : i32
      %dma_wait3A_270 = arith.constant 0 : i32
      %dma_wait3A_271 = tpu.memref_slice %arg3[%dma_wait3A_269, %dma_wait3A_270] : memref<325632x128xf32, #tpu.memory_space<hbm>> -> memref<96x128xf32, #tpu.memory_space<hbm>>
      tpu.wait_dma2 semaphore(%dma_wait3A_264 : memref<!tpu.dma_semaphore, #tpu.memory_space<semaphore_mem>>) src(%dma_wait3A_271 : memref<96x128xf32, #tpu.memory_space<hbm>>) dst(%dma_wait3A_268 : memref<96x128xf32, #tpu.memory_space<vmem>>)
      %sub3A_272 = arith.constant 2 : i32
      %sub3A_273 = arith.subi %select_n3A, %sub3A_272 : i32
      %lt3A_274 = arith.cmpi slt, %add3A_227, %sub3A_273 : i32
      %convert_element_type3A_275 = arith.extui %lt3A_274 : i1 to i32
      %cond3A_276 = arith.constant 0 : i32
      %cond3A_277 = arith.cmpi ne, %convert_element_type3A_275, %cond3A_276 : i32
      scf.if %cond3A_277 {
        %add3A_311 = arith.constant 2 : i32
        %add3A_312 = arith.addi %add3A_227, %add3A_311 : i32
        %mul3A_313 = arith.constant 96 : i32
        %mul3A_314 = arith.muli %add3A_312, %mul3A_313 : i32
        %add3A_315 = arith.addi %select_n3A_37, %mul3A_314 : i32
        %multiple_of3A_316 = tpu.assume_multiple %add3A_315, 96 : i32
        %dma_start3A_317 = arith.constant 1 : i32
        %dma_start3A_318 = arith.constant 1 : i32
        %dma_start3A_319 = arith.constant 0 : i32
        %dma_start3A_320 = tpu.memref_slice %arg8[%dma_start3A_317, %dma_start3A_319] : memref<2x96xi32, #tpu.memory_space<vmem>> -> memref<1x96xi32, #tpu.memory_space<vmem>>
        %dma_start3A_321 = tpu.memref_squeeze %dma_start3A_320 : memref<1x96xi32, #tpu.memory_space<vmem>> -> memref<96xi32, #tpu.memory_space<vmem>>
        %dma_start3A_322 = tpu.memref_slice %arg4[%multiple_of3A_316] : memref<325632xi32, #tpu.memory_space<hbm>> -> memref<96xi32, #tpu.memory_space<hbm>>
        %dma_start3A_323 = tpu.memref_slice %arg16[%dma_start3A_318] : memref<2x!tpu.dma_semaphore, #tpu.memory_space<semaphore_mem>> -> memref<1x!tpu.dma_semaphore, #tpu.memory_space<semaphore_mem>>
        %dma_start3A_324 = tpu.memref_squeeze %dma_start3A_323 : memref<1x!tpu.dma_semaphore, #tpu.memory_space<semaphore_mem>> -> memref<!tpu.dma_semaphore, #tpu.memory_space<semaphore_mem>>
        %dma_start3A_325 = arith.constant 0 : i32
        %dma_start3A_326 = tpu.memref_slice %arg8[%dma_start3A_317, %dma_start3A_325] : memref<2x96xi32, #tpu.memory_space<vmem>> -> memref<1x96xi32, #tpu.memory_space<vmem>>
        %dma_start3A_327 = tpu.memref_squeeze %dma_start3A_326 : memref<1x96xi32, #tpu.memory_space<vmem>> -> memref<96xi32, #tpu.memory_space<vmem>>
        %dma_start3A_328 = tpu.memref_slice %arg4[%multiple_of3A_316] : memref<325632xi32, #tpu.memory_space<hbm>> -> memref<96xi32, #tpu.memory_space<hbm>>
        tpu.enqueue_dma source(%dma_start3A_328 : memref<96xi32, #tpu.memory_space<hbm>>) target(%dma_start3A_327 : memref<96xi32, #tpu.memory_space<vmem>>) target_semaphore(%dma_start3A_324 : memref<!tpu.dma_semaphore, #tpu.memory_space<semaphore_mem>>)
      } else {
      }
      %parallel_loop3A_278 = arith.constant 0 : i32
      %parallel_loop3A_279 = arith.constant 96 : i32
      %parallel_loop3A_280 = arith.constant 1 : i32
      scf.for %parallel_loop3A_311 = %parallel_loop3A_278 to %parallel_loop3A_279 step %parallel_loop3A_280  : i32 {
        %parallel_loop3A_312 = arith.constant 1 : i32
        %parallel_loop3A_313 = arith.index_cast %parallel_loop3A_312 : i32 to index
        %parallel_loop3A_314 = arith.index_cast %parallel_loop3A_311 : i32 to index
        %parallel_loop3A_315 = arith.constant 0 : index
        %parallel_loop3A_316 = tpu.vector_load %arg10[%parallel_loop3A_313, %parallel_loop3A_314, %parallel_loop3A_315] {strides = array<i32>} : memref<2x96x128xf32, #tpu.memory_space<vmem>>, vector<1x1x16xf32>,
        %parallel_loop3A_317 = vector.shape_cast %parallel_loop3A_316 : vector<1x1x16xf32> to vector<16xf32>
        %parallel_loop3A_318 = arith.constant 1 : i32
        %parallel_loop3A_319 = arith.index_cast %parallel_loop3A_318 : i32 to index
        %parallel_loop3A_320 = arith.index_cast %parallel_loop3A_311 : i32 to index
        %parallel_loop3A_321 = arith.constant 0 : index
        %parallel_loop3A_322 = tpu.vector_load %arg11[%parallel_loop3A_319, %parallel_loop3A_320, %parallel_loop3A_321] {strides = array<i32>} : memref<2x96x128xf32, #tpu.memory_space<vmem>>, vector<1x1x16xf32>,
        %parallel_loop3A_323 = vector.shape_cast %parallel_loop3A_322 : vector<1x1x16xf32> to vector<16xf32>
        %parallel_loop3A_324 = arith.addf %parallel_loop3A_317, %parallel_loop3A_323 : vector<16xf32>
        %parallel_loop3A_325 = arith.constant 0.000000e+00 : f32
        %parallel_loop3A_326 = vector.broadcast %parallel_loop3A_325 : f32 to vector<16xf32>
        %parallel_loop3A_327 = arith.maximumf %parallel_loop3A_324, %parallel_loop3A_326 : vector<16xf32>
        %parallel_loop3A_328 = arith.constant 1 : i32
        %parallel_loop3A_329 = arith.index_cast %parallel_loop3A_328 : i32 to index
        %parallel_loop3A_330 = arith.index_cast %parallel_loop3A_311 : i32 to index
        %parallel_loop3A_331 = arith.constant 0 : index
        %parallel_loop3A_332 = tpu.vector_load %arg10[%parallel_loop3A_329, %parallel_loop3A_330, %parallel_loop3A_331] {strides = array<i32>} : memref<2x96x128xf32, #tpu.memory_space<vmem>>, vector<1x1x16xf32>,
        %parallel_loop3A_333 = vector.shape_cast %parallel_loop3A_332 : vector<1x1x16xf32> to vector<16xf32>
        %parallel_loop3A_334 = vector.shape_cast %parallel_loop3A_327 : vector<16xf32> to vector<1x1x16xf32>
        tpu.vector_store %arg10[%parallel_loop3A_329, %parallel_loop3A_330, %parallel_loop3A_331], %parallel_loop3A_334 {strides = array<i32>} : memref<2x96x128xf32, #tpu.memory_space<vmem>>, vector<1x1x16xf32>,
        %parallel_loop3A_335 = arith.constant 1 : i32
        %parallel_loop3A_336 = arith.index_cast %parallel_loop3A_335 : i32 to index
        %parallel_loop3A_337 = arith.index_cast %parallel_loop3A_311 : i32 to index
        %parallel_loop3A_338 = arith.constant 16 : index
        %parallel_loop3A_339 = tpu.vector_load %arg10[%parallel_loop3A_336, %parallel_loop3A_337, %parallel_loop3A_338] {strides = array<i32>} : memref<2x96x128xf32, #tpu.memory_space<vmem>>, vector<1x1x16xf32>,
        %parallel_loop3A_340 = vector.shape_cast %parallel_loop3A_339 : vector<1x1x16xf32> to vector<16xf32>
        %parallel_loop3A_341 = arith.constant 1 : i32
        %parallel_loop3A_342 = arith.index_cast %parallel_loop3A_341 : i32 to index
        %parallel_loop3A_343 = arith.index_cast %parallel_loop3A_311 : i32 to index
        %parallel_loop3A_344 = arith.constant 16 : index
        %parallel_loop3A_345 = tpu.vector_load %arg11[%parallel_loop3A_342, %parallel_loop3A_343, %parallel_loop3A_344] {strides = array<i32>} : memref<2x96x128xf32, #tpu.memory_space<vmem>>, vector<1x1x16xf32>,
        %parallel_loop3A_346 = vector.shape_cast %parallel_loop3A_345 : vector<1x1x16xf32> to vector<16xf32>
        %parallel_loop3A_347 = arith.addf %parallel_loop3A_340, %parallel_loop3A_346 : vector<16xf32>
        %parallel_loop3A_348 = arith.constant 0.000000e+00 : f32
        %parallel_loop3A_349 = vector.broadcast %parallel_loop3A_348 : f32 to vector<16xf32>
        %parallel_loop3A_350 = arith.maximumf %parallel_loop3A_347, %parallel_loop3A_349 : vector<16xf32>
        %parallel_loop3A_351 = arith.constant 1 : i32
        %parallel_loop3A_352 = arith.index_cast %parallel_loop3A_351 : i32 to index
        %parallel_loop3A_353 = arith.index_cast %parallel_loop3A_311 : i32 to index
        %parallel_loop3A_354 = arith.constant 16 : index
        %parallel_loop3A_355 = tpu.vector_load %arg10[%parallel_loop3A_352, %parallel_loop3A_353, %parallel_loop3A_354] {strides = array<i32>} : memref<2x96x128xf32, #tpu.memory_space<vmem>>, vector<1x1x16xf32>,
        %parallel_loop3A_356 = vector.shape_cast %parallel_loop3A_355 : vector<1x1x16xf32> to vector<16xf32>
        %parallel_loop3A_357 = vector.shape_cast %parallel_loop3A_350 : vector<16xf32> to vector<1x1x16xf32>
        tpu.vector_store %arg10[%parallel_loop3A_352, %parallel_loop3A_353, %parallel_loop3A_354], %parallel_loop3A_357 {strides = array<i32>} : memref<2x96x128xf32, #tpu.memory_space<vmem>>, vector<1x1x16xf32>,
        %parallel_loop3A_358 = arith.constant 1 : i32
        %parallel_loop3A_359 = arith.index_cast %parallel_loop3A_358 : i32 to index
        %parallel_loop3A_360 = arith.index_cast %parallel_loop3A_311 : i32 to index
        %parallel_loop3A_361 = arith.constant 32 : index
        %parallel_loop3A_362 = tpu.vector_load %arg10[%parallel_loop3A_359, %parallel_loop3A_360, %parallel_loop3A_361] {strides = array<i32>} : memref<2x96x128xf32, #tpu.memory_space<vmem>>, vector<1x1x16xf32>,
        %parallel_loop3A_363 = vector.shape_cast %parallel_loop3A_362 : vector<1x1x16xf32> to vector<16xf32>
        %parallel_loop3A_364 = arith.constant 1 : i32
        %parallel_loop3A_365 = arith.index_cast %parallel_loop3A_364 : i32 to index
        %parallel_loop3A_366 = arith.index_cast %parallel_loop3A_311 : i32 to index
        %parallel_loop3A_367 = arith.constant 32 : index
        %parallel_loop3A_368 = tpu.vector_load %arg11[%parallel_loop3A_365, %parallel_loop3A_366, %parallel_loop3A_367] {strides = array<i32>} : memref<2x96x128xf32, #tpu.memory_space<vmem>>, vector<1x1x16xf32>,
        %parallel_loop3A_369 = vector.shape_cast %parallel_loop3A_368 : vector<1x1x16xf32> to vector<16xf32>
        %parallel_loop3A_370 = arith.addf %parallel_loop3A_363, %parallel_loop3A_369 : vector<16xf32>
        %parallel_loop3A_371 = arith.constant 0.000000e+00 : f32
        %parallel_loop3A_372 = vector.broadcast %parallel_loop3A_371 : f32 to vector<16xf32>
        %parallel_loop3A_373 = arith.maximumf %parallel_loop3A_370, %parallel_loop3A_372 : vector<16xf32>
        %parallel_loop3A_374 = arith.constant 1 : i32
        %parallel_loop3A_375 = arith.index_cast %parallel_loop3A_374 : i32 to index
        %parallel_loop3A_376 = arith.index_cast %parallel_loop3A_311 : i32 to index
        %parallel_loop3A_377 = arith.constant 32 : index
        %parallel_loop3A_378 = tpu.vector_load %arg10[%parallel_loop3A_375, %parallel_loop3A_376, %parallel_loop3A_377] {strides = array<i32>} : memref<2x96x128xf32, #tpu.memory_space<vmem>>, vector<1x1x16xf32>,
        %parallel_loop3A_379 = vector.shape_cast %parallel_loop3A_378 : vector<1x1x16xf32> to vector<16xf32>
        %parallel_loop3A_380 = vector.shape_cast %parallel_loop3A_373 : vector<16xf32> to vector<1x1x16xf32>
        tpu.vector_store %arg10[%parallel_loop3A_375, %parallel_loop3A_376, %parallel_loop3A_377], %parallel_loop3A_380 {strides = array<i32>} : memref<2x96x128xf32, #tpu.memory_space<vmem>>, vector<1x1x16xf32>,
        %parallel_loop3A_381 = arith.constant 1 : i32
        %parallel_loop3A_382 = arith.index_cast %parallel_loop3A_381 : i32 to index
        %parallel_loop3A_383 = arith.index_cast %parallel_loop3A_311 : i32 to index
        %parallel_loop3A_384 = arith.constant 48 : index
        %parallel_loop3A_385 = tpu.vector_load %arg10[%parallel_loop3A_382, %parallel_loop3A_383, %parallel_loop3A_384] {strides = array<i32>} : memref<2x96x128xf32, #tpu.memory_space<vmem>>, vector<1x1x16xf32>,
        %parallel_loop3A_386 = vector.shape_cast %parallel_loop3A_385 : vector<1x1x16xf32> to vector<16xf32>
        %parallel_loop3A_387 = arith.constant 1 : i32
        %parallel_loop3A_388 = arith.index_cast %parallel_loop3A_387 : i32 to index
        %parallel_loop3A_389 = arith.index_cast %parallel_loop3A_311 : i32 to index
        %parallel_loop3A_390 = arith.constant 48 : index
        %parallel_loop3A_391 = tpu.vector_load %arg11[%parallel_loop3A_388, %parallel_loop3A_389, %parallel_loop3A_390] {strides = array<i32>} : memref<2x96x128xf32, #tpu.memory_space<vmem>>, vector<1x1x16xf32>,
        %parallel_loop3A_392 = vector.shape_cast %parallel_loop3A_391 : vector<1x1x16xf32> to vector<16xf32>
        %parallel_loop3A_393 = arith.addf %parallel_loop3A_386, %parallel_loop3A_392 : vector<16xf32>
        %parallel_loop3A_394 = arith.constant 0.000000e+00 : f32
        %parallel_loop3A_395 = vector.broadcast %parallel_loop3A_394 : f32 to vector<16xf32>
        %parallel_loop3A_396 = arith.maximumf %parallel_loop3A_393, %parallel_loop3A_395 : vector<16xf32>
        %parallel_loop3A_397 = arith.constant 1 : i32
        %parallel_loop3A_398 = arith.index_cast %parallel_loop3A_397 : i32 to index
        %parallel_loop3A_399 = arith.index_cast %parallel_loop3A_311 : i32 to index
        %parallel_loop3A_400 = arith.constant 48 : index
        %parallel_loop3A_401 = tpu.vector_load %arg10[%parallel_loop3A_398, %parallel_loop3A_399, %parallel_loop3A_400] {strides = array<i32>} : memref<2x96x128xf32, #tpu.memory_space<vmem>>, vector<1x1x16xf32>,
        %parallel_loop3A_402 = vector.shape_cast %parallel_loop3A_401 : vector<1x1x16xf32> to vector<16xf32>
        %parallel_loop3A_403 = vector.shape_cast %parallel_loop3A_396 : vector<16xf32> to vector<1x1x16xf32>
        tpu.vector_store %arg10[%parallel_loop3A_398, %parallel_loop3A_399, %parallel_loop3A_400], %parallel_loop3A_403 {strides = array<i32>} : memref<2x96x128xf32, #tpu.memory_space<vmem>>, vector<1x1x16xf32>,
        %parallel_loop3A_404 = arith.constant 1 : i32
        %parallel_loop3A_405 = arith.index_cast %parallel_loop3A_404 : i32 to index
        %parallel_loop3A_406 = arith.index_cast %parallel_loop3A_311 : i32 to index
        %parallel_loop3A_407 = arith.constant 64 : index
        %parallel_loop3A_408 = tpu.vector_load %arg10[%parallel_loop3A_405, %parallel_loop3A_406, %parallel_loop3A_407] {strides = array<i32>} : memref<2x96x128xf32, #tpu.memory_space<vmem>>, vector<1x1x16xf32>,
        %parallel_loop3A_409 = vector.shape_cast %parallel_loop3A_408 : vector<1x1x16xf32> to vector<16xf32>
        %parallel_loop3A_410 = arith.constant 1 : i32
        %parallel_loop3A_411 = arith.index_cast %parallel_loop3A_410 : i32 to index
        %parallel_loop3A_412 = arith.index_cast %parallel_loop3A_311 : i32 to index
        %parallel_loop3A_413 = arith.constant 64 : index
        %parallel_loop3A_414 = tpu.vector_load %arg11[%parallel_loop3A_411, %parallel_loop3A_412, %parallel_loop3A_413] {strides = array<i32>} : memref<2x96x128xf32, #tpu.memory_space<vmem>>, vector<1x1x16xf32>,
        %parallel_loop3A_415 = vector.shape_cast %parallel_loop3A_414 : vector<1x1x16xf32> to vector<16xf32>
        %parallel_loop3A_416 = arith.addf %parallel_loop3A_409, %parallel_loop3A_415 : vector<16xf32>
        %parallel_loop3A_417 = arith.constant 0.000000e+00 : f32
        %parallel_loop3A_418 = vector.broadcast %parallel_loop3A_417 : f32 to vector<16xf32>
        %parallel_loop3A_419 = arith.maximumf %parallel_loop3A_416, %parallel_loop3A_418 : vector<16xf32>
        %parallel_loop3A_420 = arith.constant 1 : i32
        %parallel_loop3A_421 = arith.index_cast %parallel_loop3A_420 : i32 to index
        %parallel_loop3A_422 = arith.index_cast %parallel_loop3A_311 : i32 to index
        %parallel_loop3A_423 = arith.constant 64 : index
        %parallel_loop3A_424 = tpu.vector_load %arg10[%parallel_loop3A_421, %parallel_loop3A_422, %parallel_loop3A_423] {strides = array<i32>} : memref<2x96x128xf32, #tpu.memory_space<vmem>>, vector<1x1x16xf32>,
        %parallel_loop3A_425 = vector.shape_cast %parallel_loop3A_424 : vector<1x1x16xf32> to vector<16xf32>
        %parallel_loop3A_426 = vector.shape_cast %parallel_loop3A_419 : vector<16xf32> to vector<1x1x16xf32>
        tpu.vector_store %arg10[%parallel_loop3A_421, %parallel_loop3A_422, %parallel_loop3A_423], %parallel_loop3A_426 {strides = array<i32>} : memref<2x96x128xf32, #tpu.memory_space<vmem>>, vector<1x1x16xf32>,
        %parallel_loop3A_427 = arith.constant 1 : i32
        %parallel_loop3A_428 = arith.index_cast %parallel_loop3A_427 : i32 to index
        %parallel_loop3A_429 = arith.index_cast %parallel_loop3A_311 : i32 to index
        %parallel_loop3A_430 = arith.constant 80 : index
        %parallel_loop3A_431 = tpu.vector_load %arg10[%parallel_loop3A_428, %parallel_loop3A_429, %parallel_loop3A_430] {strides = array<i32>} : memref<2x96x128xf32, #tpu.memory_space<vmem>>, vector<1x1x16xf32>,
        %parallel_loop3A_432 = vector.shape_cast %parallel_loop3A_431 : vector<1x1x16xf32> to vector<16xf32>
        %parallel_loop3A_433 = arith.constant 1 : i32
        %parallel_loop3A_434 = arith.index_cast %parallel_loop3A_433 : i32 to index
        %parallel_loop3A_435 = arith.index_cast %parallel_loop3A_311 : i32 to index
        %parallel_loop3A_436 = arith.constant 80 : index
        %parallel_loop3A_437 = tpu.vector_load %arg11[%parallel_loop3A_434, %parallel_loop3A_435, %parallel_loop3A_436] {strides = array<i32>} : memref<2x96x128xf32, #tpu.memory_space<vmem>>, vector<1x1x16xf32>,
        %parallel_loop3A_438 = vector.shape_cast %parallel_loop3A_437 : vector<1x1x16xf32> to vector<16xf32>
        %parallel_loop3A_439 = arith.addf %parallel_loop3A_432, %parallel_loop3A_438 : vector<16xf32>
        %parallel_loop3A_440 = arith.constant 0.000000e+00 : f32
        %parallel_loop3A_441 = vector.broadcast %parallel_loop3A_440 : f32 to vector<16xf32>
        %parallel_loop3A_442 = arith.maximumf %parallel_loop3A_439, %parallel_loop3A_441 : vector<16xf32>
        %parallel_loop3A_443 = arith.constant 1 : i32
        %parallel_loop3A_444 = arith.index_cast %parallel_loop3A_443 : i32 to index
        %parallel_loop3A_445 = arith.index_cast %parallel_loop3A_311 : i32 to index
        %parallel_loop3A_446 = arith.constant 80 : index
        %parallel_loop3A_447 = tpu.vector_load %arg10[%parallel_loop3A_444, %parallel_loop3A_445, %parallel_loop3A_446] {strides = array<i32>} : memref<2x96x128xf32, #tpu.memory_space<vmem>>, vector<1x1x16xf32>,
        %parallel_loop3A_448 = vector.shape_cast %parallel_loop3A_447 : vector<1x1x16xf32> to vector<16xf32>
        %parallel_loop3A_449 = vector.shape_cast %parallel_loop3A_442 : vector<16xf32> to vector<1x1x16xf32>
        tpu.vector_store %arg10[%parallel_loop3A_444, %parallel_loop3A_445, %parallel_loop3A_446], %parallel_loop3A_449 {strides = array<i32>} : memref<2x96x128xf32, #tpu.memory_space<vmem>>, vector<1x1x16xf32>,
        %parallel_loop3A_450 = arith.constant 1 : i32
        %parallel_loop3A_451 = arith.index_cast %parallel_loop3A_450 : i32 to index
        %parallel_loop3A_452 = arith.index_cast %parallel_loop3A_311 : i32 to index
        %parallel_loop3A_453 = arith.constant 96 : index
        %parallel_loop3A_454 = tpu.vector_load %arg10[%parallel_loop3A_451, %parallel_loop3A_452, %parallel_loop3A_453] {strides = array<i32>} : memref<2x96x128xf32, #tpu.memory_space<vmem>>, vector<1x1x16xf32>,
        %parallel_loop3A_455 = vector.shape_cast %parallel_loop3A_454 : vector<1x1x16xf32> to vector<16xf32>
        %parallel_loop3A_456 = arith.constant 1 : i32
        %parallel_loop3A_457 = arith.index_cast %parallel_loop3A_456 : i32 to index
        %parallel_loop3A_458 = arith.index_cast %parallel_loop3A_311 : i32 to index
        %parallel_loop3A_459 = arith.constant 96 : index
        %parallel_loop3A_460 = tpu.vector_load %arg11[%parallel_loop3A_457, %parallel_loop3A_458, %parallel_loop3A_459] {strides = array<i32>} : memref<2x96x128xf32, #tpu.memory_space<vmem>>, vector<1x1x16xf32>,
        %parallel_loop3A_461 = vector.shape_cast %parallel_loop3A_460 : vector<1x1x16xf32> to vector<16xf32>
        %parallel_loop3A_462 = arith.addf %parallel_loop3A_455, %parallel_loop3A_461 : vector<16xf32>
        %parallel_loop3A_463 = arith.constant 0.000000e+00 : f32
        %parallel_loop3A_464 = vector.broadcast %parallel_loop3A_463 : f32 to vector<16xf32>
        %parallel_loop3A_465 = arith.maximumf %parallel_loop3A_462, %parallel_loop3A_464 : vector<16xf32>
        %parallel_loop3A_466 = arith.constant 1 : i32
        %parallel_loop3A_467 = arith.index_cast %parallel_loop3A_466 : i32 to index
        %parallel_loop3A_468 = arith.index_cast %parallel_loop3A_311 : i32 to index
        %parallel_loop3A_469 = arith.constant 96 : index
        %parallel_loop3A_470 = tpu.vector_load %arg10[%parallel_loop3A_467, %parallel_loop3A_468, %parallel_loop3A_469] {strides = array<i32>} : memref<2x96x128xf32, #tpu.memory_space<vmem>>, vector<1x1x16xf32>,
        %parallel_loop3A_471 = vector.shape_cast %parallel_loop3A_470 : vector<1x1x16xf32> to vector<16xf32>
        %parallel_loop3A_472 = vector.shape_cast %parallel_loop3A_465 : vector<16xf32> to vector<1x1x16xf32>
        tpu.vector_store %arg10[%parallel_loop3A_467, %parallel_loop3A_468, %parallel_loop3A_469], %parallel_loop3A_472 {strides = array<i32>} : memref<2x96x128xf32, #tpu.memory_space<vmem>>, vector<1x1x16xf32>,
        %parallel_loop3A_473 = arith.constant 1 : i32
        %parallel_loop3A_474 = arith.index_cast %parallel_loop3A_473 : i32 to index
        %parallel_loop3A_475 = arith.index_cast %parallel_loop3A_311 : i32 to index
        %parallel_loop3A_476 = arith.constant 112 : index
        %parallel_loop3A_477 = tpu.vector_load %arg10[%parallel_loop3A_474, %parallel_loop3A_475, %parallel_loop3A_476] {strides = array<i32>} : memref<2x96x128xf32, #tpu.memory_space<vmem>>, vector<1x1x16xf32>,
        %parallel_loop3A_478 = vector.shape_cast %parallel_loop3A_477 : vector<1x1x16xf32> to vector<16xf32>
        %parallel_loop3A_479 = arith.constant 1 : i32
        %parallel_loop3A_480 = arith.index_cast %parallel_loop3A_479 : i32 to index
        %parallel_loop3A_481 = arith.index_cast %parallel_loop3A_311 : i32 to index
        %parallel_loop3A_482 = arith.constant 112 : index
        %parallel_loop3A_483 = tpu.vector_load %arg11[%parallel_loop3A_480, %parallel_loop3A_481, %parallel_loop3A_482] {strides = array<i32>} : memref<2x96x128xf32, #tpu.memory_space<vmem>>, vector<1x1x16xf32>,
        %parallel_loop3A_484 = vector.shape_cast %parallel_loop3A_483 : vector<1x1x16xf32> to vector<16xf32>
        %parallel_loop3A_485 = arith.addf %parallel_loop3A_478, %parallel_loop3A_484 : vector<16xf32>
        %parallel_loop3A_486 = arith.constant 0.000000e+00 : f32
        %parallel_loop3A_487 = vector.broadcast %parallel_loop3A_486 : f32 to vector<16xf32>
        %parallel_loop3A_488 = arith.maximumf %parallel_loop3A_485, %parallel_loop3A_487 : vector<16xf32>
        %parallel_loop3A_489 = arith.constant 1 : i32
        %parallel_loop3A_490 = arith.index_cast %parallel_loop3A_489 : i32 to index
        %parallel_loop3A_491 = arith.index_cast %parallel_loop3A_311 : i32 to index
        %parallel_loop3A_492 = arith.constant 112 : index
        %parallel_loop3A_493 = tpu.vector_load %arg10[%parallel_loop3A_490, %parallel_loop3A_491, %parallel_loop3A_492] {strides = array<i32>} : memref<2x96x128xf32, #tpu.memory_space<vmem>>, vector<1x1x16xf32>,
        %parallel_loop3A_494 = vector.shape_cast %parallel_loop3A_493 : vector<1x1x16xf32> to vector<16xf32>
        %parallel_loop3A_495 = vector.shape_cast %parallel_loop3A_488 : vector<16xf32> to vector<1x1x16xf32>
        tpu.vector_store %arg10[%parallel_loop3A_490, %parallel_loop3A_491, %parallel_loop3A_492], %parallel_loop3A_495 {strides = array<i32>} : memref<2x96x128xf32, #tpu.memory_space<vmem>>, vector<1x1x16xf32>,
      } {sc.loop_unroll_factor = 2 : i64, sc.parallel_access}
      %dma_wait3A_281 = arith.constant 1 : i32
      %dma_wait3A_282 = arith.constant 1 : i32
      %dma_wait3A_283 = arith.constant 0 : i32
      %dma_wait3A_284 = tpu.memref_slice %arg9[%dma_wait3A_281, %dma_wait3A_283] : memref<2x96xi32, #tpu.memory_space<vmem>> -> memref<1x96xi32, #tpu.memory_space<vmem>>
      %dma_wait3A_285 = tpu.memref_squeeze %dma_wait3A_284 : memref<1x96xi32, #tpu.memory_space<vmem>> -> memref<96xi32, #tpu.memory_space<vmem>>
      %dma_wait3A_286 = arith.constant 0 : i32
      %dma_wait3A_287 = tpu.memref_slice %arg5[%dma_wait3A_286] : memref<325632xi32, #tpu.memory_space<hbm>> -> memref<96xi32, #tpu.memory_space<hbm>>
      %dma_wait3A_288 = tpu.memref_slice %arg14[%dma_wait3A_282] : memref<2x!tpu.dma_semaphore, #tpu.memory_space<semaphore_mem>> -> memref<1x!tpu.dma_semaphore, #tpu.memory_space<semaphore_mem>>
      %dma_wait3A_289 = tpu.memref_squeeze %dma_wait3A_288 : memref<1x!tpu.dma_semaphore, #tpu.memory_space<semaphore_mem>> -> memref<!tpu.dma_semaphore, #tpu.memory_space<semaphore_mem>>
      %dma_wait3A_290 = arith.constant 0 : i32
      %dma_wait3A_291 = tpu.memref_slice %arg9[%dma_wait3A_281, %dma_wait3A_290] : memref<2x96xi32, #tpu.memory_space<vmem>> -> memref<1x96xi32, #tpu.memory_space<vmem>>
      %dma_wait3A_292 = tpu.memref_squeeze %dma_wait3A_291 : memref<1x96xi32, #tpu.memory_space<vmem>> -> memref<96xi32, #tpu.memory_space<vmem>>
      %dma_wait3A_293 = arith.constant 0 : i32
      %dma_wait3A_294 = tpu.memref_slice %arg5[%dma_wait3A_293] : memref<325632xi32, #tpu.memory_space<hbm>> -> memref<96xi32, #tpu.memory_space<hbm>>
      tpu.wait_dma2 semaphore(%dma_wait3A_289 : memref<!tpu.dma_semaphore, #tpu.memory_space<semaphore_mem>>) src(%dma_wait3A_294 : memref<96xi32, #tpu.memory_space<hbm>>) dst(%dma_wait3A_292 : memref<96xi32, #tpu.memory_space<vmem>>)
      %dma_start3A_295 = arith.constant 1 : i32
      %dma_start3A_296 = arith.constant 1 : i32
      %dma_start3A_297 = arith.constant 1 : i32
      %dma_start3A_298 = arith.constant 0 : i32
      %dma_start3A_299 = arith.constant 0 : i32
      %dma_start3A_300 = tpu.memref_slice %arg10[%dma_start3A_295, %dma_start3A_298, %dma_start3A_299] : memref<2x96x128xf32, #tpu.memory_space<vmem>> -> memref<1x96x128xf32, #tpu.memory_space<vmem>>
      %dma_start3A_301 = tpu.memref_squeeze %dma_start3A_300 : memref<1x96x128xf32, #tpu.memory_space<vmem>> -> memref<96x128xf32, #tpu.memory_space<vmem>>
      %dma_start3A_302 = arith.constant 0 : i32
      %dma_start3A_303 = tpu.memref_slice %arg9[%dma_start3A_296, %dma_start3A_302] : memref<2x96xi32, #tpu.memory_space<vmem>> -> memref<1x96xi32, #tpu.memory_space<vmem>>
      %dma_start3A_304 = tpu.memref_squeeze %dma_start3A_303 : memref<1x96xi32, #tpu.memory_space<vmem>> -> memref<96xi32, #tpu.memory_space<vmem>>
      %dma_start3A_305 = arith.constant 0 : i32
      %dma_start3A_306 = arith.constant 0 : i32
      %dma_start3A_307 = tpu.memref_slice %arg7[%dma_start3A_305, %dma_start3A_306] : memref<10112x128xf32, #tpu.memory_space<vmem_shared>> -> memref<10112x128xf32, #tpu.memory_space<vmem_shared>>
      %dma_start3A_308 = tpu.memref_slice %arg15[%dma_start3A_297] : memref<2x!tpu.dma_semaphore, #tpu.memory_space<semaphore_mem>> -> memref<1x!tpu.dma_semaphore, #tpu.memory_space<semaphore_mem>>
      %dma_start3A_309 = tpu.memref_squeeze %dma_start3A_308 : memref<1x!tpu.dma_semaphore, #tpu.memory_space<semaphore_mem>> -> memref<!tpu.dma_semaphore, #tpu.memory_space<semaphore_mem>>
      tpu.enqueue_indirect_dma source(%dma_start3A_301 : memref<96x128xf32, #tpu.memory_space<vmem>>) target(%dma_start3A_307 : memref<10112x128xf32, #tpu.memory_space<vmem_shared>>) offsets(%dma_start3A_304 : memref<96xi32, #tpu.memory_space<vmem>>) semaphore(%dma_start3A_309 : memref<!tpu.dma_semaphore, #tpu.memory_space<semaphore_mem>>) {add = true}
      %while3A_310 = arith.constant 0 : i32
      scf.yield %while3A_310 : i32
    }
    %dma_wait3A = arith.constant 1 : i32
    %dma_wait3A_128 = arith.constant 1 : i32
    %dma_wait3A_129 = arith.constant 1 : i32
    %dma_wait3A_130 = arith.constant 0 : i32
    %dma_wait3A_131 = arith.constant 0 : i32
    %dma_wait3A_132 = tpu.memref_slice %arg10[%dma_wait3A, %dma_wait3A_130, %dma_wait3A_131] : memref<2x96x128xf32, #tpu.memory_space<vmem>> -> memref<1x96x128xf32, #tpu.memory_space<vmem>>
    %dma_wait3A_133 = tpu.memref_squeeze %dma_wait3A_132 : memref<1x96x128xf32, #tpu.memory_space<vmem>> -> memref<96x128xf32, #tpu.memory_space<vmem>>
    %dma_wait3A_134 = arith.constant 0 : i32
    %dma_wait3A_135 = tpu.memref_slice %arg9[%dma_wait3A_128, %dma_wait3A_134] : memref<2x96xi32, #tpu.memory_space<vmem>> -> memref<1x96xi32, #tpu.memory_space<vmem>>
    %dma_wait3A_136 = tpu.memref_squeeze %dma_wait3A_135 : memref<1x96xi32, #tpu.memory_space<vmem>> -> memref<96xi32, #tpu.memory_space<vmem>>
    %dma_wait3A_137 = arith.constant 0 : i32
    %dma_wait3A_138 = arith.constant 0 : i32
    %dma_wait3A_139 = tpu.memref_slice %arg7[%dma_wait3A_137, %dma_wait3A_138] : memref<10112x128xf32, #tpu.memory_space<vmem_shared>> -> memref<10112x128xf32, #tpu.memory_space<vmem_shared>>
    %dma_wait3A_140 = tpu.memref_slice %arg15[%dma_wait3A_129] : memref<2x!tpu.dma_semaphore, #tpu.memory_space<semaphore_mem>> -> memref<1x!tpu.dma_semaphore, #tpu.memory_space<semaphore_mem>>
    %dma_wait3A_141 = tpu.memref_squeeze %dma_wait3A_140 : memref<1x!tpu.dma_semaphore, #tpu.memory_space<semaphore_mem>> -> memref<!tpu.dma_semaphore, #tpu.memory_space<semaphore_mem>>
    tpu.wait_indirect_dma semaphore(%dma_wait3A_141 : memref<!tpu.dma_semaphore, #tpu.memory_space<semaphore_mem>>) src(%dma_wait3A_133 : memref<96x128xf32, #tpu.memory_space<vmem>>) dst(%dma_wait3A_139 : memref<10112x128xf32, #tpu.memory_space<vmem_shared>>)
    %barrier3A_142 = arith.constant 0 : index
    tpu.barrier barrier_id(%barrier3A_142)
    "tpu.region"() ({
      %run_scoped3A_143 = tpu.sem_alloc : memref<!tpu.dma_semaphore, #tpu.memory_space<semaphore_mem>>
      %dma_start3A_144 = arith.constant 0 : i32
      %dma_start3A_145 = tpu.memref_slice %arg6[%arg0, %mul3A_6, %dma_start3A_144] : memref<2x10112x128xf32, #tpu.memory_space<hbm>> -> memref<1x632x128xf32, #tpu.memory_space<hbm>>
      %dma_start3A_146 = tpu.memref_squeeze %dma_start3A_145 : memref<1x632x128xf32, #tpu.memory_space<hbm>> -> memref<632x128xf32, #tpu.memory_space<hbm>>
      %dma_start3A_147 = arith.constant 0 : i32
      %dma_start3A_148 = tpu.memref_slice %arg7[%mul3A_6, %dma_start3A_147] : memref<10112x128xf32, #tpu.memory_space<vmem_shared>> -> memref<632x128xf32, #tpu.memory_space<vmem_shared>>
      tpu.enqueue_dma source(%dma_start3A_148 : memref<632x128xf32, #tpu.memory_space<vmem_shared>>) target(%dma_start3A_146 : memref<632x128xf32, #tpu.memory_space<hbm>>) target_semaphore(%run_scoped3A_143 : memref<!tpu.dma_semaphore, #tpu.memory_space<semaphore_mem>>)
      %dma_wait3A_149 = arith.constant 0 : i32
      %dma_wait3A_150 = tpu.memref_slice %arg6[%arg0, %mul3A_6, %dma_wait3A_149] : memref<2x10112x128xf32, #tpu.memory_space<hbm>> -> memref<1x632x128xf32, #tpu.memory_space<hbm>>
      %dma_wait3A_151 = tpu.memref_squeeze %dma_wait3A_150 : memref<1x632x128xf32, #tpu.memory_space<hbm>> -> memref<632x128xf32, #tpu.memory_space<hbm>>
      %dma_wait3A_152 = arith.constant 0 : i32
      %dma_wait3A_153 = tpu.memref_slice %arg7[%mul3A_6, %dma_wait3A_152] : memref<10112x128xf32, #tpu.memory_space<vmem_shared>> -> memref<632x128xf32, #tpu.memory_space<vmem_shared>>
      tpu.wait_dma2 semaphore(%run_scoped3A_143 : memref<!tpu.dma_semaphore, #tpu.memory_space<semaphore_mem>>) src(%dma_wait3A_153 : memref<632x128xf32, #tpu.memory_space<vmem_shared>>) dst(%dma_wait3A_151 : memref<632x128xf32, #tpu.memory_space<hbm>>)
      tpu.yield
    }) : () -> ()
    return
  }
}

module attributes {stable_mosaic.version = 14 : i64} {
  func.func @_emb_body(%arg0: i32, %arg1: memref<1024x8xf32, #tpu.memory_space<vmem>>, %arg2: memref<8x128xf32, #tpu.memory_space<vmem>>, %arg3: memref<1x128xf32, #tpu.memory_space<vmem>>, %arg4: memref<1024x128xf32, #tpu.memory_space<vmem>>) attributes {dimension_semantics = [#tpu.dimension_semantics<arbitrary>], iteration_bounds = array<i64: 318>, scalar_prefetch = 0 : i64, scratch_operands = 0 : i64, tpu.core_type = #tpu.core_type<tc>, window_params = [{transform_indices = @transform_0, window_bounds = array<i64: 1024, 8>}, {pipeline_mode = #tpu.pipeline_mode<synchronous>, transform_indices = @transform_1, window_bounds = array<i64: 8, 128>}, {pipeline_mode = #tpu.pipeline_mode<synchronous>, transform_indices = @transform_2, window_bounds = array<i64: 1, 128>}, {transform_indices = @transform_3, window_bounds = array<i64: 1024, 128>}]} {
    %get3A = arith.constant 0 : index
    %get3A_0 = arith.constant 0 : index
    %get3A_1 = vector.load %arg1[%get3A, %get3A_0] : memref<1024x8xf32, #tpu.memory_space<vmem>>, vector<1024x8xf32>
    %get3A_2 = arith.constant 0 : index
    %get3A_3 = arith.constant 0 : index
    %get3A_4 = vector.load %arg2[%get3A_2, %get3A_3] : memref<8x128xf32, #tpu.memory_space<vmem>>, vector<8x128xf32>
    %dot_general3A = arith.constant dense<0.000000e+00> : vector<1024x128xf32>
    %dot_general3A_5 = tpu.matmul %get3A_1, %get3A_4, %dot_general3A {dimension_numbers = #tpu.dot_dimension_numbers<[1], [0], [0], [1], [0, 0, 1, 1], [], []>, transpose_lhs_hint = false} : vector<1024x8xf32>, vector<8x128xf32>, vector<1024x128xf32> -> vector<1024x128xf32>
    %get3A_6 = arith.constant 0 : index
    %get3A_7 = arith.constant 0 : index
    %get3A_8 = vector.load %arg3[%get3A_6, %get3A_7] : memref<1x128xf32, #tpu.memory_space<vmem>>, vector<1x128xf32>
    %add3A = vector.broadcast %get3A_8 : vector<1x128xf32> to vector<1024x128xf32>
    %add3A_9 = arith.addf %dot_general3A_5, %add3A : vector<1024x128xf32>
    %swap3A = arith.constant 0 : index
    %swap3A_10 = arith.constant 0 : index
    %swap3A_11 = vector.load %arg4[%swap3A, %swap3A_10] : memref<1024x128xf32, #tpu.memory_space<vmem>>, vector<1024x128xf32>
    tpu.vector_store %arg4[%swap3A, %swap3A_10], %add3A_9 {strides = array<i32>} : memref<1024x128xf32, #tpu.memory_space<vmem>>, vector<1024x128xf32>,
    return
  }
  func.func @transform_0(%arg0: i32) -> (i32, i32) {
    %c0_i32 = arith.constant 0 : i32
    %c0_i32_0 = arith.constant 0 : i32
    return %arg0, %c0_i32 : i32, i32
  }
  func.func @transform_1(%arg0: i32) -> (i32, i32) {
    %c0_i32 = arith.constant 0 : i32
    %c0_i32_0 = arith.constant 0 : i32
    %c0_i32_1 = arith.constant 0 : i32
    return %c0_i32, %c0_i32_0 : i32, i32
  }
  func.func @transform_2(%arg0: i32) -> (i32, i32) {
    %c0_i32 = arith.constant 0 : i32
    %c0_i32_0 = arith.constant 0 : i32
    %c0_i32_1 = arith.constant 0 : i32
    return %c0_i32, %c0_i32_0 : i32, i32
  }
  func.func @transform_3(%arg0: i32) -> (i32, i32) {
    %c0_i32 = arith.constant 0 : i32
    %c0_i32_0 = arith.constant 0 : i32
    return %arg0, %c0_i32 : i32, i32
  }
}

module attributes {stable_mosaic.version = 14 : i64} {
  func.func @_mlp_body(%arg0: memref<10000x128xf32, #tpu.memory_space<vmem>>, %arg1: memref<2x10112x128xf32, #tpu.memory_space<vmem>>, %arg2: memref<1x1xf32, #tpu.memory_space<vmem>>, %arg3: memref<128x256xf32, #tpu.memory_space<vmem>>, %arg4: memref<1x256xf32, #tpu.memory_space<vmem>>, %arg5: memref<1x256xf32, #tpu.memory_space<vmem>>, %arg6: memref<1x256xf32, #tpu.memory_space<vmem>>, %arg7: memref<256x128xf32, #tpu.memory_space<vmem>>, %arg8: memref<1x128xf32, #tpu.memory_space<vmem>>, %arg9: memref<10000x128xf32, #tpu.memory_space<vmem>>) attributes {dimension_semantics = [], scalar_prefetch = 0 : i64, scratch_operands = 0 : i64, tpu.core_type = #tpu.core_type<tc>} {
    %get3A = arith.constant 0 : index
    %get3A_0 = arith.constant 0 : index
    %get3A_1 = vector.load %arg0[%get3A, %get3A_0] : memref<10000x128xf32, #tpu.memory_space<vmem>>, vector<10000x128xf32>
    %get3A_2 = arith.constant 0 : index
    %get3A_3 = arith.constant 0 : index
    %get3A_4 = arith.constant 0 : index
    %get3A_5 = vector.load %arg1[%get3A_2, %get3A_3, %get3A_4] : memref<2x10112x128xf32, #tpu.memory_space<vmem>>, vector<1x10000x128xf32>
    %get3A_6 = vector.shape_cast %get3A_5 : vector<1x10000x128xf32> to vector<10000x128xf32>
    %get3A_7 = arith.constant 1 : index
    %get3A_8 = arith.constant 0 : index
    %get3A_9 = arith.constant 0 : index
    %get3A_10 = vector.load %arg1[%get3A_7, %get3A_8, %get3A_9] : memref<2x10112x128xf32, #tpu.memory_space<vmem>>, vector<1x10000x128xf32>
    %get3A_11 = vector.shape_cast %get3A_10 : vector<1x10000x128xf32> to vector<10000x128xf32>
    %add3A = arith.addf %get3A_6, %get3A_11 : vector<10000x128xf32>
    %get3A_12 = arith.constant 0 : index
    %get3A_13 = arith.constant 0 : index
    %get3A_14 = vector.load %arg2[%get3A_12, %get3A_13] : memref<1x1xf32, #tpu.memory_space<vmem>>, vector<1x1xf32>
    %add3A_15 = arith.constant 1.000000e+00 : f32
    %add3A_16 = vector.broadcast %add3A_15 : f32 to vector<1x1xf32>
    %add3A_17 = arith.addf %add3A_16, %get3A_14 : vector<1x1xf32>
    %mul3A = vector.broadcast %add3A_17 : vector<1x1xf32> to vector<10000x128xf32>
    %mul3A_18 = arith.mulf %get3A_1, %mul3A : vector<10000x128xf32>
    %add3A_19 = arith.addf %mul3A_18, %add3A : vector<10000x128xf32>
    %get3A_20 = arith.constant 0 : index
    %get3A_21 = arith.constant 0 : index
    %get3A_22 = vector.load %arg3[%get3A_20, %get3A_21] : memref<128x256xf32, #tpu.memory_space<vmem>>, vector<128x256xf32>
    %dot_general3A = arith.constant dense<0.000000e+00> : vector<10000x256xf32>
    %dot_general3A_23 = tpu.matmul %add3A_19, %get3A_22, %dot_general3A {dimension_numbers = #tpu.dot_dimension_numbers<[1], [0], [0], [1], [0, 0, 1, 1], [], []>, transpose_lhs_hint = false} : vector<10000x128xf32>, vector<128x256xf32>, vector<10000x256xf32> -> vector<10000x256xf32>
    %get3A_24 = arith.constant 0 : index
    %get3A_25 = arith.constant 0 : index
    %get3A_26 = vector.load %arg4[%get3A_24, %get3A_25] : memref<1x256xf32, #tpu.memory_space<vmem>>, vector<1x256xf32>
    %add3A_27 = vector.broadcast %get3A_26 : vector<1x256xf32> to vector<10000x256xf32>
    %add3A_28 = arith.addf %dot_general3A_23, %add3A_27 : vector<10000x256xf32>
    %reduce_sum3A = arith.constant dense<0.000000e+00> : vector<256xf32>
    %reduce_sum3A_29 = vector.multi_reduction <add>, %add3A_28, %reduce_sum3A [0] : vector<10000x256xf32> to vector<256xf32>
    %broadcast_in_dim3A = vector.shape_cast %reduce_sum3A_29 : vector<256xf32> to vector<1x256xf32>
    %div3A = arith.constant 1.000000e+04 : f32
    %div3A_30 = vector.broadcast %div3A : f32 to vector<1x256xf32>
    %div3A_31 = arith.divf %broadcast_in_dim3A, %div3A_30 : vector<1x256xf32>
    %sub3A = vector.broadcast %div3A_31 : vector<1x256xf32> to vector<10000x256xf32>
    %sub3A_32 = arith.subf %add3A_28, %sub3A : vector<10000x256xf32>
    %integer_pow3A = arith.mulf %sub3A_32, %sub3A_32 : vector<10000x256xf32>
    %reduce_sum3A_33 = arith.constant dense<0.000000e+00> : vector<256xf32>
    %reduce_sum3A_34 = vector.multi_reduction <add>, %integer_pow3A, %reduce_sum3A_33 [0] : vector<10000x256xf32> to vector<256xf32>
    %broadcast_in_dim3A_35 = vector.shape_cast %reduce_sum3A_34 : vector<256xf32> to vector<1x256xf32>
    %div3A_36 = arith.constant 1.000000e+04 : f32
    %div3A_37 = vector.broadcast %div3A_36 : f32 to vector<1x256xf32>
    %div3A_38 = arith.divf %broadcast_in_dim3A_35, %div3A_37 : vector<1x256xf32>
    %get3A_39 = arith.constant 0 : index
    %get3A_40 = arith.constant 0 : index
    %get3A_41 = vector.load %arg5[%get3A_39, %get3A_40] : memref<1x256xf32, #tpu.memory_space<vmem>>, vector<1x256xf32>
    %sub3A_42 = vector.broadcast %div3A_31 : vector<1x256xf32> to vector<10000x256xf32>
    %sub3A_43 = arith.subf %add3A_28, %sub3A_42 : vector<10000x256xf32>
    %add3A_44 = arith.constant 9.99999974E-6 : f32
    %add3A_45 = vector.broadcast %add3A_44 : f32 to vector<1x256xf32>
    %add3A_46 = arith.addf %div3A_38, %add3A_45 : vector<1x256xf32>
    %sqrt3A = math.sqrt %add3A_46 : vector<1x256xf32>
    %div3A_47 = vector.broadcast %sqrt3A : vector<1x256xf32> to vector<10000x256xf32>
    %div3A_48 = arith.divf %sub3A_43, %div3A_47 : vector<10000x256xf32>
    %mul3A_49 = vector.broadcast %get3A_41 : vector<1x256xf32> to vector<10000x256xf32>
    %mul3A_50 = arith.mulf %mul3A_49, %div3A_48 : vector<10000x256xf32>
    %get3A_51 = arith.constant 0 : index
    %get3A_52 = arith.constant 0 : index
    %get3A_53 = vector.load %arg6[%get3A_51, %get3A_52] : memref<1x256xf32, #tpu.memory_space<vmem>>, vector<1x256xf32>
    %add3A_54 = vector.broadcast %get3A_53 : vector<1x256xf32> to vector<10000x256xf32>
    %add3A_55 = arith.addf %mul3A_50, %add3A_54 : vector<10000x256xf32>
    %max3A = arith.constant 0.000000e+00 : f32
    %max3A_56 = vector.broadcast %max3A : f32 to vector<10000x256xf32>
    %max3A_57 = arith.maximumf %add3A_55, %max3A_56 : vector<10000x256xf32>
    %get3A_58 = arith.constant 0 : index
    %get3A_59 = arith.constant 0 : index
    %get3A_60 = vector.load %arg7[%get3A_58, %get3A_59] : memref<256x128xf32, #tpu.memory_space<vmem>>, vector<256x128xf32>
    %dot_general3A_61 = arith.constant dense<0.000000e+00> : vector<10000x128xf32>
    %dot_general3A_62 = tpu.matmul %max3A_57, %get3A_60, %dot_general3A_61 {dimension_numbers = #tpu.dot_dimension_numbers<[1], [0], [0], [1], [0, 0, 1, 1], [], []>, transpose_lhs_hint = false} : vector<10000x256xf32>, vector<256x128xf32>, vector<10000x128xf32> -> vector<10000x128xf32>
    %get3A_63 = arith.constant 0 : index
    %get3A_64 = arith.constant 0 : index
    %get3A_65 = vector.load %arg8[%get3A_63, %get3A_64] : memref<1x128xf32, #tpu.memory_space<vmem>>, vector<1x128xf32>
    %add3A_66 = vector.broadcast %get3A_65 : vector<1x128xf32> to vector<10000x128xf32>
    %add3A_67 = arith.addf %dot_general3A_62, %add3A_66 : vector<10000x128xf32>
    %swap3A = arith.constant 0 : index
    %swap3A_68 = arith.constant 0 : index
    %swap3A_69 = vector.load %arg9[%swap3A, %swap3A_68] : memref<10000x128xf32, #tpu.memory_space<vmem>>, vector<10000x128xf32>
    tpu.vector_store %arg9[%swap3A, %swap3A_68], %add3A_67 {strides = array<i32>} : memref<10000x128xf32, #tpu.memory_space<vmem>>, vector<10000x128xf32>,
    return
  }
}

</mosaic_0001>

<sc_bundles>
// kernel: kernel.5.cloned.1.call-start
scs
__scs_entry_jumppad:
0x0: {  	(pc) =	sbr.rel $0x88, $3  }
0x1: {  	(tag) =	ssettag $0x0;
	lr =	simm.s32 $0x1  }
0x2: {  	[smem:$0x3F95] =	sst lr;
	_ =	strace $0xD0000000  }
0x3: {  	_ = 	snop  }
0x4: {  	_ = 	snop  }
0x5: {  	_ = 	snop  }
0x6: {  	_ = 	snop  }
0x7: {  	_ = 	snop  }
__scs_overlays_trampoline_lowered:
0x8: {  	[smem:$0x3FA4] =	sst s0  }
0x9: {  	[smem:$0x3FA5] =	sst s1  }
0xa: {  	[smem:$0x3FA6] =	sst s2  }
0xb: {  	[smem:$0x3FA7] =	sst s3  }
0xc: {  	[smem:$0x3FA8] =	sst s4  }
0xd: {  	[smem:$0x3FA9] =	sst s5  }
0xe: {  	[smem:$0x3FAA] =	sst s6  }
0xf: {  	[smem:$0x3FAB] =	sst s7  }
0x10: {  	[smem:$0x3FAC] =	sst s8  }
0x11: {  	[smem:$0x3FAD] =	sst s9;
	s0 =	simm.s32 @!p0 $0x0  }
0x12: {  	s1 =	sld [smem:$0x3F93];
	s0 =	simm.s32 @p0 $0x1  }
0x13: {  	[smem:$0x3FAE] =	sst s0;
	s0 =	simm.s32 @!p1 $0x0  }
0x14: {  	s2 =	sld [smem:$0x3F92];
	s0 =	simm.s32 @p1 $0x1  }
0x15: {  	[smem:$0x3FAF] =	sst s0;
	s0 =	simm.s32 @!p2 $0x0  }
0x16: {  	s3 =	sld [smem:$0x3FDB];
	s0 =	simm.s32 @p2 $0x1  }
0x17: {  	s4 =	simm.s32 $0x1BF5;
	[smem:$0x3FB1] =	sst s0  }
0x18: {  	s0 =	sld [smem:$0x3F94];
	_ =	swait.ge [sflag:s4], $0x0  }
0x19: {  	s7 =	sld [smem:$0x3F95]  }
0x1a: {  	s8 =	sadd.s32 $0xFFFFE003, lr  }
0x1b: {  	s9 =	sadd.s32 $0xFFFFFEF7, lr;
	s5 =	simm.s32 $0xFFFFFFFF;
	p2 =	slt.u32 s8, $0xFFFFF086  }
0x1c: {  	p1 =	slt.u32 s9, $0xF7A;
	s5 =	simm.s32 @!p2 $0x0  }
0x1d: {  	s5 =	simm.s32 @p1 $0x1;
	p0 =	seq.s32 s7, s2  }
0x1e: {  	s7 =	smul.u32 @!p0 $0xF7A, s2;
	p2 =	seq.s32 @!p0 s5, $0x0  }
0x1f: {  	s9 =	smul.u32 $0xF7A, s1;
	s8 =	simm.s32 @!p0 $0x1BF5;
	p2 =	por !p2, p0  }
0x20: {  	[sflag:s8] =	ssyncset.s32 @!p0 $0xFFFFF086;
	s6 =	sadd.s32 @!p0 s3, s7;
	s7 =	simm.s32 @!p0 $0x108  }
0x21: {  	s3 =	sadd.s32 s3, s9;
	s6 =	sadd.s32 @!p0 $0x88, s6;
	s7 =	simm.s32 @p2 $0x1082  }
0x22: {  	[simem:s7], [sflag:s8] =	dma.local @!p0 [hbm:s6], $0xF7A  }
0x23: {  	s9 =	sor.u32 $0xD0000000, s2;
	s6 =	simm.s32 $0x108;
	_ =	swait.ge @!p0 [sflag:s8], $0x0  }
0x24: {  	s3 =	sadd.s32 $0x88, s3;
	s6 =	simm.s32 @!p1 $0x1082;
	[sflag:s4] =	ssyncset.s32 $0xFFFFF086  }
0x25: {  	[simem:s6], [sflag:s4] =	dma.local [hbm:s3], $0xF7A  }
0x26: {  	[smem:$0x3F95] =	sst s1;
	(tag) =	ssettag s2;
	_ =	strace s9  }
0x27: {  	s1 =	sld [smem:$0x3FA5]  }
0x28: {  	s2 =	sld [smem:$0x3FA6]  }
0x29: {  	s4 =	sld [smem:$0x3FA8]  }
0x2a: {  	p0 =	seq.s32 s5, $0x0;
	s5 =	sld [smem:$0x3FA9]  }
0x2b: {  	s6 =	sld [smem:$0x3FAA]  }
0x2c: {  	s7 =	sld [smem:$0x3FAB]  }
0x2d: {  	s3 =	simm.s32 $0x108;
	s8 =	sld [smem:$0x3FAC]  }
0x2e: {  	s3 =	simm.s32 @!p0 $0x1082;
	s9 =	sld [smem:$0x3FAD]  }
0x2f: {  	lr =	sadd.s32 s0, s3;
	s0 =	sld [smem:$0x3FA4]  }
0x30: {  	s3 =	sld [smem:$0x3FA7]  }
0x31: {  	[smem:$0x3FB0] =	sst s10  }
0x32: {  	s10 =	sld [smem:$0x3FAE];
	_ =	sdelay $0x3  }
0x33: {  	p0 =	seq.s32 s10, $0x1;
	s10 =	sld [smem:$0x3FB0];
	_ =	sdelay $0x3  }
0x34: {  	[smem:$0x3FB0] =	sst s10  }
0x35: {  	s10 =	sld [smem:$0x3FAF];
	_ =	sdelay $0x3  }
0x36: {  	p1 =	seq.s32 s10, $0x1;
	s10 =	sld [smem:$0x3FB0];
	_ =	sdelay $0x3  }
0x37: {  	[smem:$0x3FB0] =	sst s10  }
0x38: {  	s10 =	sld [smem:$0x3FB1]  }
0x39: {  	_ = 	snop;
	(pc) =	sbr.ind lr, $3  }
0x3a: {  	_ = 	snop  }
0x3b: {  	_ = 	snop  }
0x3c: {  	p2 =	seq.s32 s10, $0x1;
	s10 =	sld [smem:$0x3FB0]  }
0x3d: {  	_ =	shalt  }
0x3e: {  	_ =	shalt  }
0x3f: {  	_ =	shalt  }
0x40: {  	_ =	shalt  }
0x41: {  	_ =	shalt  }
0x42: {  	_ =	shalt  }
0x43: {  	_ =	shalt  }
0x44: {  	_ =	shalt  }
0x45: {  	_ =	shalt  }
0x46: {  	_ =	shalt  }
0x47: {  	_ =	shalt  }
0x48: {  	_ =	shalt  }
0x49: {  	_ =	shalt  }
0x4a: {  	_ =	shalt  }
0x4b: {  	_ =	shalt  }
0x4c: {  	_ =	shalt  }
0x4d: {  	_ =	shalt  }
0x4e: {  	_ =	shalt  }
0x4f: {  	_ =	shalt  }
0x50: {  	_ =	shalt  }
0x51: {  	_ =	shalt  }
0x52: {  	_ =	shalt  }
0x53: {  	_ =	shalt  }
0x54: {  	_ =	shalt  }
0x55: {  	_ =	shalt  }
0x56: {  	_ =	shalt  }
0x57: {  	_ =	shalt  }
0x58: {  	_ =	shalt  }
0x59: {  	_ =	shalt  }
0x5a: {  	_ =	shalt  }
0x5b: {  	_ =	shalt  }
0x5c: {  	_ =	shalt  }
0x5d: {  	_ =	shalt  }
0x5e: {  	_ =	shalt  }
0x5f: {  	_ =	shalt  }
0x60: {  	_ =	shalt  }
0x61: {  	_ =	shalt  }
0x62: {  	_ =	shalt  }
0x63: {  	_ =	shalt  }
0x64: {  	_ =	shalt  }
0x65: {  	_ =	shalt  }
0x66: {  	_ =	shalt  }
0x67: {  	_ =	shalt  }
0x68: {  	_ =	shalt  }
0x69: {  	_ =	shalt  }
0x6a: {  	_ =	shalt  }
0x6b: {  	_ =	shalt  }
0x6c: {  	_ =	shalt  }
0x6d: {  	_ =	shalt  }
0x6e: {  	_ =	shalt  }
0x6f: {  	_ =	shalt  }
0x70: {  	_ =	shalt  }
0x71: {  	_ =	shalt  }
0x72: {  	_ =	shalt  }
0x73: {  	_ =	shalt  }
0x74: {  	_ =	shalt  }
0x75: {  	_ =	shalt  }
0x76: {  	_ =	shalt  }
0x77: {  	_ =	shalt  }
0x78: {  	_ =	shalt  }
0x79: {  	_ =	shalt  }
0x7a: {  	_ =	shalt  }
0x7b: {  	_ =	shalt  }
0x7c: {  	_ =	shalt  }
0x7d: {  	_ =	shalt  }
0x7e: {  	_ =	shalt  }
0x7f: {  	_ =	shalt  }
0x80: {  	_ =	shalt  }
0x81: {  	_ =	shalt  }
0x82: {  	_ =	shalt  }
0x83: {  	_ =	shalt  }
0x84: {  	_ =	shalt  }
0x85: {  	_ =	shalt  }
0x86: {  	_ =	shalt  }
0x87: {  	_ =	shalt  }
.Lfunc_end0:
.L_simem_size_0:
called_computation_lowered:
.L_overlay_start_0:
0x88: {  	s2 =	sld [smem:$0x3FD9]  }
0x89: {  	s3 =	sld [smem:$0x3FFE];
	_ =	sdelay $0x1  }
0x8a: {  	s1 =	srdreg.scid  }
0x8b: {  	s0 =	sand.u32 $0x1, s1  }
0x8c: {  	s17 =	sshll.u32 s0, $0xA;
	s2 =	sadd.s32 s3, s2  }
0x8d: {  	s2 =	sadd.s32 s2, s17  }
0x8e: {  	[smem:$0x3FBC] =	sst s2  }
0x8f: {  	_ = 	snop  }
0x90: {  	s2 =	sld [smem:$0x3FC9]  }
0x91: {  	s18 =	sld [smem:$0x3FD0];
	(tm) =	ssettm $0x1  }
0x92: {  	s4 =	sld [smem:$0x3FFB];
	_ =	sdelay $0x3  }
0x93: {  	_ =	strace s4  }
0x94: {  	s4 =	sld [smem:$0x3FFC];
	_ =	sdelay $0x3  }
0x95: {  	_ =	strace s4  }
0x96: {  	s4 =	sld [smem:$0x3FFD];
	_ =	sdelay $0x3  }
0x97: {  	_ =	strace s4  }
0x98: {  	_ =	strace $0x8FFFFFFF  }
0x99: {  	s19 =	sld [smem:$0x3FDB];
	_ =	sdelay $0x1  }
0x9a: {  	s5 =	simm.s32 $_scs_section_size  }
0x9b: {  	s6 =	simm.s32 $_size__tile_overlayer_lowered;
	s7 =	simm.s32 $_tile_overlayer_lowered  }
0x9c: {  	s22 =	simm.s32 $0x1BFF;
	s21 =	sshll.u32 s7, $0x1;
	s4 =	sadd.s32 s5, s19  }
0x9d: {  	s8 =	simm.s32 $0x0;
	s20 =	sshll.u32 s6, $0x1;
	s6 =	sadd.s32 s21, s4  }
0x9e: {  	[timem:s8], [sflag:s22] =	dma.local [hbm:s6], s20  }
0x9f: {  	_ =	swait.ge [sflag:s22], s20  }
0xa0: {  	s5 =	ssub.s32 $0x0, s20;
	[sflag:s22] =	ssyncset.done $0x0  }
0xa1: {  	[sflag:s22] =	ssyncadd.s32 s5;
	_ =	sdelay $0x1  }
0xa2: {  	s23 =	simm.s32 $0x1B8B  }
0xa3: {  	_ =	swait.ge [sflag:s23], $0x1  }
0xa4: {  	[sflag:s23] =	ssyncset.done $0x0  }
0xa5: {  	s25 =	simm.s32 $0x1B8E;
	s24 =	sld [smem:$0x3FFE];
	[sflag:s23] =	ssyncadd.s32 $0xFFFFFFFF  }
0xa6: {  	s26 =	simm.s32 $execute0_lowered;
	[smem:$0x3FD2] =	sst s25  }
0xa7: {  	s6 =	sshll.u32 s26, $0x1;
	_ =	strace $0x80000046;
	[dreg:$0x1] =	wrdreg $0xFFFFFFFF  }
0xa8: {  	s28 =	simm.s32 $_size_execute0_lowered;
	s4 =	sadd.s32 s4, s6;
	[dreg:$0x0] =	wrdreg $0x0  }
0xa9: {  	s6 =	sshll.u32 s28, $0x1;
	[dreg:$0x2] =	wrdreg s4  }
0xaa: {  	[dreg:$0x3] =	wrdreg s6  }
0xab: {  	[dreg:$0x4] =	wrdreg $0xC0  }
0xac: {  	_ =	task [dreg:s8], $0x5FFFF  }
0xad: {  	[dreg:$0x1] =	wrdreg $0xFFFFFFFF  }
0xae: {  	[dreg:$0x0] =	wrdreg $0x60  }
0xaf: {  	[dreg:$0x2] =	wrdreg s2  }
0xb0: {  	[dreg:$0x3] =	wrdreg s24  }
0xb1: {  	[dreg:$0x4] =	wrdreg s18  }
0xb2: {  	[dreg:$0x5] =	wrdreg $0x0  }
0xb3: {  	[dreg:$0x6] =	wrdreg $0x9  }
0xb4: {  	_ =	task.clear_ibuf [dreg:s8], $0x7FFFF;
	_ =	strace $0x90000046  }
0xb5: {  	s29 =	simm.s32 $0x9;
	_ =	strace $0x80000048  }
0xb6: {  	_ =	swait.ge [sflag:s29], $0x1  }
0xb7: {  	[sflag:s29] =	ssyncadd.s32 $0xFFFFFFFF  }
0xb8: {  	_ =	strace $0x90000048  }
0xb9: {  	_ =	sfence  }
0xba: {  	s30 =	sld [smem:$0x0];
	_ =	sdelay $0x2  }
0xbb: {  	s31 =	sshll.u32 s1, $0xD;
	s1 =	sshrl.u32 s1, $0x2  }
0xbc: {  	s3 =	sand.u32 $0x4000, s31;
	s1 =	sadd.s32 s1, s30  }
0xbd: {  	s0 =	sor.u32 s3, s0;
	s1 =	sshll.u32 s1, $0x11  }
0xbe: {  	s0 =	sor.u32 s1, s0  }
0xbf: {  	s0 =	sadd.s32 $0x8F2B, s0  }
0xc0: {  	[sflag:s0] =	ssyncadd.remote.s32 $0x1  }
0xc1: {  	_ =	sfence.sel $0xFFFF  }
0xc2: {  	[dreg:$0x0] =	wrdreg $0xFFFFFFFF;
	(pc) =	sbr.abs _section_cstart, $3  }
0xc3: {  	[dreg:$0x1] =	wrdreg $0xFFFFFFFF  }
0xc4: {  	_ =	task.clear_ibuf [dreg:s8], $0x2FFFF;
	_ =	strace $0x9FFFFFFF  }
0xc5: {  	(tm) =	ssettm $0x7FFFFFFF  }
tec
execute0_lowered:
.L_overlay_start_1:
0x0: {  	(tag) =	ssettag $0x1  }
0x1: {  	s1 =	rddreg [dreg:$0x0]  }
0x2: {  	s0 =	rddreg [dreg:$0x1]  }
0x3: {  	s2 =	rddreg [dreg:$0x2]  }
0x4: {  	s3 =	rddreg [dreg:$0x3];
	s16 =	simm.s32 $0x0;
	s4 =	srdreg.scid  }
0x5: {  	s11 =	stileid.u32;
	s31 =	simm.s32 $0x60;
	s12 =	simm.s32 $0x7  }
0x6: {  	s13 =	simm.s32 $0x2;
	s30 =	simm.s32 $0x4;
	s8 =	smul.u32 $0x13C00, s11  }
0x7: {  	[smem:$0x7FF] =	sst s16;
	s4 =	sand.u32 $0x1, s4;
	s9 =	smul.u32 $0x4F000, s11  }
0x8: {  	s6 =	sadd.s32 $0x9DB200, s0;
	s7 =	sadd.s32 $0x1200, s0;
	s20 =	smul.u32 $0x1500, s11  }
0x9: {  	s5 =	smul.u32 $0x13C000, s4;
	_ =	strace $0x80000047;
	s14 =	ssub.s32 $0x2, s4  }
0xa: {  	p0 =	seq.s32 s4, $0x0;
	s4 =	simm.s32 $0x9C;
	s10 =	sshrl.u32 s14, $0x1  }
0xb: {  	s9 =	sshrl.u32 s9, $0x2;
	s4 =	simm.s32 @!p0 $0x38;
	s5 =	sadd.s32 s8, s5  }
0xc: {  	s15 =	ssub.s32 s14, s10;
	s17 =	sadd.s32 s9, s3;
	s8 =	sadd.s32 $0x3A800, s20  }
0xd: {  	s20 =	sadd.s32 $0xFFFFFFFF, s4;
	s18 =	sadd.s32 $0x3000, s17;
	[dreg:$0x6] =	wrdreg s17  }
0xe: {  	s5 =	sshrl.u32 s5, $0x3;
	s19 =	sadd.s32 $0x6000, s17;
	[dreg:$0x7] =	wrdreg s18  }
0xf: {  	s9 =	sadd.s32 $0x9000, s17;
	s21 =	sadd.s32 $0xC000, s17;
	[dreg:$0x8] =	wrdreg s19  }
0x10: {  	s22 =	sadd.s32 $0xF000, s17;
	s28 =	smax.u32 s15, $0x1;
	[dreg:$0x9] =	wrdreg s9  }
0x11: {  	s29 =	sadd.s32 $0x10C00, s17;
	s15 =	simm.s32 $0x6;
	[dreg:$0xa] =	wrdreg s21  }
0x12: {  	s0 =	sadd.s32 s5, s0;
	s9 =	smul.u32 $0x3A80, s11;
	[dreg:$0xb] =	wrdreg s22  }
0x13: {  	s19 =	sshrl.u32 s4, $0x1;
	s21 =	sadd.s32 $0xFFFFFFFE, s4;
	[dreg:$0x11] =	wrdreg s28  }
0x14: {  	[dreg:$0x12] =	wrdreg s29;
	s18 =	simm.s32 $0xB;
	s4 =	simm.s32 $0x13D00  }
0x15: {  	s11 =	simm.s32 $0x5;
	s0 =	sadd.s32 $0xB200, s0;
	s8 =	smov.u32 @p0 s9  }
0x16: {  	[dreg:$0x10] =	wrdreg s0;
	s0 =	simm.s32 $0x13E00;
	s9 =	sshrl.u32 s8, $0x3  }
0x17: {  	s23 =	sshll.u32 s8, $0x4;
	s14 =	sor.u32 $0x60, s8;
	s24 =	sadd.s32 s2, s9  }
0x18: {  	s22 =	sadd.s32 $0xC0, s8;
	s10 =	sadd.s32 s6, s23;
	[dreg:$0xc] =	wrdreg s24  }
0x19: {  	s25 =	sshrl.u32 s14, $0x3;
	s9 =	sadd.s32 s7, s9;
	[dreg:$0xd] =	wrdreg s10  }
0x1a: {  	s23 =	sadd.s32 $0x120, s8;
	[dreg:$0xe] =	wrdreg s9;
	s26 =	sadd.s32 s2, s25  }
0x1b: {  	v0 =	vimm.f32 $0.0e+00;
	s9 =	simm.s32 $0x1;
	s10 =	simm.s32 $0x3;
	[dreg:$0xf] =	wrdreg s26  }
.LBB2_1:
0x1c: {  	[dreg:$0x5] =	wrdreg s16;
	s5 =	simm.s32 $0x0;
	s8 =	simm.s32 $0x200  }
.LBB2_2:
0x1d: {  	p0 =	sne.s32 s8, $0xBE00;
	[tilespmem:s5+$0x19E70] =	vst v0  }
0x1e: {  	[tilespmem:s5+$0x19E00] =	vst v0  }
0x1f: {  	[tilespmem:s5+$0x19E10] =	vst v0  }
.Ltmp0:
0x20: {  	[tilespmem:s5+$0x19E20] =	vst v0;
	(pc) =	sbr.rel @p0 .LBB2_2-.Ltmp0, $4  }
0x21: {  	[tilespmem:s5+$0x19E30] =	vst v0  }
0x22: {  	[tilespmem:s5+$0x19E40] =	vst v0  }
0x23: {  	[tilespmem:s5+$0x19E50] =	vst v0  }
0x24: {  	[tilespmem:s5+$0x19E60] =	vst v0;
	s5 =	sshra.s32 s8, $0x2;
	s8 =	sadd.s32 $0x200, s8  }
0x25: {  	[tilespmem:s5+$0x19E70] =	vst v0  }
0x26: {  	[tilespmem:s5+$0x19E00] =	vst v0  }
0x27: {  	[tilespmem:s5+$0x19E10] =	vst v0  }
0x28: {  	[tilespmem:s5+$0x19E20] =	vst v0  }
0x29: {  	[tilespmem:s5+$0x19E30] =	vst v0  }
0x2a: {  	[tilespmem:s5+$0x19E40] =	vst v0  }
0x2b: {  	[tilespmem:s5+$0x19E50] =	vst v0  }
0x2c: {  	[tilespmem:s5+$0x19E60] =	vst v0;
	s8 =	simm.s32 $0x19E00  }
0x2d: {  	[spmem:s17] =	stream.linear.scatter [tilespmem:s8], [sflag:$0xB], $0x3000, $0x38;
	[tilespmem:$0x1FE00] =	vst v63  }
0x2e: {  	_ =	swait.ge [sflag:s18], $0x3000  }
0x2f: {  	[sflag:s18] =	ssyncset.done $0x0  }
0x30: {  	s24 =	rddreg [dreg:$0x7];
	[sflag:s18] =	ssyncadd.s32 $0xFFFFD000  }
0x31: {  	[spmem:s24] =	stream.linear.scatter [tilespmem:s8], [sflag:$0xB], $0x3000, $0x38;
	[tilespmem:$0x1FE00] =	vst v63  }
0x32: {  	_ =	swait.ge [sflag:s18], $0x3000  }
0x33: {  	[sflag:s18] =	ssyncset.done $0x0  }
0x34: {  	s25 =	rddreg [dreg:$0x8];
	[sflag:s18] =	ssyncadd.s32 $0xFFFFD000  }
0x35: {  	[spmem:s25] =	stream.linear.scatter [tilespmem:s8], [sflag:$0xB], $0x3000, $0x38;
	[tilespmem:$0x1FE00] =	vst v63  }
0x36: {  	_ =	swait.ge [sflag:s18], $0x3000  }
0x37: {  	[sflag:s18] =	ssyncset.done $0x0  }
0x38: {  	s26 =	rddreg [dreg:$0x9];
	[sflag:s18] =	ssyncadd.s32 $0xFFFFD000  }
0x39: {  	[spmem:s26] =	stream.linear.scatter [tilespmem:s8], [sflag:$0xB], $0x3000, $0x38;
	[tilespmem:$0x1FE00] =	vst v63  }
0x3a: {  	_ =	swait.ge [sflag:s18], $0x3000  }
0x3b: {  	[sflag:s18] =	ssyncset.done $0x0  }
0x3c: {  	s28 =	rddreg [dreg:$0xa];
	[sflag:s18] =	ssyncadd.s32 $0xFFFFD000  }
0x3d: {  	[spmem:s28] =	stream.linear.scatter [tilespmem:s8], [sflag:$0xB], $0x3000, $0x38;
	[tilespmem:$0x1FE00] =	vst v63  }
0x3e: {  	_ =	swait.ge [sflag:s18], $0x3000  }
0x3f: {  	[sflag:s18] =	ssyncset.done $0x0  }
0x40: {  	s29 =	rddreg [dreg:$0xb];
	[sflag:s18] =	ssyncadd.s32 $0xFFFFD000  }
0x41: {  	[spmem:s29] =	stream.linear.scatter [tilespmem:s8], [sflag:$0xB], $0x3000, $0x38;
	[tilespmem:$0x1FE00] =	vst v63  }
0x42: {  	_ =	swait.ge [sflag:s18], $0x3000  }
0x43: {  	[sflag:s18] =	ssyncset.done $0x0  }
0x44: {  	s16 =	rddreg [dreg:$0x12];
	[sflag:s18] =	ssyncadd.s32 $0xFFFFD000  }
0x45: {  	[spmem:s16] =	stream.linear.scatter [tilespmem:s8], [sflag:$0xB], $0x3000, $0x38;
	[tilespmem:$0x1FE00] =	vst v63  }
0x46: {  	_ =	swait.ge [sflag:s18], $0x3000  }
0x47: {  	[sflag:s18] =	ssyncset.done $0x0  }
0x48: {  	[sflag:s18] =	ssyncadd.s32 $0xFFFFD000  }
0x49: {  	[bflag:$0x0] =	sbarrier.arrive $0xFFFF  }
0x4a: {  	s24 =	simm.s32 $0x0;
	s16 =	simm.s32 $0x13C00;
	s17 =	rddreg [dreg:$0xc]  }
0x4b: {  	[tilespmem:s16], [sflag:$0xB] =	stream.linear.gather [hbm4b:s17+s24], $0x60, $0x38;
	[tilespmem:$0x1FE00] =	vst v63  }
0x4c: {  	_ =	swait.ge [sflag:s18], $0x60  }
0x4d: {  	[sflag:s18] =	ssyncset.done $0x0  }
0x4e: {  	[sflag:s18] =	ssyncadd.s32 $0xFFFFFFA0  }
0x4f: {  	[tilespmem:s0], [sflag:$0x1] =	stream.indirect.gather [hbm4b:s1+s31], $0x80, s16, s31, $0xb8;
	[tilespmem:$0x1FE00] =	vst v63  }
0x50: {  	s25 =	rddreg [dreg:$0xd]  }
0x51: {  	[tilespmem:s8], [sflag:$0x3] =	stream.linear.gather [hbm4b:s25+s24], $0x3000, $0x38;
	[tilespmem:$0x1FE00] =	vst v63  }
0x52: {  	s26 =	rddreg [dreg:$0xe]  }
0x53: {  	[tilespmem:s4], [sflag:$0x5] =	stream.linear.gather [hbm4b:s26+s24], $0x60, $0x38;
	[tilespmem:$0x1FE00] =	vst v63  }
0x54: {  	s29 =	simm.s32 $0x13C80;
	s28 =	rddreg [dreg:$0xf]  }
0x55: {  	[tilespmem:s29], [sflag:$0xA] =	stream.linear.gather [hbm4b:s28+s24], $0x60, $0x38;
	[tilespmem:$0x1FE00] =	vst v63  }
.LBB2_4:
0x56: {  	p1 =	seq.s32 s24, $0x0  }
0x57: {  	s5 =	simm.s32 @!p1 $0x8  }
0x58: {  	s25 =	sshll.u32 s24, $0x1;
	_ =	swait.ge @!p1 [sflag:s5], $0x3000  }
0x59: {  	p0 =	sge.u32 s25, s20;
	[sflag:s5] =	ssyncset.done @!p1 $0x0  }
0x5a: {  	[sflag:s5] =	ssyncadd.s32 @!p1 $0xFFFFD000;
	s5 =	simm.s32 @!p0 $0xA  }
0x5b: {  	s8 =	smul.u32 @!p0 $0xC0, s24;
	_ =	swait.ge @!p0 [sflag:s5], $0x60  }
0x5c: {  	s16 =	simm.s32 @!p0 $0x13C80;
	s17 =	simm.s32 @!p0 $0x16E00;
	[sflag:s5] =	ssyncset.done @!p0 $0x0  }
0x5d: {  	s8 =	sadd.s32 @!p0 s8, s14;
	[sflag:s5] =	ssyncadd.s32 @!p0 $0xFFFFFFA0;
	s5 =	simm.s32 @!p0 $0x60  }
0x5e: {  	[tilespmem:s17], [sflag:$0x2] =	stream.indirect.gather @!p0 [hbm4b:s1+s5], $0x80, s16, s5, $0xb8;
	[tilespmem:$0x1FE00] =	vst v63  }
0x5f: {  	s5 =	sshll.u32 @!p0 s8, $0x4  }
0x60: {  	s16 =	simm.s32 @!p0 $0x0;
	s17 =	simm.s32 @!p0 $0x1CE00;
	s5 =	sadd.s32 @!p0 s6, s5  }
0x61: {  	[tilespmem:s17], [sflag:$0x4] =	stream.linear.gather @!p0 [hbm4b:s5+s16], $0x3000, $0x38;
	[tilespmem:$0x1FE00] =	vst v63  }
0x62: {  	s5 =	sshrl.u32 @!p0 s8, $0x3  }
0x63: {  	s8 =	simm.s32 @!p0 $0x13D80;
	s5 =	sadd.s32 @!p0 s7, s5  }
0x64: {  	[tilespmem:s8], [sflag:$0x6] =	stream.linear.gather @!p0 [hbm4b:s5+s16], $0x60, $0x38;
	[tilespmem:$0x1FE00] =	vst v63  }
0x65: {  	p0 =	sge.u32 s25, s21;
	_ =	swait.ge [sflag:s9], $0x3000  }
0x66: {  	s5 =	smul.u32 @!p0 $0xC0, s24;
	[sflag:s9] =	ssyncset.done $0x0  }
0x67: {  	[sflag:s9] =	ssyncadd.s32 $0xFFFFD000  }
0x68: {  	s26 =	simm.s32 $0x13E80;
	s5 =	sadd.s32 @!p0 s5, s22;
	_ =	swait.ge [sflag:s10], $0x3000  }
0x69: {  	s8 =	simm.s32 @!p0 $0x0;
	s5 =	sshrl.u32 @!p0 s5, $0x3;
	[sflag:s10] =	ssyncset.done $0x0  }
0x6a: {  	s16 =	simm.s32 @!p0 $0x13C00;
	s5 =	sadd.s32 @!p0 s2, s5;
	[sflag:s10] =	ssyncadd.s32 $0xFFFFD000  }
0x6b: {  	[tilespmem:s16], [sflag:$0x9] =	stream.linear.gather @!p0 [hbm4b:s5+s8], $0x60, $0x38;
	[tilespmem:$0x1FE00] =	vst v63  }
0x6c: {  	s29 =	simm.s32 $0x19E80;
	v1 =	vld [tilespmem:s26+$0x0]  }
0x6d: {  	v2 =	vld [tilespmem:s29+$0x0];
	_ =	sdelay $0x4  }
0x6e: {  	v1 =	vadd.f32 v2, v1;
	_ =	sdelay $0x1  }
0x6f: {  	v1 =	vmax.f32 v1, $0.0e+00  }
0x70: {  	[tilespmem:s26+$0x0] =	vst v1;
	v1 =	vld [tilespmem:s26+$0x10]  }
0x71: {  	v2 =	vld [tilespmem:s29+$0x10];
	_ =	sdelay $0x3  }
0x72: {  	v3 =	vld [tilespmem:s26+$0xFFFFFF80]  }
0x73: {  	v1 =	vadd.f32 v2, v1;
	v2 =	vld [tilespmem:s29+$0xFFFFFF80];
	_ =	sdelay $0x1  }
0x74: {  	v1 =	vmax.f32 v1, $0.0e+00  }
0x75: {  	[tilespmem:s26+$0x10] =	vst v1;
	v1 =	vld [tilespmem:s26+$0x20]  }
0x76: {  	v4 =	vld [tilespmem:s29+$0x20]  }
0x77: {  	s18 =	simm.s32 $0x13F80;
	v5 =	vld [tilespmem:s26+$0xFFFFFFA0];
	v2 =	vadd.f32 v2, v3  }
0x78: {  	v7 =	vld [tilespmem:s18+$0x0]  }
0x79: {  	v8 =	vld [tilespmem:s26+$0xFFFFFFC0];
	v2 =	vmax.f32 v2, $0.0e+00  }
0x7a: {  	v3 =	vld [tilespmem:s26+$0xFFFFFF90];
	[tilespmem:s26+$0xFFFFFF80] =	vst v2  }
0x7b: {  	v1 =	vadd.f32 v4, v1;
	v2 =	vld [tilespmem:s29+$0xFFFFFF90]  }
0x7c: {  	v9 =	vld [tilespmem:s26+$0xFFFFFFD0]  }
0x7d: {  	v10 =	vld [tilespmem:s26+$0x40];
	v1 =	vmax.f32 v1, $0.0e+00  }
0x7e: {  	[tilespmem:s26+$0x20] =	vst v1;
	v1 =	vld [tilespmem:s26+$0x30]  }
0x7f: {  	v6 =	vld [tilespmem:s29+$0x30]  }
0x80: {  	s8 =	simm.s32 $0x19F80;
	v11 =	vld [tilespmem:s18+$0x10];
	v2 =	vadd.f32 v2, v3  }
0x81: {  	v3 =	vld [tilespmem:s8+$0x0]  }
0x82: {  	s5 =	simm.s32 $0x1A080;
	v13 =	vld [tilespmem:s26+$0xFFFFFFE0];
	v2 =	vmax.f32 v2, $0.0e+00  }
0x83: {  	v17 =	vld [tilespmem:s5+$0xFFFFFF80];
	[tilespmem:s26+$0xFFFFFF90] =	vst v2  }
0x84: {  	v1 =	vadd.f32 v6, v1;
	v2 =	vld [tilespmem:s29+$0xFFFFFFA0]  }
0x85: {  	v6 =	vld [tilespmem:s8+$0xFFFFFF80]  }
0x86: {  	s28 =	simm.s32 $0x14080;
	v3 =	vadd.f32 v3, v7;
	v7 =	vld [tilespmem:s18+$0xFFFFFF80];
	v1 =	vmax.f32 v1, $0.0e+00  }
0x87: {  	v18 =	vld [tilespmem:s28+$0xFFFFFF80];
	[tilespmem:s26+$0x30] =	vst v1  }
0x88: {  	v1 =	vmax.f32 v3, $0.0e+00;
	v3 =	vld [tilespmem:s29+$0x40]  }
0x89: {  	v19 =	vld [tilespmem:s28+$0xFFFFFF90];
	[tilespmem:s18+$0x0] =	vst v1  }
0x8a: {  	v12 =	vld [tilespmem:s8+$0x10];
	v2 =	vadd.f32 v2, v5  }
0x8b: {  	v63 =	vld [tilespmem:s18+$0x60];
	v5 =	vadd.f32 v6, v7  }
0x8c: {  	v4 =	vld [tilespmem:s26+$0xFFFFFFB0];
	v2 =	vmax.f32 v2, $0.0e+00  }
0x8d: {  	v6 =	vld [tilespmem:s18+$0xFFFFFF90];
	[tilespmem:s26+$0xFFFFFFA0] =	vst v2;
	v2 =	vmax.f32 v5, $0.0e+00;
	v3 =	vadd.f32 v3, v10  }
0x8e: {  	v5 =	vld [tilespmem:s29+$0xFFFFFFB0];
	[tilespmem:s18+$0xFFFFFF80] =	vst v2  }
0x8f: {  	v10 =	vld [tilespmem:s8+$0xFFFFFF90];
	v2 =	vmax.f32 v3, $0.0e+00;
	v3 =	vadd.f32 v12, v11  }
0x90: {  	v12 =	vld [tilespmem:s18+$0x20]  }
0x91: {  	[tilespmem:s26+$0x40] =	vst v2;
	v2 =	vld [tilespmem:s26+$0x50];
	v3 =	vmax.f32 v3, $0.0e+00  }
0x92: {  	v11 =	vld [tilespmem:s29+$0x50];
	[tilespmem:s18+$0x10] =	vst v3  }
0x93: {  	v3 =	vadd.f32 v5, v4;
	v14 =	vld [tilespmem:s8+$0x20]  }
0x94: {  	v1 =	vld [tilespmem:s26+$0xFFFFFFF0]  }
0x95: {  	v7 =	vld [tilespmem:s18+$0xFFFFFFA0];
	v4 =	vadd.f32 v10, v6;
	v10 =	vmax.f32 v3, $0.0e+00  }
0x96: {  	v5 =	vld [tilespmem:s18+$0xFFFFFFB0];
	[tilespmem:s26+$0xFFFFFFB0] =	vst v10  }
0x97: {  	v2 =	vadd.f32 v11, v2;
	v11 =	vld [tilespmem:s29+$0xFFFFFFC0]  }
0x98: {  	v6 =	vld [tilespmem:s18+$0xFFFFFFC0];
	v4 =	vmax.f32 v4, $0.0e+00;
	v10 =	vadd.f32 v14, v12  }
0x99: {  	v3 =	vld [tilespmem:s18+$0xFFFFFFD0];
	[tilespmem:s18+$0xFFFFFF90] =	vst v4;
	v2 =	vmax.f32 v2, $0.0e+00  }
0x9a: {  	v4 =	vld [tilespmem:s18+$0xFFFFFFE0];
	[tilespmem:s26+$0x50] =	vst v2;
	v2 =	vmax.f32 v10, $0.0e+00  }
0x9b: {  	v14 =	vld [tilespmem:s18+$0x30];
	[tilespmem:s18+$0x20] =	vst v2  }
0x9c: {  	v8 =	vadd.f32 v11, v8;
	v15 =	vld [tilespmem:s8+$0x30]  }
0x9d: {  	v12 =	vld [tilespmem:s8+$0xFFFFFFA0]  }
0x9e: {  	v11 =	vld [tilespmem:s28+$0x0];
	v8 =	vmax.f32 v8, $0.0e+00  }
0x9f: {  	[tilespmem:s26+$0xFFFFFFC0] =	vst v8;
	v8 =	vld [tilespmem:s5+$0x0]  }
0xa0: {  	v10 =	vld [tilespmem:s26+$0x60]  }
0xa1: {  	v16 =	vld [tilespmem:s29+$0x60];
	v14 =	vadd.f32 v15, v14  }
0xa2: {  	v2 =	vld [tilespmem:s18+$0xFFFFFFF0]  }
0xa3: {  	v7 =	vadd.f32 v12, v7;
	v12 =	vld [tilespmem:s18+$0x40];
	v14 =	vmax.f32 v14, $0.0e+00  }
0xa4: {  	v15 =	vld [tilespmem:s29+$0xFFFFFFD0];
	v8 =	vadd.f32 v8, v11;
	[tilespmem:s18+$0x30] =	vst v14  }
0xa5: {  	v7 =	vmax.f32 v7, $0.0e+00;
	v14 =	vld [tilespmem:s8+$0x40]  }
0xa6: {  	[tilespmem:s18+$0xFFFFFFA0] =	vst v7;
	v11 =	vld [tilespmem:s26+$0x70];
	v7 =	vmax.f32 v8, $0.0e+00;
	v8 =	vadd.f32 v16, v10  }
0xa7: {  	v10 =	vld [tilespmem:s8+$0xFFFFFFB0]  }
0xa8: {  	v16 =	vld [tilespmem:s28+$0x10];
	[tilespmem:s28+$0x0] =	vst v7;
	v7 =	vadd.f32 v17, v18;
	v8 =	vmax.f32 v8, $0.0e+00  }
0xa9: {  	v17 =	vld [tilespmem:s5+$0x10];
	[tilespmem:s26+$0x60] =	vst v8  }
0xaa: {  	v7 =	vmax.f32 v7, $0.0e+00;
	v62 =	vld [tilespmem:s29+$0x70];
	v12 =	vadd.f32 v14, v12  }
0xab: {  	[tilespmem:s28+$0xFFFFFF80] =	vst v7;
	v14 =	vld [tilespmem:s28+$0xFFFFFFA0]  }
0xac: {  	v8 =	vld [tilespmem:s5+$0xFFFFFF90];
	v7 =	vmax.f32 v12, $0.0e+00  }
0xad: {  	v5 =	vadd.f32 v10, v5;
	v10 =	vld [tilespmem:s18+$0x50];
	[tilespmem:s18+$0x40] =	vst v7  }
0xae: {  	v16 =	vadd.f32 v17, v16;
	v12 =	vld [tilespmem:s8+$0x50]  }
0xaf: {  	v5 =	vmax.f32 v5, $0.0e+00;
	v17 =	vld [tilespmem:s28+$0x20]  }
0xb0: {  	v9 =	vadd.f32 v15, v9;
	v7 =	vld [tilespmem:s28+$0xFFFFFFB0];
	[tilespmem:s18+$0xFFFFFFB0] =	vst v5;
	v16 =	vmax.f32 v16, $0.0e+00  }
0xb1: {  	v15 =	vld [tilespmem:s8+$0xFFFFFFC0];
	[tilespmem:s28+$0x10] =	vst v16;
	v16 =	vadd.f32 v8, v19  }
0xb2: {  	v5 =	vld [tilespmem:s28+$0xFFFFFFC0];
	v8 =	vmax.f32 v9, $0.0e+00  }
0xb3: {  	v9 =	vld [tilespmem:s5+$0x20];
	[tilespmem:s26+$0xFFFFFFD0] =	vst v8;
	v10 =	vadd.f32 v12, v10;
	v12 =	vmax.f32 v16, $0.0e+00  }
0xb4: {  	[tilespmem:s28+$0xFFFFFF90] =	vst v12;
	v12 =	vld [tilespmem:s29+$0xFFFFFFE0]  }
0xb5: {  	v8 =	vld [tilespmem:s28+$0xFFFFFFD0];
	v10 =	vmax.f32 v10, $0.0e+00  }
0xb6: {  	v16 =	vld [tilespmem:s5+$0xFFFFFFA0];
	[tilespmem:s18+$0x50] =	vst v10;
	v10 =	vadd.f32 v15, v6  }
0xb7: {  	v20 =	vld [tilespmem:s8+$0x60]  }
0xb8: {  	v15 =	vadd.f32 v9, v17;
	v6 =	vld [tilespmem:s28+$0xFFFFFFE0];
	v9 =	vmax.f32 v10, $0.0e+00  }
0xb9: {  	[tilespmem:s18+$0xFFFFFFC0] =	vst v9;
	v10 =	vadd.f32 v12, v13;
	v9 =	vld [tilespmem:s28+$0xFFFFFFF0]  }
0xba: {  	v11 =	vadd.f32 v62, v11;
	v13 =	vmax.f32 v15, $0.0e+00;
	v12 =	vld [tilespmem:s8+$0xFFFFFFD0]  }
0xbb: {  	[tilespmem:s28+$0x20] =	vst v13;
	v14 =	vadd.f32 v16, v14;
	v13 =	vld [tilespmem:s28+$0x30];
	v10 =	vmax.f32 v10, $0.0e+00  }
0xbc: {  	v11 =	vmax.f32 v11, $0.0e+00;
	v15 =	vld [tilespmem:s5+$0x30];
	v16 =	vadd.f32 v20, v63;
	[tilespmem:s26+$0xFFFFFFE0] =	vst v10  }
0xbd: {  	[tilespmem:s26+$0x70] =	vst v11;
	v10 =	vmax.f32 v14, $0.0e+00;
	v11 =	vld [tilespmem:s29+$0xFFFFFFF0]  }
0xbe: {  	s17 =	simm.s32 $0x14180;
	s16 =	simm.s32 $0x4;
	[tilespmem:s28+$0xFFFFFFA0] =	vst v10;
	v10 =	vld [tilespmem:s18+$0x70];
	s29 =	simm.s32 $0x1A080;
	v14 =	vmax.f32 v16, $0.0e+00  }
.LBB2_5:
0xbf: {  	v16 =	vld [tilespmem:s17+$0x0];
	v12 =	vadd.f32 v12, v3;
	[tilespmem:s18+$0x60] =	vst v14;
	v3 =	vmov v8  }
0xc0: {  	s5 =	sadd.s32 $0x100, s5;
	v8 =	vld [tilespmem:s8+$0x70]  }
0xc1: {  	s16 =	sadd.s32 $0x2, s16;
	v14 =	vld [tilespmem:s5+$0x0];
	v13 =	vadd.f32 v15, v13;
	v12 =	vmax.f32 v12, $0.0e+00  }
0xc2: {  	p0 =	slt.u32 s16, $0x5E;
	v15 =	vld [tilespmem:s5+$0xFFFFFF80];
	[tilespmem:s18+$0xFFFFFFD0] =	vst v12;
	v11 =	vadd.f32 v11, v1;
	v1 =	vmov v2;
	v2 =	vmov v9  }
0xc3: {  	v9 =	vld [tilespmem:s17+$0xFFFFFF80];
	v12 =	vmax.f32 v13, $0.0e+00  }
0xc4: {  	[tilespmem:s28+$0x30] =	vst v12;
	v12 =	vld [tilespmem:s28+$0x40];
	v11 =	vmax.f32 v11, $0.0e+00  }
0xc5: {  	v13 =	vld [tilespmem:s29+$0x40];
	v8 =	vadd.f32 v8, v10;
	[tilespmem:s26+$0xFFFFFFF0] =	vst v11;
	s26 =	smov.u32 s18;
	s18 =	smov.u32 s28;
	s28 =	smov.u32 s17  }
0xc6: {  	v10 =	vld [tilespmem:s17+$0xFFFFFF90];
	v11 =	vadd.f32 v14, v16  }
0xc7: {  	v14 =	vld [tilespmem:s17+$0xFFFFFFA0];
	v8 =	vmax.f32 v8, $0.0e+00  }
0xc8: {  	v9 =	vadd.f32 v15, v9;
	v11 =	vmax.f32 v11, $0.0e+00;
	v15 =	vld [tilespmem:s29+$0xFFFFFFB0];
	[tilespmem:s26+$0x70] =	vst v8  }
0xc9: {  	[tilespmem:s17+$0x0] =	vst v11;
	v8 =	vld [tilespmem:s17+$0x10]  }
0xca: {  	v9 =	vmax.f32 v9, $0.0e+00;
	v11 =	vld [tilespmem:s5+$0x10];
	v12 =	vadd.f32 v13, v12  }
0xcb: {  	[tilespmem:s17+$0xFFFFFF80] =	vst v9;
	v9 =	vld [tilespmem:s17+$0xFFFFFFB0]  }
0xcc: {  	v13 =	vld [tilespmem:s5+$0xFFFFFF90];
	v12 =	vmax.f32 v12, $0.0e+00  }
0xcd: {  	v18 =	vadd.f32 v15, v7;
	[tilespmem:s18+$0x40] =	vst v12;
	v12 =	vld [tilespmem:s18+$0x50]  }
0xce: {  	v15 =	vld [tilespmem:s29+$0x50]  }
0xcf: {  	v16 =	vld [tilespmem:s17+$0xFFFFFFC0];
	v11 =	vadd.f32 v11, v8;
	v17 =	vmax.f32 v18, $0.0e+00  }
0xd0: {  	v8 =	vld [tilespmem:s17+$0xFFFFFFD0];
	[tilespmem:s18+$0xFFFFFFB0] =	vst v17;
	v7 =	vmov v9  }
0xd1: {  	v9 =	vadd.f32 v13, v10;
	v10 =	vmax.f32 v11, $0.0e+00;
	v11 =	vld [tilespmem:s29+$0xFFFFFFC0]  }
0xd2: {  	[tilespmem:s17+$0x10] =	vst v10;
	v10 =	vld [tilespmem:s17+$0x20]  }
0xd3: {  	v9 =	vmax.f32 v9, $0.0e+00;
	v13 =	vld [tilespmem:s5+$0x20];
	v12 =	vadd.f32 v15, v12  }
0xd4: {  	[tilespmem:s17+$0xFFFFFF90] =	vst v9;
	v15 =	vld [tilespmem:s8+$0xFFFFFFE0]  }
0xd5: {  	v17 =	vld [tilespmem:s5+$0xFFFFFFA0];
	v9 =	vmax.f32 v12, $0.0e+00  }
0xd6: {  	v11 =	vadd.f32 v11, v5;
	[tilespmem:s18+$0x50] =	vst v9;
	v18 =	vld [tilespmem:s18+$0x60];
	v5 =	vmov v16  }
0xd7: {  	v16 =	vld [tilespmem:s29+$0x60]  }
0xd8: {  	v19 =	vld [tilespmem:s17+$0xFFFFFFE0];
	v10 =	vadd.f32 v13, v10;
	v11 =	vmax.f32 v11, $0.0e+00  }
0xd9: {  	v9 =	vld [tilespmem:s17+$0xFFFFFFF0];
	[tilespmem:s18+$0xFFFFFFC0] =	vst v11;
	v11 =	vadd.f32 v15, v4;
	v4 =	vmov v6  }
.Ltmp1:
0xda: {  	v20 =	vadd.f32 v17, v14;
	v10 =	vmax.f32 v10, $0.0e+00;
	v12 =	vld [tilespmem:s29+$0xFFFFFFD0];
	(pc) =	sbr.rel @p0 .LBB2_5-.Ltmp1, $4  }
0xdb: {  	[tilespmem:s17+$0x20] =	vst v10;
	v13 =	vld [tilespmem:s17+$0x30];
	v10 =	vmax.f32 v11, $0.0e+00  }
0xdc: {  	v17 =	vmax.f32 v20, $0.0e+00;
	v15 =	vld [tilespmem:s5+$0x30];
	v14 =	vadd.f32 v16, v18;
	[tilespmem:s26+$0xFFFFFFE0] =	vst v10  }
0xdd: {  	[tilespmem:s17+$0xFFFFFFA0] =	vst v17;
	v11 =	vld [tilespmem:s8+$0xFFFFFFF0];
	v6 =	vmov v19;
	s8 =	smov.u32 s29;
	s29 =	smov.u32 s5  }
0xde: {  	s17 =	sadd.s32 $0x100, s17;
	v14 =	vmax.f32 v14, $0.0e+00;
	v10 =	vld [tilespmem:s18+$0x70]  }
0xdf: {  	v16 =	vld [tilespmem:s29+$0xFFFFFFB0];
	_ =	sdelay $0x3  }
0xe0: {  	v13 =	vadd.f32 v15, v13  }
0xe1: {  	v7 =	vadd.f32 v16, v7  }
0xe2: {  	v13 =	vmax.f32 v13, $0.0e+00  }
0xe3: {  	[tilespmem:s28+$0x30] =	vst v13;
	v13 =	vld [tilespmem:s28+$0x40];
	v7 =	vmax.f32 v7, $0.0e+00  }
0xe4: {  	v15 =	vld [tilespmem:s29+$0x40];
	[tilespmem:s28+$0xFFFFFFB0] =	vst v7  }
0xe5: {  	v7 =	vld [tilespmem:s29+$0xFFFFFFC0];
	_ =	sdelay $0x3  }
0xe6: {  	v13 =	vadd.f32 v15, v13  }
0xe7: {  	v5 =	vadd.f32 v7, v5  }
0xe8: {  	v13 =	vmax.f32 v13, $0.0e+00  }
0xe9: {  	[tilespmem:s28+$0x40] =	vst v13;
	v7 =	vld [tilespmem:s28+$0x50];
	v5 =	vmax.f32 v5, $0.0e+00  }
0xea: {  	v13 =	vld [tilespmem:s29+$0x50];
	[tilespmem:s28+$0xFFFFFFC0] =	vst v5  }
0xeb: {  	v5 =	vld [tilespmem:s29+$0xFFFFFFD0];
	_ =	sdelay $0x1  }
0xec: {  	v3 =	vadd.f32 v12, v3;
	_ =	sdelay $0x1  }
0xed: {  	v3 =	vmax.f32 v3, $0.0e+00;
	v7 =	vadd.f32 v13, v7  }
0xee: {  	[tilespmem:s18+$0xFFFFFFD0] =	vst v3;
	v5 =	vadd.f32 v5, v8  }
0xef: {  	v3 =	vmax.f32 v7, $0.0e+00;
	v7 =	vld [tilespmem:s8+$0xFFFFFFE0]  }
0xf0: {  	[tilespmem:s28+$0x50] =	vst v3;
	v3 =	vld [tilespmem:s28+$0x60];
	v5 =	vmax.f32 v5, $0.0e+00  }
0xf1: {  	v8 =	vld [tilespmem:s29+$0x60];
	[tilespmem:s28+$0xFFFFFFD0] =	vst v5  }
0xf2: {  	v5 =	vld [tilespmem:s29+$0xFFFFFFE0];
	_ =	sdelay $0x2  }
0xf3: {  	v4 =	vadd.f32 v7, v4  }
0xf4: {  	[tilespmem:s18+$0x60] =	vst v14;
	v3 =	vadd.f32 v8, v3  }
0xf5: {  	v7 =	vld [tilespmem:s8+$0x70];
	v4 =	vmax.f32 v4, $0.0e+00;
	v5 =	vadd.f32 v5, v6  }
0xf6: {  	[tilespmem:s18+$0xFFFFFFE0] =	vst v4;
	v4 =	vld [tilespmem:s28+$0x70];
	v3 =	vmax.f32 v3, $0.0e+00  }
0xf7: {  	v6 =	vld [tilespmem:s8+$0xFFFFFFF0];
	[tilespmem:s28+$0x60] =	vst v3;
	v3 =	vmax.f32 v5, $0.0e+00  }
0xf8: {  	v5 =	vld [tilespmem:s29+$0x70];
	[tilespmem:s28+$0xFFFFFFE0] =	vst v3  }
0xf9: {  	v3 =	vld [tilespmem:s29+$0xFFFFFFF0]  }
0xfa: {  	v1 =	vadd.f32 v11, v1  }
0xfb: {  	v7 =	vadd.f32 v7, v10  }
0xfc: {  	v1 =	vmax.f32 v1, $0.0e+00;
	v2 =	vadd.f32 v6, v2  }
0xfd: {  	[tilespmem:s26+$0xFFFFFFF0] =	vst v1;
	v1 =	vmax.f32 v7, $0.0e+00;
	v4 =	vadd.f32 v5, v4  }
0xfe: {  	[tilespmem:s18+$0x70] =	vst v1;
	v1 =	vmax.f32 v2, $0.0e+00;
	v2 =	vadd.f32 v3, v9  }
0xff: {  	[tilespmem:s18+$0xFFFFFFF0] =	vst v1;
	v1 =	vmax.f32 v4, $0.0e+00  }
0x100: {  	[tilespmem:s28+$0x70] =	vst v1;
	v1 =	vmax.f32 v2, $0.0e+00  }
0x101: {  	[tilespmem:s28+$0xFFFFFFF0] =	vst v1  }
0x102: {  	_ =	swait.ge [sflag:s11], $0x60  }
0x103: {  	[sflag:s11] =	ssyncset.done $0x0  }
0x104: {  	[sflag:s11] =	ssyncadd.s32 $0xFFFFFFA0  }
0x105: {  	[spmem:s3] =	stream.indirect.scatter.add.f32 [tilespmem:s0], [sflag:$0x7], $0x80, s4, s31, $0xb8;
	[tilespmem:$0x1FE00] =	vst v63  }
0x106: {  	s5 =	sor.u32 $0x1, s25;
	_ =	swait.ge [sflag:s12], $0x3000  }
0x107: {  	p0 =	sge.u32 s5, s20;
	[sflag:s12] =	ssyncset.done $0x0  }
0x108: {  	s16 =	smul.u32 @!p0 $0xC0, s24;
	s8 =	simm.s32 @!p0 $0x9;
	[sflag:s12] =	ssyncadd.s32 $0xFFFFD000  }
0x109: {  	_ =	swait.ge @!p0 [sflag:s8], $0x60  }
0x10a: {  	s17 =	simm.s32 @!p0 $0x13C00;
	s16 =	sadd.s32 @!p0 s16, s22;
	[sflag:s8] =	ssyncset.done @!p0 $0x0  }
0x10b: {  	s18 =	simm.s32 @!p0 $0x13E00;
	[sflag:s8] =	ssyncadd.s32 @!p0 $0xFFFFFFA0;
	s8 =	simm.s32 @!p0 $0x60  }
0x10c: {  	[tilespmem:s18], [sflag:$0x1] =	stream.indirect.gather @!p0 [hbm4b:s1+s8], $0x80, s17, s8, $0xb8;
	[tilespmem:$0x1FE00] =	vst v63  }
0x10d: {  	s8 =	sshll.u32 @!p0 s16, $0x4  }
0x10e: {  	s17 =	simm.s32 @!p0 $0x0;
	s18 =	simm.s32 @!p0 $0x19E00;
	s8 =	sadd.s32 @!p0 s6, s8  }
0x10f: {  	[tilespmem:s18], [sflag:$0x3] =	stream.linear.gather @!p0 [hbm4b:s8+s17], $0x3000, $0x38;
	[tilespmem:$0x1FE00] =	vst v63  }
0x110: {  	s8 =	sshrl.u32 @!p0 s16, $0x3  }
0x111: {  	s16 =	simm.s32 @!p0 $0x13D00;
	s8 =	sadd.s32 @!p0 s7, s8  }
0x112: {  	[tilespmem:s16], [sflag:$0x5] =	stream.linear.gather @!p0 [hbm4b:s8+s17], $0x60, $0x38;
	[tilespmem:$0x1FE00] =	vst v63  }
0x113: {  	p0 =	sge.u32 s5, s21;
	_ =	swait.ge [sflag:s13], $0x3000  }
0x114: {  	s5 =	smul.u32 @!p0 $0xC0, s24;
	[sflag:s13] =	ssyncset.done $0x0  }
0x115: {  	[sflag:s13] =	ssyncadd.s32 $0xFFFFD000  }
0x116: {  	s25 =	simm.s32 $0x16EF0;
	s5 =	sadd.s32 @!p0 s5, s23;
	_ =	swait.ge [sflag:s30], $0x3000  }
0x117: {  	s8 =	simm.s32 @!p0 $0x0;
	s5 =	sshrl.u32 @!p0 s5, $0x3;
	[sflag:s30] =	ssyncset.done $0x0  }
0x118: {  	s16 =	simm.s32 @!p0 $0x13C80;
	s5 =	sadd.s32 @!p0 s2, s5;
	[sflag:s30] =	ssyncadd.s32 $0xFFFFD000  }
0x119: {  	[tilespmem:s16], [sflag:$0xA] =	stream.linear.gather @!p0 [hbm4b:s5+s8], $0x60, $0x38;
	[tilespmem:$0x1FE00] =	vst v63  }
0x11a: {  	s28 =	simm.s32 $0x1CEF0;
	v1 =	vld [tilespmem:s25+$0xFFFFFF90]  }
0x11b: {  	v2 =	vld [tilespmem:s28+$0xFFFFFF90];
	_ =	sdelay $0x4  }
0x11c: {  	v1 =	vadd.f32 v2, v1;
	_ =	sdelay $0x1  }
0x11d: {  	v1 =	vmax.f32 v1, $0.0e+00  }
0x11e: {  	[tilespmem:s25+$0xFFFFFF90] =	vst v1;
	v1 =	vld [tilespmem:s25+$0xFFFFFFA0]  }
0x11f: {  	v2 =	vld [tilespmem:s28+$0xFFFFFFA0];
	_ =	sdelay $0x3  }
0x120: {  	v3 =	vld [tilespmem:s25+$0xFFFFFF10]  }
0x121: {  	v1 =	vadd.f32 v2, v1;
	v2 =	vld [tilespmem:s28+$0xFFFFFF10];
	_ =	sdelay $0x1  }
0x122: {  	v1 =	vmax.f32 v1, $0.0e+00  }
0x123: {  	[tilespmem:s25+$0xFFFFFFA0] =	vst v1;
	v1 =	vld [tilespmem:s25+$0xFFFFFFB0]  }
0x124: {  	v4 =	vld [tilespmem:s28+$0xFFFFFFB0]  }
0x125: {  	s18 =	simm.s32 $0x16FF0;
	v5 =	vld [tilespmem:s25+$0xFFFFFF30];
	v2 =	vadd.f32 v2, v3  }
0x126: {  	v7 =	vld [tilespmem:s18+$0xFFFFFF90]  }
0x127: {  	v8 =	vld [tilespmem:s25+$0xFFFFFF50];
	v2 =	vmax.f32 v2, $0.0e+00  }
0x128: {  	v3 =	vld [tilespmem:s25+$0xFFFFFF20];
	[tilespmem:s25+$0xFFFFFF10] =	vst v2  }
0x129: {  	v1 =	vadd.f32 v4, v1;
	v2 =	vld [tilespmem:s28+$0xFFFFFF20]  }
0x12a: {  	v9 =	vld [tilespmem:s25+$0xFFFFFF60]  }
0x12b: {  	v10 =	vld [tilespmem:s25+$0xFFFFFFD0];
	v1 =	vmax.f32 v1, $0.0e+00  }
0x12c: {  	[tilespmem:s25+$0xFFFFFFB0] =	vst v1;
	v1 =	vld [tilespmem:s25+$0xFFFFFFC0]  }
0x12d: {  	v6 =	vld [tilespmem:s28+$0xFFFFFFC0]  }
0x12e: {  	s8 =	simm.s32 $0x1CFF0;
	v11 =	vld [tilespmem:s18+$0xFFFFFFA0];
	v2 =	vadd.f32 v2, v3  }
0x12f: {  	v3 =	vld [tilespmem:s8+$0xFFFFFF90]  }
0x130: {  	s5 =	simm.s32 $0x1D0F0;
	v13 =	vld [tilespmem:s25+$0xFFFFFF70];
	v2 =	vmax.f32 v2, $0.0e+00  }
0x131: {  	v17 =	vld [tilespmem:s5+$0xFFFFFF10];
	[tilespmem:s25+$0xFFFFFF20] =	vst v2  }
0x132: {  	v1 =	vadd.f32 v6, v1;
	v2 =	vld [tilespmem:s28+$0xFFFFFF30]  }
0x133: {  	v6 =	vld [tilespmem:s8+$0xFFFFFF10]  }
0x134: {  	s26 =	simm.s32 $0x170F0;
	v3 =	vadd.f32 v3, v7;
	v7 =	vld [tilespmem:s18+$0xFFFFFF10];
	v1 =	vmax.f32 v1, $0.0e+00  }
0x135: {  	v18 =	vld [tilespmem:s26+$0xFFFFFF10];
	[tilespmem:s25+$0xFFFFFFC0] =	vst v1  }
0x136: {  	v1 =	vmax.f32 v3, $0.0e+00;
	v3 =	vld [tilespmem:s28+$0xFFFFFFD0]  }
0x137: {  	v19 =	vld [tilespmem:s26+$0xFFFFFF20];
	[tilespmem:s18+$0xFFFFFF90] =	vst v1  }
0x138: {  	v12 =	vld [tilespmem:s8+$0xFFFFFFA0];
	v2 =	vadd.f32 v2, v5  }
0x139: {  	v63 =	vld [tilespmem:s18+$0xFFFFFFF0];
	v5 =	vadd.f32 v6, v7  }
0x13a: {  	v4 =	vld [tilespmem:s25+$0xFFFFFF40];
	v2 =	vmax.f32 v2, $0.0e+00  }
0x13b: {  	v6 =	vld [tilespmem:s18+$0xFFFFFF20];
	[tilespmem:s25+$0xFFFFFF30] =	vst v2;
	v2 =	vmax.f32 v5, $0.0e+00;
	v3 =	vadd.f32 v3, v10  }
0x13c: {  	v5 =	vld [tilespmem:s28+$0xFFFFFF40];
	[tilespmem:s18+$0xFFFFFF10] =	vst v2  }
0x13d: {  	v10 =	vld [tilespmem:s8+$0xFFFFFF20];
	v2 =	vmax.f32 v3, $0.0e+00;
	v3 =	vadd.f32 v12, v11  }
0x13e: {  	v12 =	vld [tilespmem:s18+$0xFFFFFFB0]  }
0x13f: {  	[tilespmem:s25+$0xFFFFFFD0] =	vst v2;
	v2 =	vld [tilespmem:s25+$0xFFFFFFE0];
	v3 =	vmax.f32 v3, $0.0e+00  }
0x140: {  	v11 =	vld [tilespmem:s28+$0xFFFFFFE0];
	[tilespmem:s18+$0xFFFFFFA0] =	vst v3  }
0x141: {  	v3 =	vadd.f32 v5, v4;
	v14 =	vld [tilespmem:s8+$0xFFFFFFB0]  }
0x142: {  	v1 =	vld [tilespmem:s25+$0xFFFFFF80]  }
0x143: {  	v7 =	vld [tilespmem:s18+$0xFFFFFF30];
	v4 =	vadd.f32 v10, v6;
	v10 =	vmax.f32 v3, $0.0e+00  }
0x144: {  	v5 =	vld [tilespmem:s18+$0xFFFFFF40];
	[tilespmem:s25+$0xFFFFFF40] =	vst v10  }
0x145: {  	v2 =	vadd.f32 v11, v2;
	v11 =	vld [tilespmem:s28+$0xFFFFFF50]  }
0x146: {  	v6 =	vld [tilespmem:s18+$0xFFFFFF50];
	v4 =	vmax.f32 v4, $0.0e+00;
	v10 =	vadd.f32 v14, v12  }
0x147: {  	v3 =	vld [tilespmem:s18+$0xFFFFFF60];
	[tilespmem:s18+$0xFFFFFF20] =	vst v4;
	v2 =	vmax.f32 v2, $0.0e+00  }
0x148: {  	v4 =	vld [tilespmem:s18+$0xFFFFFF70];
	[tilespmem:s25+$0xFFFFFFE0] =	vst v2;
	v2 =	vmax.f32 v10, $0.0e+00  }
0x149: {  	v14 =	vld [tilespmem:s18+$0xFFFFFFC0];
	[tilespmem:s18+$0xFFFFFFB0] =	vst v2  }
0x14a: {  	v8 =	vadd.f32 v11, v8;
	v15 =	vld [tilespmem:s8+$0xFFFFFFC0]  }
0x14b: {  	v12 =	vld [tilespmem:s8+$0xFFFFFF30]  }
0x14c: {  	v11 =	vld [tilespmem:s26+$0xFFFFFF90];
	v8 =	vmax.f32 v8, $0.0e+00  }
0x14d: {  	[tilespmem:s25+$0xFFFFFF50] =	vst v8;
	v8 =	vld [tilespmem:s5+$0xFFFFFF90]  }
0x14e: {  	v10 =	vld [tilespmem:s25+$0xFFFFFFF0]  }
0x14f: {  	v16 =	vld [tilespmem:s28+$0xFFFFFFF0];
	v14 =	vadd.f32 v15, v14  }
0x150: {  	v2 =	vld [tilespmem:s18+$0xFFFFFF80]  }
0x151: {  	v7 =	vadd.f32 v12, v7;
	v12 =	vld [tilespmem:s18+$0xFFFFFFD0];
	v14 =	vmax.f32 v14, $0.0e+00  }
0x152: {  	v15 =	vld [tilespmem:s28+$0xFFFFFF60];
	v8 =	vadd.f32 v8, v11;
	[tilespmem:s18+$0xFFFFFFC0] =	vst v14  }
0x153: {  	v7 =	vmax.f32 v7, $0.0e+00;
	v14 =	vld [tilespmem:s8+$0xFFFFFFD0]  }
0x154: {  	[tilespmem:s18+$0xFFFFFF30] =	vst v7;
	v11 =	vld [tilespmem:s25+$0x0];
	v7 =	vmax.f32 v8, $0.0e+00;
	v8 =	vadd.f32 v16, v10  }
0x155: {  	v10 =	vld [tilespmem:s8+$0xFFFFFF40]  }
0x156: {  	v16 =	vld [tilespmem:s26+$0xFFFFFFA0];
	[tilespmem:s26+$0xFFFFFF90] =	vst v7;
	v7 =	vadd.f32 v17, v18;
	v8 =	vmax.f32 v8, $0.0e+00  }
0x157: {  	v17 =	vld [tilespmem:s5+$0xFFFFFFA0];
	[tilespmem:s25+$0xFFFFFFF0] =	vst v8  }
0x158: {  	v7 =	vmax.f32 v7, $0.0e+00;
	v62 =	vld [tilespmem:s28+$0x0];
	v12 =	vadd.f32 v14, v12  }
0x159: {  	[tilespmem:s26+$0xFFFFFF10] =	vst v7;
	v14 =	vld [tilespmem:s26+$0xFFFFFF30]  }
0x15a: {  	v8 =	vld [tilespmem:s5+$0xFFFFFF20];
	v7 =	vmax.f32 v12, $0.0e+00  }
0x15b: {  	v5 =	vadd.f32 v10, v5;
	v10 =	vld [tilespmem:s18+$0xFFFFFFE0];
	[tilespmem:s18+$0xFFFFFFD0] =	vst v7  }
0x15c: {  	v16 =	vadd.f32 v17, v16;
	v12 =	vld [tilespmem:s8+$0xFFFFFFE0]  }
0x15d: {  	v5 =	vmax.f32 v5, $0.0e+00;
	v17 =	vld [tilespmem:s26+$0xFFFFFFB0]  }
0x15e: {  	v9 =	vadd.f32 v15, v9;
	v7 =	vld [tilespmem:s26+$0xFFFFFF40];
	[tilespmem:s18+$0xFFFFFF40] =	vst v5;
	v16 =	vmax.f32 v16, $0.0e+00  }
0x15f: {  	v15 =	vld [tilespmem:s8+$0xFFFFFF50];
	[tilespmem:s26+$0xFFFFFFA0] =	vst v16;
	v16 =	vadd.f32 v8, v19  }
0x160: {  	v5 =	vld [tilespmem:s26+$0xFFFFFF50];
	v8 =	vmax.f32 v9, $0.0e+00  }
0x161: {  	v9 =	vld [tilespmem:s5+$0xFFFFFFB0];
	[tilespmem:s25+$0xFFFFFF60] =	vst v8;
	v10 =	vadd.f32 v12, v10;
	v12 =	vmax.f32 v16, $0.0e+00  }
0x162: {  	[tilespmem:s26+$0xFFFFFF20] =	vst v12;
	v12 =	vld [tilespmem:s28+$0xFFFFFF70]  }
0x163: {  	v8 =	vld [tilespmem:s26+$0xFFFFFF60];
	v10 =	vmax.f32 v10, $0.0e+00  }
0x164: {  	v16 =	vld [tilespmem:s5+$0xFFFFFF30];
	[tilespmem:s18+$0xFFFFFFE0] =	vst v10;
	v10 =	vadd.f32 v15, v6  }
0x165: {  	v20 =	vld [tilespmem:s8+$0xFFFFFFF0]  }
0x166: {  	v15 =	vadd.f32 v9, v17;
	v6 =	vld [tilespmem:s26+$0xFFFFFF70];
	v9 =	vmax.f32 v10, $0.0e+00  }
0x167: {  	[tilespmem:s18+$0xFFFFFF50] =	vst v9;
	v10 =	vadd.f32 v12, v13;
	v9 =	vld [tilespmem:s26+$0xFFFFFF80]  }
0x168: {  	v11 =	vadd.f32 v62, v11;
	v13 =	vmax.f32 v15, $0.0e+00;
	v12 =	vld [tilespmem:s8+$0xFFFFFF60]  }
0x169: {  	[tilespmem:s26+$0xFFFFFFB0] =	vst v13;
	v14 =	vadd.f32 v16, v14;
	v13 =	vld [tilespmem:s26+$0xFFFFFFC0];
	v10 =	vmax.f32 v10, $0.0e+00  }
0x16a: {  	v11 =	vmax.f32 v11, $0.0e+00;
	v15 =	vld [tilespmem:s5+$0xFFFFFFC0];
	v16 =	vadd.f32 v20, v63;
	[tilespmem:s25+$0xFFFFFF70] =	vst v10  }
0x16b: {  	[tilespmem:s25+$0x0] =	vst v11;
	v10 =	vmax.f32 v14, $0.0e+00;
	v11 =	vld [tilespmem:s28+$0xFFFFFF80]  }
0x16c: {  	s17 =	simm.s32 $0x171F0;
	s16 =	simm.s32 $0x4;
	[tilespmem:s26+$0xFFFFFF30] =	vst v10;
	v10 =	vld [tilespmem:s18+$0x0];
	s28 =	simm.s32 $0x1D0F0;
	v14 =	vmax.f32 v16, $0.0e+00  }
.LBB2_7:
0x16d: {  	v16 =	vld [tilespmem:s17+$0xFFFFFF90];
	v12 =	vadd.f32 v12, v3;
	[tilespmem:s18+$0xFFFFFFF0] =	vst v14;
	v3 =	vmov v8  }
0x16e: {  	s5 =	sadd.s32 $0x100, s5;
	v8 =	vld [tilespmem:s8+$0x0]  }
0x16f: {  	s16 =	sadd.s32 $0x2, s16;
	v14 =	vld [tilespmem:s5+$0xFFFFFF90];
	v13 =	vadd.f32 v15, v13;
	v12 =	vmax.f32 v12, $0.0e+00  }
0x170: {  	p0 =	slt.u32 s16, $0x5E;
	v15 =	vld [tilespmem:s5+$0xFFFFFF10];
	[tilespmem:s18+$0xFFFFFF60] =	vst v12;
	v11 =	vadd.f32 v11, v1;
	v1 =	vmov v2;
	v2 =	vmov v9  }
0x171: {  	v9 =	vld [tilespmem:s17+$0xFFFFFF10];
	v12 =	vmax.f32 v13, $0.0e+00  }
0x172: {  	[tilespmem:s26+$0xFFFFFFC0] =	vst v12;
	v12 =	vld [tilespmem:s26+$0xFFFFFFD0];
	v11 =	vmax.f32 v11, $0.0e+00  }
0x173: {  	v13 =	vld [tilespmem:s28+$0xFFFFFFD0];
	v8 =	vadd.f32 v8, v10;
	[tilespmem:s25+$0xFFFFFF80] =	vst v11;
	s25 =	smov.u32 s18;
	s18 =	smov.u32 s26;
	s26 =	smov.u32 s17  }
0x174: {  	v10 =	vld [tilespmem:s17+$0xFFFFFF20];
	v11 =	vadd.f32 v14, v16  }
0x175: {  	v14 =	vld [tilespmem:s17+$0xFFFFFF30];
	v8 =	vmax.f32 v8, $0.0e+00  }
0x176: {  	v9 =	vadd.f32 v15, v9;
	v11 =	vmax.f32 v11, $0.0e+00;
	v15 =	vld [tilespmem:s28+$0xFFFFFF40];
	[tilespmem:s25+$0x0] =	vst v8  }
0x177: {  	[tilespmem:s17+$0xFFFFFF90] =	vst v11;
	v8 =	vld [tilespmem:s17+$0xFFFFFFA0]  }
0x178: {  	v9 =	vmax.f32 v9, $0.0e+00;
	v11 =	vld [tilespmem:s5+$0xFFFFFFA0];
	v12 =	vadd.f32 v13, v12  }
0x179: {  	[tilespmem:s17+$0xFFFFFF10] =	vst v9;
	v9 =	vld [tilespmem:s17+$0xFFFFFF40]  }
0x17a: {  	v13 =	vld [tilespmem:s5+$0xFFFFFF20];
	v12 =	vmax.f32 v12, $0.0e+00  }
0x17b: {  	v18 =	vadd.f32 v15, v7;
	[tilespmem:s18+$0xFFFFFFD0] =	vst v12;
	v12 =	vld [tilespmem:s18+$0xFFFFFFE0]  }
0x17c: {  	v15 =	vld [tilespmem:s28+$0xFFFFFFE0]  }
0x17d: {  	v16 =	vld [tilespmem:s17+$0xFFFFFF50];
	v11 =	vadd.f32 v11, v8;
	v17 =	vmax.f32 v18, $0.0e+00  }
0x17e: {  	v8 =	vld [tilespmem:s17+$0xFFFFFF60];
	[tilespmem:s18+$0xFFFFFF40] =	vst v17;
	v7 =	vmov v9  }
0x17f: {  	v9 =	vadd.f32 v13, v10;
	v10 =	vmax.f32 v11, $0.0e+00;
	v11 =	vld [tilespmem:s28+$0xFFFFFF50]  }
0x180: {  	[tilespmem:s17+$0xFFFFFFA0] =	vst v10;
	v10 =	vld [tilespmem:s17+$0xFFFFFFB0]  }
0x181: {  	v9 =	vmax.f32 v9, $0.0e+00;
	v13 =	vld [tilespmem:s5+$0xFFFFFFB0];
	v12 =	vadd.f32 v15, v12  }
0x182: {  	[tilespmem:s17+$0xFFFFFF20] =	vst v9;
	v15 =	vld [tilespmem:s8+$0xFFFFFF70]  }
0x183: {  	v17 =	vld [tilespmem:s5+$0xFFFFFF30];
	v9 =	vmax.f32 v12, $0.0e+00  }
0x184: {  	v11 =	vadd.f32 v11, v5;
	[tilespmem:s18+$0xFFFFFFE0] =	vst v9;
	v18 =	vld [tilespmem:s18+$0xFFFFFFF0];
	v5 =	vmov v16  }
0x185: {  	v16 =	vld [tilespmem:s28+$0xFFFFFFF0]  }
0x186: {  	v19 =	vld [tilespmem:s17+$0xFFFFFF70];
	v10 =	vadd.f32 v13, v10;
	v11 =	vmax.f32 v11, $0.0e+00  }
0x187: {  	v9 =	vld [tilespmem:s17+$0xFFFFFF80];
	[tilespmem:s18+$0xFFFFFF50] =	vst v11;
	v11 =	vadd.f32 v15, v4;
	v4 =	vmov v6  }
.Ltmp2:
0x188: {  	v20 =	vadd.f32 v17, v14;
	v10 =	vmax.f32 v10, $0.0e+00;
	v12 =	vld [tilespmem:s28+$0xFFFFFF60];
	(pc) =	sbr.rel @p0 .LBB2_7-.Ltmp2, $4  }
0x189: {  	[tilespmem:s17+$0xFFFFFFB0] =	vst v10;
	v13 =	vld [tilespmem:s17+$0xFFFFFFC0];
	v10 =	vmax.f32 v11, $0.0e+00  }
0x18a: {  	v17 =	vmax.f32 v20, $0.0e+00;
	v15 =	vld [tilespmem:s5+$0xFFFFFFC0];
	v14 =	vadd.f32 v16, v18;
	[tilespmem:s25+$0xFFFFFF70] =	vst v10  }
0x18b: {  	[tilespmem:s17+$0xFFFFFF30] =	vst v17;
	v11 =	vld [tilespmem:s8+$0xFFFFFF80];
	v6 =	vmov v19;
	s8 =	smov.u32 s28;
	s28 =	smov.u32 s5  }
0x18c: {  	s17 =	sadd.s32 $0x100, s17;
	v14 =	vmax.f32 v14, $0.0e+00;
	v10 =	vld [tilespmem:s18+$0x0]  }
0x18d: {  	v16 =	vld [tilespmem:s28+$0xFFFFFF40];
	_ =	sdelay $0x3  }
0x18e: {  	v13 =	vadd.f32 v15, v13  }
0x18f: {  	v7 =	vadd.f32 v16, v7  }
0x190: {  	v13 =	vmax.f32 v13, $0.0e+00  }
0x191: {  	v55 =	vld [tilespmem:s26+$0xFFFFFFD0];
	[tilespmem:s26+$0xFFFFFFC0] =	vst v13;
	v7 =	vmax.f32 v7, $0.0e+00  }
0x192: {  	v56 =	vld [tilespmem:s28+$0xFFFFFFD0];
	[tilespmem:s26+$0xFFFFFF40] =	vst v7  }
0x193: {  	v7 =	vld [tilespmem:s28+$0xFFFFFF50];
	_ =	sdelay $0x3  }
0x194: {  	v13 =	vadd.f32 v56, v55  }
0x195: {  	v5 =	vadd.f32 v7, v5  }
0x196: {  	v13 =	vmax.f32 v13, $0.0e+00  }
0x197: {  	v57 =	vld [tilespmem:s26+$0xFFFFFFE0];
	[tilespmem:s26+$0xFFFFFFD0] =	vst v13;
	v5 =	vmax.f32 v5, $0.0e+00  }
0x198: {  	v13 =	vld [tilespmem:s28+$0xFFFFFFE0];
	[tilespmem:s26+$0xFFFFFF50] =	vst v5  }
0x199: {  	v5 =	vld [tilespmem:s28+$0xFFFFFF60];
	_ =	sdelay $0x1  }
0x19a: {  	v3 =	vadd.f32 v12, v3;
	_ =	sdelay $0x1  }
0x19b: {  	v3 =	vmax.f32 v3, $0.0e+00;
	v7 =	vadd.f32 v13, v57  }
0x19c: {  	[tilespmem:s18+$0xFFFFFF60] =	vst v3;
	v5 =	vadd.f32 v5, v8  }
0x19d: {  	v58 =	vld [tilespmem:s8+$0xFFFFFF70];
	v3 =	vmax.f32 v7, $0.0e+00  }
0x19e: {  	[tilespmem:s26+$0xFFFFFFE0] =	vst v3;
	v3 =	vld [tilespmem:s26+$0xFFFFFFF0];
	v5 =	vmax.f32 v5, $0.0e+00  }
0x19f: {  	v59 =	vld [tilespmem:s28+$0xFFFFFFF0];
	[tilespmem:s26+$0xFFFFFF60] =	vst v5  }
0x1a0: {  	v5 =	vld [tilespmem:s28+$0xFFFFFF70];
	_ =	sdelay $0x2  }
0x1a1: {  	v4 =	vadd.f32 v58, v4  }
0x1a2: {  	v3 =	vadd.f32 v59, v3  }
0x1a3: {  	[tilespmem:s18+$0xFFFFFFF0] =	vst v14;
	v61 =	vld [tilespmem:s26+$0x0];
	v4 =	vmax.f32 v4, $0.0e+00;
	v5 =	vadd.f32 v5, v6  }
0x1a4: {  	v60 =	vld [tilespmem:s8+$0x0];
	[tilespmem:s18+$0xFFFFFF70] =	vst v4;
	v3 =	vmax.f32 v3, $0.0e+00  }
0x1a5: {  	v62 =	vld [tilespmem:s8+$0xFFFFFF80];
	[tilespmem:s26+$0xFFFFFFF0] =	vst v3;
	v3 =	vmax.f32 v5, $0.0e+00  }
0x1a6: {  	v63 =	vld [tilespmem:s28+$0x0];
	[tilespmem:s26+$0xFFFFFF70] =	vst v3  }
0x1a7: {  	v3 =	vld [tilespmem:s28+$0xFFFFFF80]  }
0x1a8: {  	v1 =	vadd.f32 v11, v1  }
0x1a9: {  	v7 =	vadd.f32 v60, v10  }
0x1aa: {  	v1 =	vmax.f32 v1, $0.0e+00;
	v2 =	vadd.f32 v62, v2  }
0x1ab: {  	[tilespmem:s25+$0xFFFFFF80] =	vst v1;
	v1 =	vmax.f32 v7, $0.0e+00;
	v4 =	vadd.f32 v63, v61  }
0x1ac: {  	[tilespmem:s18+$0x0] =	vst v1;
	v1 =	vmax.f32 v2, $0.0e+00;
	v2 =	vadd.f32 v3, v9  }
0x1ad: {  	s24 =	sadd.s32 $0x1, s24;
	[tilespmem:s18+$0xFFFFFF80] =	vst v1;
	v1 =	vmax.f32 v4, $0.0e+00  }
0x1ae: {  	p0 =	sne.s32 s24, s19;
	[tilespmem:s26+$0x0] =	vst v1;
	v1 =	vmax.f32 v2, $0.0e+00  }
.Ltmp3:
0x1af: {  	[tilespmem:s26+$0xFFFFFF80] =	vst v1;
	(pc) =	sbr.rel @p0 .LBB2_4-.Ltmp3, $4  }
0x1b0: {  	_ =	swait.ge [sflag:s15], $0x60  }
0x1b1: {  	[sflag:s15] =	ssyncset.done $0x0  }
0x1b2: {  	s5 =	simm.s32 $0x13D80;
	s29 =	simm.s32 $0x16E00;
	[sflag:s15] =	ssyncadd.s32 $0xFFFFFFA0  }
0x1b3: {  	[spmem:s3] =	stream.indirect.scatter.add.f32 [tilespmem:s29], [sflag:$0x8], $0x80, s5, s31, $0xb8;
	[tilespmem:$0x1FE00] =	vst v63  }
0x1b4: {  	s5 =	simm.s32 $0x8  }
0x1b5: {  	_ =	swait.ge [sflag:s5], $0x3000  }
0x1b6: {  	[sflag:s5] =	ssyncset.done $0x0  }
0x1b7: {  	[sflag:s5] =	ssyncadd.s32 $0xFFFFD000  }
0x1b8: {  	s26 =	stileid.u32;
	[bflag:$0x0] =	sbarrier.arrive $0xFFFF  }
0x1b9: {  	s18 =	simm.s32 $0xB;
	s5 =	sshll.u32 s26, $0x6;
	s17 =	rddreg [dreg:$0x6]  }
0x1ba: {  	s5 =	sor.u32 $0x1C0B, s5;
	s16 =	rddreg [dreg:$0x10];
	s8 =	sshrl.u32 s17, $0x3  }
0x1bb: {  	[hbm:s16], [sflag:s5] =	dma.local [spmem:s8], $0x2780  }
0x1bc: {  	_ =	swait.ge [sflag:s18], $0x2780  }
0x1bd: {  	s28 =	rddreg [dreg:$0x5]  }
0x1be: {  	s29 =	rddreg [dreg:$0x11];
	s16 =	sadd.s32 $0x1, s28  }
0x1bf: {  	p0 =	sne.s32 s16, s29  }
.Ltmp4:
0x1c0: {  	_ = 	snop;
	(pc) =	sbr.rel @p0 .LBB2_1-.Ltmp4, $3  }
0x1c1: {  	_ =	sdelay $0x1  }
0x1c2: {  	[sflag:s18] =	ssyncset.done $0x0  }
0x1c3: {  	[sflag:s18] =	ssyncadd.s32 $0xFFFFD880  }
0x1c4: {  	_ =	sfence.sel $0x180000  }
0x1c5: {  	[bflag:$0x0] =	sbarrier.arrive $0xFFFF  }
0x1c6: {  	_ =	strace $0x90000047  }
0x1c7: {  	s0 =	stileid.u32;
	[bflag:$0x2] =	sbarrier.arrive $0xFFFF  }
0x1c8: {  	p0 =	sne.s32 s0, $0x0;
	s0 =	rddreg [dreg:$0x4]  }
0x1c9: {  	s0 =	sadd.s32 @!p0 $0x100000, s0  }
0x1ca: {  	[sflag:s0] =	ssyncadd.tile.s32 @!p0 $0x1;
	_ =	shalt  }
.Lfunc_end2:
_tile_overlayer_lowered:
.L_overlay_start_2:
0x1cb: {  	(tag) =	ssettag $0x2  }
0x1cc: {  	s0 =	rddreg [dreg:$0x0];
	s2 =	stileid.u32  }
0x1cd: {  	s1 =	rddreg [dreg:$0x1];
	p0 =	sne.s32 s2, $0x0  }
0x1ce: {  	s3 =	rddreg [dreg:$0x2];
	[bflag:$0x3] =	sbarrier.arrive $0xFFFF;
	s2 =	simm.s32 @!p0 $0x1C0B  }
0x1cf: {  	[timem:s3], [sflag:s2] =	dma.local @!p0 [hbm:s0], s1  }
0x1d0: {  	s0 =	simm.s32 @!p0 $0xB  }
0x1d1: {  	_ =	swait.ge @!p0 [sflag:s0], s1  }
0x1d2: {  	s1 =	ssub.s32 @!p0 $0x0, s1;
	[sflag:s0] =	ssyncset.done @!p0 $0x0  }
0x1d3: {  	[sflag:s0] =	ssyncadd.s32 @!p0 s1  }
0x1d4: {  	[bflag:$0x3] =	sbarrier.arrive $0xFFFF  }
0x1d5: {  	_ =	shalt  }

</sc_bundles>
